<compile_context>
chip_gen: v7x
topology: tpu7x:2x2x1
jax: 0.10.2.dev20260603
libtpu: 0.0.44.dev20260713+nightly
codegen_flags: <defaults>
</compile_context>

<pallas_src>
import functools

import jax
import jax.numpy as jnp
from jax import lax
from jax.experimental import pallas as pl
from jax.experimental.pallas import tpu as pltpu
from jax.experimental.pallas import tpu_sc as plsc

N = 10000
E = 320000
NUM_GRAPHS = 64
NP1 = N + 1
NP2 = 10112
ROWS_PER_TILE = NP2 // 16
K = 128
NW = 32
CH_TOT = 158
E_PAD = 16 * CH_TOT * K
E_ALLOC = E_PAD + K
CH_SPLIT_128 = (131, 27)
CH_SPLIT_64 = (97, 61)

_PIECES = ((0, 128), (128, 128), (256, 128), (384, 128), (512, 120))


def _seg_sum_sc(h_pad, src_1d, dst_1d, zrows, ch_split):
    d = h_pad.shape[1]
    ch0, ch1 = ch_split
    mesh = plsc.VectorSubcoreMesh(core_axis_name="c", subcore_axis_name="s")

    @functools.partial(
        pl.kernel,
        out_type=jax.ShapeDtypeStruct((2 * NP2, d), jnp.float32),
        mesh=mesh,
        scratch_types=[
            pltpu.VMEM((K,), jnp.int32),
            pltpu.VMEM((K,), jnp.int32),
            pltpu.VMEM((K,), jnp.int32),
            pltpu.VMEM((K,), jnp.int32),
            pltpu.VMEM((K, d), jnp.float32),
            pltpu.VMEM((K, d), jnp.float32),
            pltpu.VMEM_SHARED((NP2, d), jnp.float32),
            pltpu.SemaphoreType.DMA,
            pltpu.SemaphoreType.DMA,
            pltpu.SemaphoreType.DMA,
            pltpu.SemaphoreType.DMA,
        ],
        compiler_params=pltpu.CompilerParams(use_tc_tiling_on_sc=False),
    )
    def k(h_hbm, src_hbm, dst_hbm, z_hbm, out_hbm, sa, da, sb, db,
          rows_a, rows_b, agg_sh, si_a, si_b, sg_a, sg_b):
        c = lax.axis_index("c")
        s = lax.axis_index("s")
        r0 = s * ROWS_PER_TILE

        pltpu.sync_copy(z_hbm.at[pl.ds(0, K)], rows_a)
        for t, sz in _PIECES:
            pltpu.sync_copy(rows_a.at[pl.ds(0, sz)],
                            agg_sh.at[pl.ds(r0 + t, sz)])
        plsc.subcore_barrier()

        base = jnp.where(c == 0, s * (ch0 * K),
                         16 * (ch0 * K) + s * (ch1 * K))
        npair = jnp.where(c == 0, (ch0 - 1) // 2, (ch1 - 1) // 2)

        def _off(j):
            return pl.multiple_of(base + j * K, K)

        def _idx_start(j, sref, dref, sem):
            pltpu.async_copy(src_hbm.at[pl.ds(_off(j), K)], sref, sem)
            pltpu.async_copy(dst_hbm.at[pl.ds(_off(j), K)], dref, sem)

        def _idx_wait(sref, dref, sem):
            pltpu.make_async_copy(src_hbm.at[pl.ds(0, K)], sref, sem).wait()
            pltpu.make_async_copy(dst_hbm.at[pl.ds(0, K)], dref, sem).wait()

        pltpu.sync_copy(src_hbm.at[pl.ds(_off(0), K)], sa)
        pltpu.sync_copy(dst_hbm.at[pl.ds(_off(0), K)], da)
        pltpu.async_copy(h_hbm.at[sa], rows_a, sg_a)
        _idx_start(1, sb, db, si_b)

        def pair(i, carry):
            ja = 2 * i
            _idx_wait(sb, db, si_b)
            pltpu.async_copy(h_hbm.at[sb], rows_b, sg_b)
            pltpu.make_async_copy(h_hbm.at[sa], rows_a, sg_a).wait()
            pltpu.sync_copy(rows_a, agg_sh.at[da], add=True)
            _idx_start(ja + 2, sa, da, si_a)
            _idx_wait(sa, da, si_a)
            pltpu.async_copy(h_hbm.at[sa], rows_a, sg_a)
            pltpu.make_async_copy(h_hbm.at[sb], rows_b, sg_b).wait()
            pltpu.sync_copy(rows_b, agg_sh.at[db], add=True)
            _idx_start(ja + 3, sb, db, si_b)
            return carry

        lax.fori_loop(0, npair, pair, 0)
        pltpu.make_async_copy(h_hbm.at[sa], rows_a, sg_a).wait()
        pltpu.sync_copy(rows_a, agg_sh.at[da], add=True)
        _idx_wait(sb, db, si_b)
        plsc.subcore_barrier()

        out0 = c * NP2 + r0
        for t, sz in _PIECES:
            pltpu.sync_copy(agg_sh.at[pl.ds(r0 + t, sz)],
                            out_hbm.at[pl.ds(out0 + t, sz)])

    return k(h_pad, src_1d, dst_1d, zrows)


def _layer_tc(h_pad, aggs, W1, b1, W2, b2, g, be, relu_out):
    dout = W1.shape[1]

    def body(h_ref, agg_ref, w1_ref, b1_ref, w2_ref, b2_ref, g_ref, be_ref,
             o_ref):
        m = h_ref[0:N, :] + agg_ref[0:N, :] + agg_ref[NP2:NP2 + N, :]
        a = jnp.dot(m, w1_ref[...], preferred_element_type=jnp.float32)
        a = jnp.maximum(a + b1_ref[...], 0.0)
        t = jnp.dot(a, w2_ref[...], preferred_element_type=jnp.float32)
        t = t + b2_ref[...]
        mu = jnp.mean(t, axis=0, keepdims=True)
        var = jnp.mean((t - mu) ** 2, axis=0, keepdims=True)
        hn = (t - mu) / jnp.sqrt(var + 1e-5) * g_ref[...] + be_ref[...]
        if relu_out:
            hn = jnp.maximum(hn, 0.0)
        o_ref[0:N, :] = hn
        o_ref[N:NP1, :] = jnp.zeros((1, dout), jnp.float32)

    return pl.pallas_call(
        body,
        out_shape=jax.ShapeDtypeStruct((NP1, dout), jnp.float32),
    )(h_pad, aggs, W1, b1.reshape(1, dout), W2, b2.reshape(1, dout),
      g.reshape(1, dout), be.reshape(1, dout))


def _softmax_tc(h3, batch2d, w_row, b_lin):
    n = N

    def body(h_ref, b_ref, w_ref, bl_ref, o_ref):
        z = jnp.sum(h_ref[0:N, :] * w_ref[...], axis=1, keepdims=True)
        z = (z + bl_ref[...]) / 5.0
        gid = lax.broadcasted_iota(jnp.int32, (n, NUM_GRAPHS), 1)
        oh = b_ref[...] == gid
        zb = jnp.where(oh, z, -jnp.inf)
        seg_max = jnp.max(zb, axis=0, keepdims=True)
        seg_max = jnp.where(jnp.isfinite(seg_max), seg_max, 0.0)
        node_max = jnp.sum(jnp.where(oh, seg_max, 0.0), axis=1, keepdims=True)
        ez = jnp.exp(z - node_max)
        seg_sum = jnp.sum(jnp.where(oh, ez, 0.0), axis=0, keepdims=True)
        node_den = jnp.sum(jnp.where(oh, seg_sum, 0.0), axis=1, keepdims=True)
        o_ref[...] = ez / (node_den + 1e-16)

    return pl.pallas_call(
        body,
        out_shape=jax.ShapeDtypeStruct((n, 1), jnp.float32),
    )(h3, batch2d, w_row, b_lin.reshape(1, 1))


def kernel(x, edge_index, batch, W1_0, b1_0, W2_0, b2_0, gamma_0, beta_0,
           W1_1, b1_1, W2_1, b2_1, gamma_1, beta_1,
           W1_2, b1_2, W2_2, b2_2, gamma_2, beta_2, W_lin, b_lin):
    src = edge_index[0].astype(jnp.int32)
    dst = edge_index[1].astype(jnp.int32)
    npad = E_ALLOC - E
    src_fill = jnp.full((npad,), N, dtype=jnp.int32)
    dst_fill = (N + 1 + jnp.arange(npad, dtype=jnp.int32) % (NP2 - N - 1))
    src_all = jnp.concatenate([src, src_fill])
    dst_all = jnp.concatenate([dst, dst_fill])

    layer_params = [
        (W1_0, b1_0, W2_0, b2_0, gamma_0, beta_0),
        (W1_1, b1_1, W2_1, b2_1, gamma_1, beta_1),
        (W1_2, b1_2, W2_2, b2_2, gamma_2, beta_2),
    ]

    h = jnp.concatenate([x, jnp.zeros((1, x.shape[1]), jnp.float32)])
    for i in range(3):
        d = h.shape[1]
        zrows = jnp.zeros((K, d), jnp.float32)
        aggs = _seg_sum_sc(h, src_all, dst_all, zrows,
                           CH_SPLIT_128 if d == 128 else CH_SPLIT_64)
        W1, b1, W2, b2, g, be = layer_params[i]
        h = _layer_tc(h, aggs, W1, b1, W2, b2, g, be, relu_out=(i != 2))

    return _softmax_tc(h, batch.astype(jnp.int32).reshape(N, 1),
                       W_lin.reshape(1, 32), b_lin)

# --- scband reference (transcript-rebuilt; emitter-appended) ---
"""Pipeline reference for scband-explainer-72069551227425 (READ-ONLY COPY).

The authoritative reference and input builder live on the scoring server;
editing this copy changes nothing except your own understanding.
"""

import jax, jax.numpy as jnp
import numpy as np

N = 10000
E = 320000
NUM_GRAPHS = 64
DIMS = [128, 128, 64, 32]


def setup_inputs(seed: int = 0):
    key = jax.random.key(seed)
    ks = jax.random.split(key, 24)
    inp = {}
    inp["x"] = jax.random.normal(ks[0], (N, DIMS[0]), dtype=jnp.float32)
    inp["edge_index"] = jax.random.randint(ks[1], (2, E), 0, N)
    inp["batch"] = jnp.sort(jax.random.randint(ks[2], (N,), 0, NUM_GRAPHS))
    ki = 3
    for i in range(3):
        din, dout = DIMS[i], DIMS[i + 1]
        inp[f"W1_{i}"] = jax.random.normal(ks[ki], (din, dout), dtype=jnp.float32) / np.sqrt(din); ki += 1
        inp[f"b1_{i}"] = jnp.zeros((dout,), dtype=jnp.float32)
        inp[f"W2_{i}"] = jax.random.normal(ks[ki], (dout, dout), dtype=jnp.float32) / np.sqrt(dout); ki += 1
        inp[f"b2_{i}"] = jnp.zeros((dout,), dtype=jnp.float32)
        inp[f"gamma_{i}"] = jnp.ones((dout,), dtype=jnp.float32)
        inp[f"beta_{i}"] = jnp.zeros((dout,), dtype=jnp.float32)
    inp["W_lin"] = jax.random.normal(ks[ki], (32, 1), dtype=jnp.float32) / np.sqrt(32.0)
    inp["b_lin"] = jnp.zeros((1,), dtype=jnp.float32)
    return inp


def _bn(h, g, b):
    m = jnp.mean(h, axis=0)
    v = jnp.mean((h - m) ** 2, axis=0)
    return (h - m) / jnp.sqrt(v + 1e-5) * g + b


def _forward(x, edge_index, batch, layer_params, lin_params):
    src = edge_index[0]
    dst = edge_index[1]
    h = x
    for i in range(3):
        W1, b1, W2, b2, g, be = layer_params[i]
        agg = jax.ops.segment_sum(h[src], dst, num_segments=N)
        m = h + agg  # GINConv with eps=0: (1+eps)*x + sum_{j in N(i)} x_j
        m = jnp.maximum(m @ W1 + b1, 0.0)
        m = m @ W2 + b2
        h = _bn(m, g, be)
        if i != 2:
            h = jnp.maximum(h, 0.0)
        # dropout with drop_ratio=0.0 is identity
    W_lin, b_lin = lin_params
    logit = h @ W_lin + b_lin
    z = logit / 5.0
    seg_max = jax.ops.segment_max(z, batch, num_segments=NUM_GRAPHS)
    seg_max = jnp.where(jnp.isfinite(seg_max), seg_max, 0.0)
    ez = jnp.exp(z - seg_max[batch])
    denom = jax.ops.segment_sum(ez, batch, num_segments=NUM_GRAPHS)[batch]
    return ez / (denom + 1e-16)


def reference(x, edge_index, batch, W1_0, b1_0, W2_0, b2_0, gamma_0, beta_0,
              W1_1, b1_1, W2_1, b2_1, gamma_1, beta_1,
              W1_2, b1_2, W2_2, b2_2, gamma_2, beta_2, W_lin, b_lin):
    layer_params = [
        (W1_0, b1_0, W2_0, b2_0, gamma_0, beta_0),
        (W1_1, b1_1, W2_1, b2_1, gamma_1, beta_1),
        (W1_2, b1_2, W2_2, b2_2, gamma_2, beta_2),
    ]
    return _forward(x, edge_index, batch, layer_params, (W_lin, b_lin))

if __name__ == "__main__":
    import jax
    _d = setup_inputs()
    print(jax.jit(kernel)(*tuple(_d.values())))

</pallas_src>

<mosaic_0001>
#map = affine_map<(d0, d1) -> (0, 0)>
#map1 = affine_map<(d0, d1) -> (0)>
module attributes {stable_mosaic.version = 14 : i64} {
  func.func @k(%arg0: i32, %arg1: i32, %arg2: memref<10001x128xf32, #tpu.memory_space<hbm>>, %arg3: memref<323712xi32, #tpu.memory_space<hbm>>, %arg4: memref<323712xi32, #tpu.memory_space<hbm>>, %arg5: memref<128x128xf32, #tpu.memory_space<hbm>>, %arg6: memref<20224x128xf32, #tpu.memory_space<hbm>>, %arg7: memref<128xi32, #tpu.memory_space<vmem>>, %arg8: memref<128xi32, #tpu.memory_space<vmem>>, %arg9: memref<128xi32, #tpu.memory_space<vmem>>, %arg10: memref<128xi32, #tpu.memory_space<vmem>>, %arg11: memref<128x128xf32, #tpu.memory_space<vmem>>, %arg12: memref<128x128xf32, #tpu.memory_space<vmem>>, %arg13: memref<10112x128xf32, #tpu.memory_space<vmem_shared>>, %arg14: memref<!tpu.dma_semaphore, #tpu.memory_space<semaphore_mem>>, %arg15: memref<!tpu.dma_semaphore, #tpu.memory_space<semaphore_mem>>, %arg16: memref<!tpu.dma_semaphore, #tpu.memory_space<semaphore_mem>>, %arg17: memref<!tpu.dma_semaphore, #tpu.memory_space<semaphore_mem>>) attributes {dimension_semantics = [#tpu.dimension_semantics<core_parallel>, #tpu.dimension_semantics<subcore_parallel>], iteration_bounds = array<i64: 2, 16>, scalar_prefetch = 0 : i64, scratch_operands = 11 : i64, tpu.core_type = #tpu.core_type<sc_vector_subcore>, window_params = [{transform_indices = #map}, {transform_indices = #map1}, {transform_indices = #map1}, {transform_indices = #map}, {transform_indices = #map}]} {
    %mul3A = arith.constant 632 : i32
    %mul3A_0 = arith.muli %arg1, %mul3A : i32
    "tpu.region"() ({
      %run_scoped3A = tpu.sem_alloc : memref<!tpu.dma_semaphore, #tpu.memory_space<semaphore_mem>>
      %dma_start3A_81 = arith.constant 0 : i32
      %dma_start3A_82 = arith.constant 0 : i32
      %dma_start3A_83 = tpu.memref_slice %arg5[%dma_start3A_81, %dma_start3A_82] : memref<128x128xf32, #tpu.memory_space<hbm>> -> memref<128x128xf32, #tpu.memory_space<hbm>>
      %dma_start3A_84 = arith.constant 0 : i32
      %dma_start3A_85 = arith.constant 0 : i32
      %dma_start3A_86 = tpu.memref_slice %arg5[%dma_start3A_84, %dma_start3A_85] : memref<128x128xf32, #tpu.memory_space<hbm>> -> memref<128x128xf32, #tpu.memory_space<hbm>>
      tpu.enqueue_dma source(%dma_start3A_86 : memref<128x128xf32, #tpu.memory_space<hbm>>) target(%arg11 : memref<128x128xf32, #tpu.memory_space<vmem>>) target_semaphore(%run_scoped3A : memref<!tpu.dma_semaphore, #tpu.memory_space<semaphore_mem>>)
      %dma_wait3A_87 = arith.constant 0 : i32
      %dma_wait3A_88 = arith.constant 0 : i32
      %dma_wait3A_89 = tpu.memref_slice %arg5[%dma_wait3A_87, %dma_wait3A_88] : memref<128x128xf32, #tpu.memory_space<hbm>> -> memref<128x128xf32, #tpu.memory_space<hbm>>
      %dma_wait3A_90 = arith.constant 0 : i32
      %dma_wait3A_91 = arith.constant 0 : i32
      %dma_wait3A_92 = tpu.memref_slice %arg5[%dma_wait3A_90, %dma_wait3A_91] : memref<128x128xf32, #tpu.memory_space<hbm>> -> memref<128x128xf32, #tpu.memory_space<hbm>>
      tpu.wait_dma2 semaphore(%run_scoped3A : memref<!tpu.dma_semaphore, #tpu.memory_space<semaphore_mem>>) src(%dma_wait3A_92 : memref<128x128xf32, #tpu.memory_space<hbm>>) dst(%arg11 : memref<128x128xf32, #tpu.memory_space<vmem>>)
      tpu.yield
    }) : () -> ()
    %add3A = arith.constant 0 : i32
    %add3A_1 = arith.addi %mul3A_0, %add3A : i32
    "tpu.region"() ({
      %run_scoped3A = tpu.sem_alloc : memref<!tpu.dma_semaphore, #tpu.memory_space<semaphore_mem>>
      %dma_start3A_81 = arith.constant 0 : i32
      %dma_start3A_82 = arith.constant 0 : i32
      %dma_start3A_83 = tpu.memref_slice %arg11[%dma_start3A_81, %dma_start3A_82] : memref<128x128xf32, #tpu.memory_space<vmem>> -> memref<128x128xf32, #tpu.memory_space<vmem>>
      %dma_start3A_84 = arith.constant 0 : i32
      %dma_start3A_85 = tpu.memref_slice %arg13[%add3A_1, %dma_start3A_84] : memref<10112x128xf32, #tpu.memory_space<vmem_shared>> -> memref<128x128xf32, #tpu.memory_space<vmem_shared>>
      %dma_start3A_86 = arith.constant 0 : i32
      %dma_start3A_87 = tpu.memref_slice %arg13[%add3A_1, %dma_start3A_86] : memref<10112x128xf32, #tpu.memory_space<vmem_shared>> -> memref<128x128xf32, #tpu.memory_space<vmem_shared>>
      %dma_start3A_88 = arith.constant 0 : i32
      %dma_start3A_89 = arith.constant 0 : i32
      %dma_start3A_90 = tpu.memref_slice %arg11[%dma_start3A_88, %dma_start3A_89] : memref<128x128xf32, #tpu.memory_space<vmem>> -> memref<128x128xf32, #tpu.memory_space<vmem>>
      tpu.enqueue_dma source(%dma_start3A_90 : memref<128x128xf32, #tpu.memory_space<vmem>>) target(%dma_start3A_87 : memref<128x128xf32, #tpu.memory_space<vmem_shared>>) target_semaphore(%run_scoped3A : memref<!tpu.dma_semaphore, #tpu.memory_space<semaphore_mem>>)
      %dma_wait3A_91 = arith.constant 0 : i32
      %dma_wait3A_92 = arith.constant 0 : i32
      %dma_wait3A_93 = tpu.memref_slice %arg11[%dma_wait3A_91, %dma_wait3A_92] : memref<128x128xf32, #tpu.memory_space<vmem>> -> memref<128x128xf32, #tpu.memory_space<vmem>>
      %dma_wait3A_94 = arith.constant 0 : i32
      %dma_wait3A_95 = tpu.memref_slice %arg13[%add3A_1, %dma_wait3A_94] : memref<10112x128xf32, #tpu.memory_space<vmem_shared>> -> memref<128x128xf32, #tpu.memory_space<vmem_shared>>
      %dma_wait3A_96 = arith.constant 0 : i32
      %dma_wait3A_97 = tpu.memref_slice %arg13[%add3A_1, %dma_wait3A_96] : memref<10112x128xf32, #tpu.memory_space<vmem_shared>> -> memref<128x128xf32, #tpu.memory_space<vmem_shared>>
      %dma_wait3A_98 = arith.constant 0 : i32
      %dma_wait3A_99 = arith.constant 0 : i32
      %dma_wait3A_100 = tpu.memref_slice %arg11[%dma_wait3A_98, %dma_wait3A_99] : memref<128x128xf32, #tpu.memory_space<vmem>> -> memref<128x128xf32, #tpu.memory_space<vmem>>
      tpu.wait_dma2 semaphore(%run_scoped3A : memref<!tpu.dma_semaphore, #tpu.memory_space<semaphore_mem>>) src(%dma_wait3A_100 : memref<128x128xf32, #tpu.memory_space<vmem>>) dst(%dma_wait3A_97 : memref<128x128xf32, #tpu.memory_space<vmem_shared>>)
      tpu.yield
    }) : () -> ()
    %add3A_2 = arith.constant 128 : i32
    %add3A_3 = arith.addi %mul3A_0, %add3A_2 : i32
    "tpu.region"() ({
      %run_scoped3A = tpu.sem_alloc : memref<!tpu.dma_semaphore, #tpu.memory_space<semaphore_mem>>
      %dma_start3A_81 = arith.constant 0 : i32
      %dma_start3A_82 = arith.constant 0 : i32
      %dma_start3A_83 = tpu.memref_slice %arg11[%dma_start3A_81, %dma_start3A_82] : memref<128x128xf32, #tpu.memory_space<vmem>> -> memref<128x128xf32, #tpu.memory_space<vmem>>
      %dma_start3A_84 = arith.constant 0 : i32
      %dma_start3A_85 = tpu.memref_slice %arg13[%add3A_3, %dma_start3A_84] : memref<10112x128xf32, #tpu.memory_space<vmem_shared>> -> memref<128x128xf32, #tpu.memory_space<vmem_shared>>
      %dma_start3A_86 = arith.constant 0 : i32
      %dma_start3A_87 = tpu.memref_slice %arg13[%add3A_3, %dma_start3A_86] : memref<10112x128xf32, #tpu.memory_space<vmem_shared>> -> memref<128x128xf32, #tpu.memory_space<vmem_shared>>
      %dma_start3A_88 = arith.constant 0 : i32
      %dma_start3A_89 = arith.constant 0 : i32
      %dma_start3A_90 = tpu.memref_slice %arg11[%dma_start3A_88, %dma_start3A_89] : memref<128x128xf32, #tpu.memory_space<vmem>> -> memref<128x128xf32, #tpu.memory_space<vmem>>
      tpu.enqueue_dma source(%dma_start3A_90 : memref<128x128xf32, #tpu.memory_space<vmem>>) target(%dma_start3A_87 : memref<128x128xf32, #tpu.memory_space<vmem_shared>>) target_semaphore(%run_scoped3A : memref<!tpu.dma_semaphore, #tpu.memory_space<semaphore_mem>>)
      %dma_wait3A_91 = arith.constant 0 : i32
      %dma_wait3A_92 = arith.constant 0 : i32
      %dma_wait3A_93 = tpu.memref_slice %arg11[%dma_wait3A_91, %dma_wait3A_92] : memref<128x128xf32, #tpu.memory_space<vmem>> -> memref<128x128xf32, #tpu.memory_space<vmem>>
      %dma_wait3A_94 = arith.constant 0 : i32
      %dma_wait3A_95 = tpu.memref_slice %arg13[%add3A_3, %dma_wait3A_94] : memref<10112x128xf32, #tpu.memory_space<vmem_shared>> -> memref<128x128xf32, #tpu.memory_space<vmem_shared>>
      %dma_wait3A_96 = arith.constant 0 : i32
      %dma_wait3A_97 = tpu.memref_slice %arg13[%add3A_3, %dma_wait3A_96] : memref<10112x128xf32, #tpu.memory_space<vmem_shared>> -> memref<128x128xf32, #tpu.memory_space<vmem_shared>>
      %dma_wait3A_98 = arith.constant 0 : i32
      %dma_wait3A_99 = arith.constant 0 : i32
      %dma_wait3A_100 = tpu.memref_slice %arg11[%dma_wait3A_98, %dma_wait3A_99] : memref<128x128xf32, #tpu.memory_space<vmem>> -> memref<128x128xf32, #tpu.memory_space<vmem>>
      tpu.wait_dma2 semaphore(%run_scoped3A : memref<!tpu.dma_semaphore, #tpu.memory_space<semaphore_mem>>) src(%dma_wait3A_100 : memref<128x128xf32, #tpu.memory_space<vmem>>) dst(%dma_wait3A_97 : memref<128x128xf32, #tpu.memory_space<vmem_shared>>)
      tpu.yield
    }) : () -> ()
    %add3A_4 = arith.constant 256 : i32
    %add3A_5 = arith.addi %mul3A_0, %add3A_4 : i32
    "tpu.region"() ({
      %run_scoped3A = tpu.sem_alloc : memref<!tpu.dma_semaphore, #tpu.memory_space<semaphore_mem>>
      %dma_start3A_81 = arith.constant 0 : i32
      %dma_start3A_82 = arith.constant 0 : i32
      %dma_start3A_83 = tpu.memref_slice %arg11[%dma_start3A_81, %dma_start3A_82] : memref<128x128xf32, #tpu.memory_space<vmem>> -> memref<128x128xf32, #tpu.memory_space<vmem>>
      %dma_start3A_84 = arith.constant 0 : i32
      %dma_start3A_85 = tpu.memref_slice %arg13[%add3A_5, %dma_start3A_84] : memref<10112x128xf32, #tpu.memory_space<vmem_shared>> -> memref<128x128xf32, #tpu.memory_space<vmem_shared>>
      %dma_start3A_86 = arith.constant 0 : i32
      %dma_start3A_87 = tpu.memref_slice %arg13[%add3A_5, %dma_start3A_86] : memref<10112x128xf32, #tpu.memory_space<vmem_shared>> -> memref<128x128xf32, #tpu.memory_space<vmem_shared>>
      %dma_start3A_88 = arith.constant 0 : i32
      %dma_start3A_89 = arith.constant 0 : i32
      %dma_start3A_90 = tpu.memref_slice %arg11[%dma_start3A_88, %dma_start3A_89] : memref<128x128xf32, #tpu.memory_space<vmem>> -> memref<128x128xf32, #tpu.memory_space<vmem>>
      tpu.enqueue_dma source(%dma_start3A_90 : memref<128x128xf32, #tpu.memory_space<vmem>>) target(%dma_start3A_87 : memref<128x128xf32, #tpu.memory_space<vmem_shared>>) target_semaphore(%run_scoped3A : memref<!tpu.dma_semaphore, #tpu.memory_space<semaphore_mem>>)
      %dma_wait3A_91 = arith.constant 0 : i32
      %dma_wait3A_92 = arith.constant 0 : i32
      %dma_wait3A_93 = tpu.memref_slice %arg11[%dma_wait3A_91, %dma_wait3A_92] : memref<128x128xf32, #tpu.memory_space<vmem>> -> memref<128x128xf32, #tpu.memory_space<vmem>>
      %dma_wait3A_94 = arith.constant 0 : i32
      %dma_wait3A_95 = tpu.memref_slice %arg13[%add3A_5, %dma_wait3A_94] : memref<10112x128xf32, #tpu.memory_space<vmem_shared>> -> memref<128x128xf32, #tpu.memory_space<vmem_shared>>
      %dma_wait3A_96 = arith.constant 0 : i32
      %dma_wait3A_97 = tpu.memref_slice %arg13[%add3A_5, %dma_wait3A_96] : memref<10112x128xf32, #tpu.memory_space<vmem_shared>> -> memref<128x128xf32, #tpu.memory_space<vmem_shared>>
      %dma_wait3A_98 = arith.constant 0 : i32
      %dma_wait3A_99 = arith.constant 0 : i32
      %dma_wait3A_100 = tpu.memref_slice %arg11[%dma_wait3A_98, %dma_wait3A_99] : memref<128x128xf32, #tpu.memory_space<vmem>> -> memref<128x128xf32, #tpu.memory_space<vmem>>
      tpu.wait_dma2 semaphore(%run_scoped3A : memref<!tpu.dma_semaphore, #tpu.memory_space<semaphore_mem>>) src(%dma_wait3A_100 : memref<128x128xf32, #tpu.memory_space<vmem>>) dst(%dma_wait3A_97 : memref<128x128xf32, #tpu.memory_space<vmem_shared>>)
      tpu.yield
    }) : () -> ()
    %add3A_6 = arith.constant 384 : i32
    %add3A_7 = arith.addi %mul3A_0, %add3A_6 : i32
    "tpu.region"() ({
      %run_scoped3A = tpu.sem_alloc : memref<!tpu.dma_semaphore, #tpu.memory_space<semaphore_mem>>
      %dma_start3A_81 = arith.constant 0 : i32
      %dma_start3A_82 = arith.constant 0 : i32
      %dma_start3A_83 = tpu.memref_slice %arg11[%dma_start3A_81, %dma_start3A_82] : memref<128x128xf32, #tpu.memory_space<vmem>> -> memref<128x128xf32, #tpu.memory_space<vmem>>
      %dma_start3A_84 = arith.constant 0 : i32
      %dma_start3A_85 = tpu.memref_slice %arg13[%add3A_7, %dma_start3A_84] : memref<10112x128xf32, #tpu.memory_space<vmem_shared>> -> memref<128x128xf32, #tpu.memory_space<vmem_shared>>
      %dma_start3A_86 = arith.constant 0 : i32
      %dma_start3A_87 = tpu.memref_slice %arg13[%add3A_7, %dma_start3A_86] : memref<10112x128xf32, #tpu.memory_space<vmem_shared>> -> memref<128x128xf32, #tpu.memory_space<vmem_shared>>
      %dma_start3A_88 = arith.constant 0 : i32
      %dma_start3A_89 = arith.constant 0 : i32
      %dma_start3A_90 = tpu.memref_slice %arg11[%dma_start3A_88, %dma_start3A_89] : memref<128x128xf32, #tpu.memory_space<vmem>> -> memref<128x128xf32, #tpu.memory_space<vmem>>
      tpu.enqueue_dma source(%dma_start3A_90 : memref<128x128xf32, #tpu.memory_space<vmem>>) target(%dma_start3A_87 : memref<128x128xf32, #tpu.memory_space<vmem_shared>>) target_semaphore(%run_scoped3A : memref<!tpu.dma_semaphore, #tpu.memory_space<semaphore_mem>>)
      %dma_wait3A_91 = arith.constant 0 : i32
      %dma_wait3A_92 = arith.constant 0 : i32
      %dma_wait3A_93 = tpu.memref_slice %arg11[%dma_wait3A_91, %dma_wait3A_92] : memref<128x128xf32, #tpu.memory_space<vmem>> -> memref<128x128xf32, #tpu.memory_space<vmem>>
      %dma_wait3A_94 = arith.constant 0 : i32
      %dma_wait3A_95 = tpu.memref_slice %arg13[%add3A_7, %dma_wait3A_94] : memref<10112x128xf32, #tpu.memory_space<vmem_shared>> -> memref<128x128xf32, #tpu.memory_space<vmem_shared>>
      %dma_wait3A_96 = arith.constant 0 : i32
      %dma_wait3A_97 = tpu.memref_slice %arg13[%add3A_7, %dma_wait3A_96] : memref<10112x128xf32, #tpu.memory_space<vmem_shared>> -> memref<128x128xf32, #tpu.memory_space<vmem_shared>>
      %dma_wait3A_98 = arith.constant 0 : i32
      %dma_wait3A_99 = arith.constant 0 : i32
      %dma_wait3A_100 = tpu.memref_slice %arg11[%dma_wait3A_98, %dma_wait3A_99] : memref<128x128xf32, #tpu.memory_space<vmem>> -> memref<128x128xf32, #tpu.memory_space<vmem>>
      tpu.wait_dma2 semaphore(%run_scoped3A : memref<!tpu.dma_semaphore, #tpu.memory_space<semaphore_mem>>) src(%dma_wait3A_100 : memref<128x128xf32, #tpu.memory_space<vmem>>) dst(%dma_wait3A_97 : memref<128x128xf32, #tpu.memory_space<vmem_shared>>)
      tpu.yield
    }) : () -> ()
    %add3A_8 = arith.constant 512 : i32
    %add3A_9 = arith.addi %mul3A_0, %add3A_8 : i32
    "tpu.region"() ({
      %run_scoped3A = tpu.sem_alloc : memref<!tpu.dma_semaphore, #tpu.memory_space<semaphore_mem>>
      %dma_start3A_81 = arith.constant 0 : i32
      %dma_start3A_82 = arith.constant 0 : i32
      %dma_start3A_83 = tpu.memref_slice %arg11[%dma_start3A_81, %dma_start3A_82] : memref<128x128xf32, #tpu.memory_space<vmem>> -> memref<120x128xf32, #tpu.memory_space<vmem>>
      %dma_start3A_84 = arith.constant 0 : i32
      %dma_start3A_85 = tpu.memref_slice %arg13[%add3A_9, %dma_start3A_84] : memref<10112x128xf32, #tpu.memory_space<vmem_shared>> -> memref<120x128xf32, #tpu.memory_space<vmem_shared>>
      %dma_start3A_86 = arith.constant 0 : i32
      %dma_start3A_87 = tpu.memref_slice %arg13[%add3A_9, %dma_start3A_86] : memref<10112x128xf32, #tpu.memory_space<vmem_shared>> -> memref<120x128xf32, #tpu.memory_space<vmem_shared>>
      %dma_start3A_88 = arith.constant 0 : i32
      %dma_start3A_89 = arith.constant 0 : i32
      %dma_start3A_90 = tpu.memref_slice %arg11[%dma_start3A_88, %dma_start3A_89] : memref<128x128xf32, #tpu.memory_space<vmem>> -> memref<120x128xf32, #tpu.memory_space<vmem>>
      tpu.enqueue_dma source(%dma_start3A_90 : memref<120x128xf32, #tpu.memory_space<vmem>>) target(%dma_start3A_87 : memref<120x128xf32, #tpu.memory_space<vmem_shared>>) target_semaphore(%run_scoped3A : memref<!tpu.dma_semaphore, #tpu.memory_space<semaphore_mem>>)
      %dma_wait3A_91 = arith.constant 0 : i32
      %dma_wait3A_92 = arith.constant 0 : i32
      %dma_wait3A_93 = tpu.memref_slice %arg11[%dma_wait3A_91, %dma_wait3A_92] : memref<128x128xf32, #tpu.memory_space<vmem>> -> memref<120x128xf32, #tpu.memory_space<vmem>>
      %dma_wait3A_94 = arith.constant 0 : i32
      %dma_wait3A_95 = tpu.memref_slice %arg13[%add3A_9, %dma_wait3A_94] : memref<10112x128xf32, #tpu.memory_space<vmem_shared>> -> memref<120x128xf32, #tpu.memory_space<vmem_shared>>
      %dma_wait3A_96 = arith.constant 0 : i32
      %dma_wait3A_97 = tpu.memref_slice %arg13[%add3A_9, %dma_wait3A_96] : memref<10112x128xf32, #tpu.memory_space<vmem_shared>> -> memref<120x128xf32, #tpu.memory_space<vmem_shared>>
      %dma_wait3A_98 = arith.constant 0 : i32
      %dma_wait3A_99 = arith.constant 0 : i32
      %dma_wait3A_100 = tpu.memref_slice %arg11[%dma_wait3A_98, %dma_wait3A_99] : memref<128x128xf32, #tpu.memory_space<vmem>> -> memref<120x128xf32, #tpu.memory_space<vmem>>
      tpu.wait_dma2 semaphore(%run_scoped3A : memref<!tpu.dma_semaphore, #tpu.memory_space<semaphore_mem>>) src(%dma_wait3A_100 : memref<120x128xf32, #tpu.memory_space<vmem>>) dst(%dma_wait3A_97 : memref<120x128xf32, #tpu.memory_space<vmem_shared>>)
      tpu.yield
    }) : () -> ()
    %barrier3A = arith.constant 0 : index
    tpu.barrier barrier_id(%barrier3A)
    %eq3A = arith.constant 0 : i32
    %eq3A_10 = arith.cmpi eq, %arg0, %eq3A : i32
    %mul3A_11 = arith.constant 16768 : i32
    %mul3A_12 = arith.muli %arg1, %mul3A_11 : i32
    %mul3A_13 = arith.constant 3456 : i32
    %mul3A_14 = arith.muli %arg1, %mul3A_13 : i32
    %add3A_15 = arith.constant 268288 : i32
    %add3A_16 = arith.addi %add3A_15, %mul3A_14 : i32
    %select_n3A = arith.select %eq3A_10, %mul3A_12, %add3A_16 : i32
    %eq3A_17 = arith.constant 0 : i32
    %eq3A_18 = arith.cmpi eq, %arg0, %eq3A_17 : i32
    %jit3A = arith.constant 65 : i32
    %jit3A_19 = arith.constant 13 : i32
    %select_n3A_20 = arith.select %eq3A_18, %jit3A, %jit3A_19 : i32
    %add3A_21 = arith.constant 0 : i32
    %add3A_22 = arith.addi %select_n3A, %add3A_21 : i32
    %multiple_of3A = tpu.assume_multiple %add3A_22, 128 : i32
    "tpu.region"() ({
      %run_scoped3A = tpu.sem_alloc : memref<!tpu.dma_semaphore, #tpu.memory_space<semaphore_mem>>
      %dma_start3A_81 = tpu.memref_slice %arg3[%multiple_of3A] : memref<323712xi32, #tpu.memory_space<hbm>> -> memref<128xi32, #tpu.memory_space<hbm>>
      %dma_start3A_82 = tpu.memref_slice %arg3[%multiple_of3A] : memref<323712xi32, #tpu.memory_space<hbm>> -> memref<128xi32, #tpu.memory_space<hbm>>
      tpu.enqueue_dma source(%dma_start3A_82 : memref<128xi32, #tpu.memory_space<hbm>>) target(%arg7 : memref<128xi32, #tpu.memory_space<vmem>>) target_semaphore(%run_scoped3A : memref<!tpu.dma_semaphore, #tpu.memory_space<semaphore_mem>>)
      %dma_wait3A_83 = tpu.memref_slice %arg3[%multiple_of3A] : memref<323712xi32, #tpu.memory_space<hbm>> -> memref<128xi32, #tpu.memory_space<hbm>>
      %dma_wait3A_84 = tpu.memref_slice %arg3[%multiple_of3A] : memref<323712xi32, #tpu.memory_space<hbm>> -> memref<128xi32, #tpu.memory_space<hbm>>
      tpu.wait_dma2 semaphore(%run_scoped3A : memref<!tpu.dma_semaphore, #tpu.memory_space<semaphore_mem>>) src(%dma_wait3A_84 : memref<128xi32, #tpu.memory_space<hbm>>) dst(%arg7 : memref<128xi32, #tpu.memory_space<vmem>>)
      tpu.yield
    }) : () -> ()
    %add3A_23 = arith.constant 0 : i32
    %add3A_24 = arith.addi %select_n3A, %add3A_23 : i32
    %multiple_of3A_25 = tpu.assume_multiple %add3A_24, 128 : i32
    "tpu.region"() ({
      %run_scoped3A = tpu.sem_alloc : memref<!tpu.dma_semaphore, #tpu.memory_space<semaphore_mem>>
      %dma_start3A_81 = tpu.memref_slice %arg4[%multiple_of3A_25] : memref<323712xi32, #tpu.memory_space<hbm>> -> memref<128xi32, #tpu.memory_space<hbm>>
      %dma_start3A_82 = tpu.memref_slice %arg4[%multiple_of3A_25] : memref<323712xi32, #tpu.memory_space<hbm>> -> memref<128xi32, #tpu.memory_space<hbm>>
      tpu.enqueue_dma source(%dma_start3A_82 : memref<128xi32, #tpu.memory_space<hbm>>) target(%arg8 : memref<128xi32, #tpu.memory_space<vmem>>) target_semaphore(%run_scoped3A : memref<!tpu.dma_semaphore, #tpu.memory_space<semaphore_mem>>)
      %dma_wait3A_83 = tpu.memref_slice %arg4[%multiple_of3A_25] : memref<323712xi32, #tpu.memory_space<hbm>> -> memref<128xi32, #tpu.memory_space<hbm>>
      %dma_wait3A_84 = tpu.memref_slice %arg4[%multiple_of3A_25] : memref<323712xi32, #tpu.memory_space<hbm>> -> memref<128xi32, #tpu.memory_space<hbm>>
      tpu.wait_dma2 semaphore(%run_scoped3A : memref<!tpu.dma_semaphore, #tpu.memory_space<semaphore_mem>>) src(%dma_wait3A_84 : memref<128xi32, #tpu.memory_space<hbm>>) dst(%arg8 : memref<128xi32, #tpu.memory_space<vmem>>)
      tpu.yield
    }) : () -> ()
    %dma_start3A = arith.constant 0 : i32
    %dma_start3A_26 = arith.constant 0 : i32
    %dma_start3A_27 = tpu.memref_slice %arg2[%dma_start3A, %dma_start3A_26] : memref<10001x128xf32, #tpu.memory_space<hbm>> -> memref<10001x128xf32, #tpu.memory_space<hbm>>
    tpu.enqueue_indirect_dma source(%dma_start3A_27 : memref<10001x128xf32, #tpu.memory_space<hbm>>) target(%arg11 : memref<128x128xf32, #tpu.memory_space<vmem>>) offsets(%arg7 : memref<128xi32, #tpu.memory_space<vmem>>) semaphore(%arg16 : memref<!tpu.dma_semaphore, #tpu.memory_space<semaphore_mem>>)
    %add3A_28 = arith.constant 128 : i32
    %add3A_29 = arith.addi %select_n3A, %add3A_28 : i32
    %multiple_of3A_30 = tpu.assume_multiple %add3A_29, 128 : i32
    %dma_start3A_31 = tpu.memref_slice %arg3[%multiple_of3A_30] : memref<323712xi32, #tpu.memory_space<hbm>> -> memref<128xi32, #tpu.memory_space<hbm>>
    %dma_start3A_32 = tpu.memref_slice %arg3[%multiple_of3A_30] : memref<323712xi32, #tpu.memory_space<hbm>> -> memref<128xi32, #tpu.memory_space<hbm>>
    tpu.enqueue_dma source(%dma_start3A_32 : memref<128xi32, #tpu.memory_space<hbm>>) target(%arg9 : memref<128xi32, #tpu.memory_space<vmem>>) target_semaphore(%arg15 : memref<!tpu.dma_semaphore, #tpu.memory_space<semaphore_mem>>)
    %add3A_33 = arith.constant 128 : i32
    %add3A_34 = arith.addi %select_n3A, %add3A_33 : i32
    %multiple_of3A_35 = tpu.assume_multiple %add3A_34, 128 : i32
    %dma_start3A_36 = tpu.memref_slice %arg4[%multiple_of3A_35] : memref<323712xi32, #tpu.memory_space<hbm>> -> memref<128xi32, #tpu.memory_space<hbm>>
    %dma_start3A_37 = tpu.memref_slice %arg4[%multiple_of3A_35] : memref<323712xi32, #tpu.memory_space<hbm>> -> memref<128xi32, #tpu.memory_space<hbm>>
    tpu.enqueue_dma source(%dma_start3A_37 : memref<128xi32, #tpu.memory_space<hbm>>) target(%arg10 : memref<128xi32, #tpu.memory_space<vmem>>) target_semaphore(%arg15 : memref<!tpu.dma_semaphore, #tpu.memory_space<semaphore_mem>>)
    %while3A = arith.constant 0 : i32
    %while3A_38 = arith.constant 0 : i32
    %while3A_39 = arith.subi %select_n3A_20, %while3A_38 : i32
    %while3A_40 = arith.addi %while3A_38, %while3A_39 : i32
    %while3A_41 = arith.constant 1 : i32
    %while3A_42 = arith.divsi %while3A_39, %while3A_41 : i32
    %while3A_43 = arith.muli %while3A_42, %while3A_41 : i32
    %while3A_44 = arith.addi %while3A_38, %while3A_43 : i32
    %while3A_45 = arith.constant 1 : i32
    scf.for %while3A_81 = %while3A_38 to %while3A_44 step %while3A_45  : i32 {
      %mul3A_82 = arith.constant 2 : i32
      %mul3A_83 = arith.muli %mul3A_82, %while3A_81 : i32
      %dma_wait3A_84 = arith.constant 0 : i32
      %dma_wait3A_85 = tpu.memref_slice %arg3[%dma_wait3A_84] : memref<323712xi32, #tpu.memory_space<hbm>> -> memref<128xi32, #tpu.memory_space<hbm>>
      %dma_wait3A_86 = arith.constant 0 : i32
      %dma_wait3A_87 = tpu.memref_slice %arg3[%dma_wait3A_86] : memref<323712xi32, #tpu.memory_space<hbm>> -> memref<128xi32, #tpu.memory_space<hbm>>
      tpu.wait_dma2 semaphore(%arg15 : memref<!tpu.dma_semaphore, #tpu.memory_space<semaphore_mem>>) src(%dma_wait3A_87 : memref<128xi32, #tpu.memory_space<hbm>>) dst(%arg9 : memref<128xi32, #tpu.memory_space<vmem>>)
      %dma_wait3A_88 = arith.constant 0 : i32
      %dma_wait3A_89 = tpu.memref_slice %arg4[%dma_wait3A_88] : memref<323712xi32, #tpu.memory_space<hbm>> -> memref<128xi32, #tpu.memory_space<hbm>>
      %dma_wait3A_90 = arith.constant 0 : i32
      %dma_wait3A_91 = tpu.memref_slice %arg4[%dma_wait3A_90] : memref<323712xi32, #tpu.memory_space<hbm>> -> memref<128xi32, #tpu.memory_space<hbm>>
      tpu.wait_dma2 semaphore(%arg15 : memref<!tpu.dma_semaphore, #tpu.memory_space<semaphore_mem>>) src(%dma_wait3A_91 : memref<128xi32, #tpu.memory_space<hbm>>) dst(%arg10 : memref<128xi32, #tpu.memory_space<vmem>>)
      %dma_start3A_92 = arith.constant 0 : i32
      %dma_start3A_93 = arith.constant 0 : i32
      %dma_start3A_94 = tpu.memref_slice %arg2[%dma_start3A_92, %dma_start3A_93] : memref<10001x128xf32, #tpu.memory_space<hbm>> -> memref<10001x128xf32, #tpu.memory_space<hbm>>
      tpu.enqueue_indirect_dma source(%dma_start3A_94 : memref<10001x128xf32, #tpu.memory_space<hbm>>) target(%arg12 : memref<128x128xf32, #tpu.memory_space<vmem>>) offsets(%arg9 : memref<128xi32, #tpu.memory_space<vmem>>) semaphore(%arg17 : memref<!tpu.dma_semaphore, #tpu.memory_space<semaphore_mem>>)
      %dma_wait3A_95 = arith.constant 0 : i32
      %dma_wait3A_96 = arith.constant 0 : i32
      %dma_wait3A_97 = tpu.memref_slice %arg2[%dma_wait3A_95, %dma_wait3A_96] : memref<10001x128xf32, #tpu.memory_space<hbm>> -> memref<10001x128xf32, #tpu.memory_space<hbm>>
      tpu.wait_indirect_dma semaphore(%arg16 : memref<!tpu.dma_semaphore, #tpu.memory_space<semaphore_mem>>) src(%dma_wait3A_97 : memref<10001x128xf32, #tpu.memory_space<hbm>>) dst(%arg11 : memref<128x128xf32, #tpu.memory_space<vmem>>)
      "tpu.region"() ({
        %run_scoped3A = tpu.sem_alloc : memref<!tpu.dma_semaphore, #tpu.memory_space<semaphore_mem>>
        %dma_start3A_140 = arith.constant 0 : i32
        %dma_start3A_141 = arith.constant 0 : i32
        %dma_start3A_142 = tpu.memref_slice %arg13[%dma_start3A_140, %dma_start3A_141] : memref<10112x128xf32, #tpu.memory_space<vmem_shared>> -> memref<10112x128xf32, #tpu.memory_space<vmem_shared>>
        tpu.enqueue_indirect_dma source(%arg11 : memref<128x128xf32, #tpu.memory_space<vmem>>) target(%dma_start3A_142 : memref<10112x128xf32, #tpu.memory_space<vmem_shared>>) offsets(%arg8 : memref<128xi32, #tpu.memory_space<vmem>>) semaphore(%run_scoped3A : memref<!tpu.dma_semaphore, #tpu.memory_space<semaphore_mem>>) {add = true}
        %dma_wait3A_143 = arith.constant 0 : i32
        %dma_wait3A_144 = arith.constant 0 : i32
        %dma_wait3A_145 = tpu.memref_slice %arg13[%dma_wait3A_143, %dma_wait3A_144] : memref<10112x128xf32, #tpu.memory_space<vmem_shared>> -> memref<10112x128xf32, #tpu.memory_space<vmem_shared>>
        tpu.wait_indirect_dma semaphore(%run_scoped3A : memref<!tpu.dma_semaphore, #tpu.memory_space<semaphore_mem>>) src(%arg11 : memref<128x128xf32, #tpu.memory_space<vmem>>) dst(%dma_wait3A_145 : memref<10112x128xf32, #tpu.memory_space<vmem_shared>>)
        tpu.yield
      }) : () -> ()
      %add3A_98 = arith.constant 2 : i32
      %add3A_99 = arith.addi %mul3A_83, %add3A_98 : i32
      %mul3A_100 = arith.constant 128 : i32
      %mul3A_101 = arith.muli %add3A_99, %mul3A_100 : i32
      %add3A_102 = arith.addi %select_n3A, %mul3A_101 : i32
      %multiple_of3A_103 = tpu.assume_multiple %add3A_102, 128 : i32
      %dma_start3A_104 = tpu.memref_slice %arg3[%multiple_of3A_103] : memref<323712xi32, #tpu.memory_space<hbm>> -> memref<128xi32, #tpu.memory_space<hbm>>
      %dma_start3A_105 = tpu.memref_slice %arg3[%multiple_of3A_103] : memref<323712xi32, #tpu.memory_space<hbm>> -> memref<128xi32, #tpu.memory_space<hbm>>
      tpu.enqueue_dma source(%dma_start3A_105 : memref<128xi32, #tpu.memory_space<hbm>>) target(%arg7 : memref<128xi32, #tpu.memory_space<vmem>>) target_semaphore(%arg14 : memref<!tpu.dma_semaphore, #tpu.memory_space<semaphore_mem>>)
      %mul3A_106 = arith.constant 128 : i32
      %mul3A_107 = arith.muli %add3A_99, %mul3A_106 : i32
      %add3A_108 = arith.addi %select_n3A, %mul3A_107 : i32
      %multiple_of3A_109 = tpu.assume_multiple %add3A_108, 128 : i32
      %dma_start3A_110 = tpu.memref_slice %arg4[%multiple_of3A_109] : memref<323712xi32, #tpu.memory_space<hbm>> -> memref<128xi32, #tpu.memory_space<hbm>>
      %dma_start3A_111 = tpu.memref_slice %arg4[%multiple_of3A_109] : memref<323712xi32, #tpu.memory_space<hbm>> -> memref<128xi32, #tpu.memory_space<hbm>>
      tpu.enqueue_dma source(%dma_start3A_111 : memref<128xi32, #tpu.memory_space<hbm>>) target(%arg8 : memref<128xi32, #tpu.memory_space<vmem>>) target_semaphore(%arg14 : memref<!tpu.dma_semaphore, #tpu.memory_space<semaphore_mem>>)
      %dma_wait3A_112 = arith.constant 0 : i32
      %dma_wait3A_113 = tpu.memref_slice %arg3[%dma_wait3A_112] : memref<323712xi32, #tpu.memory_space<hbm>> -> memref<128xi32, #tpu.memory_space<hbm>>
      %dma_wait3A_114 = arith.constant 0 : i32
      %dma_wait3A_115 = tpu.memref_slice %arg3[%dma_wait3A_114] : memref<323712xi32, #tpu.memory_space<hbm>> -> memref<128xi32, #tpu.memory_space<hbm>>
      tpu.wait_dma2 semaphore(%arg14 : memref<!tpu.dma_semaphore, #tpu.memory_space<semaphore_mem>>) src(%dma_wait3A_115 : memref<128xi32, #tpu.memory_space<hbm>>) dst(%arg7 : memref<128xi32, #tpu.memory_space<vmem>>)
      %dma_wait3A_116 = arith.constant 0 : i32
      %dma_wait3A_117 = tpu.memref_slice %arg4[%dma_wait3A_116] : memref<323712xi32, #tpu.memory_space<hbm>> -> memref<128xi32, #tpu.memory_space<hbm>>
      %dma_wait3A_118 = arith.constant 0 : i32
      %dma_wait3A_119 = tpu.memref_slice %arg4[%dma_wait3A_118] : memref<323712xi32, #tpu.memory_space<hbm>> -> memref<128xi32, #tpu.memory_space<hbm>>
      tpu.wait_dma2 semaphore(%arg14 : memref<!tpu.dma_semaphore, #tpu.memory_space<semaphore_mem>>) src(%dma_wait3A_119 : memref<128xi32, #tpu.memory_space<hbm>>) dst(%arg8 : memref<128xi32, #tpu.memory_space<vmem>>)
      %dma_start3A_120 = arith.constant 0 : i32
      %dma_start3A_121 = arith.constant 0 : i32
      %dma_start3A_122 = tpu.memref_slice %arg2[%dma_start3A_120, %dma_start3A_121] : memref<10001x128xf32, #tpu.memory_space<hbm>> -> memref<10001x128xf32, #tpu.memory_space<hbm>>
      tpu.enqueue_indirect_dma source(%dma_start3A_122 : memref<10001x128xf32, #tpu.memory_space<hbm>>) target(%arg11 : memref<128x128xf32, #tpu.memory_space<vmem>>) offsets(%arg7 : memref<128xi32, #tpu.memory_space<vmem>>) semaphore(%arg16 : memref<!tpu.dma_semaphore, #tpu.memory_space<semaphore_mem>>)
      %dma_wait3A_123 = arith.constant 0 : i32
      %dma_wait3A_124 = arith.constant 0 : i32
      %dma_wait3A_125 = tpu.memref_slice %arg2[%dma_wait3A_123, %dma_wait3A_124] : memref<10001x128xf32, #tpu.memory_space<hbm>> -> memref<10001x128xf32, #tpu.memory_space<hbm>>
      tpu.wait_indirect_dma semaphore(%arg17 : memref<!tpu.dma_semaphore, #tpu.memory_space<semaphore_mem>>) src(%dma_wait3A_125 : memref<10001x128xf32, #tpu.memory_space<hbm>>) dst(%arg12 : memref<128x128xf32, #tpu.memory_space<vmem>>)
      "tpu.region"() ({
        %run_scoped3A = tpu.sem_alloc : memref<!tpu.dma_semaphore, #tpu.memory_space<semaphore_mem>>
        %dma_start3A_140 = arith.constant 0 : i32
        %dma_start3A_141 = arith.constant 0 : i32
        %dma_start3A_142 = tpu.memref_slice %arg13[%dma_start3A_140, %dma_start3A_141] : memref<10112x128xf32, #tpu.memory_space<vmem_shared>> -> memref<10112x128xf32, #tpu.memory_space<vmem_shared>>
        tpu.enqueue_indirect_dma source(%arg12 : memref<128x128xf32, #tpu.memory_space<vmem>>) target(%dma_start3A_142 : memref<10112x128xf32, #tpu.memory_space<vmem_shared>>) offsets(%arg10 : memref<128xi32, #tpu.memory_space<vmem>>) semaphore(%run_scoped3A : memref<!tpu.dma_semaphore, #tpu.memory_space<semaphore_mem>>) {add = true}
        %dma_wait3A_143 = arith.constant 0 : i32
        %dma_wait3A_144 = arith.constant 0 : i32
        %dma_wait3A_145 = tpu.memref_slice %arg13[%dma_wait3A_143, %dma_wait3A_144] : memref<10112x128xf32, #tpu.memory_space<vmem_shared>> -> memref<10112x128xf32, #tpu.memory_space<vmem_shared>>
        tpu.wait_indirect_dma semaphore(%run_scoped3A : memref<!tpu.dma_semaphore, #tpu.memory_space<semaphore_mem>>) src(%arg12 : memref<128x128xf32, #tpu.memory_space<vmem>>) dst(%dma_wait3A_145 : memref<10112x128xf32, #tpu.memory_space<vmem_shared>>)
        tpu.yield
      }) : () -> ()
      %add3A_126 = arith.constant 3 : i32
      %add3A_127 = arith.addi %mul3A_83, %add3A_126 : i32
      %mul3A_128 = arith.constant 128 : i32
      %mul3A_129 = arith.muli %add3A_127, %mul3A_128 : i32
      %add3A_130 = arith.addi %select_n3A, %mul3A_129 : i32
      %multiple_of3A_131 = tpu.assume_multiple %add3A_130, 128 : i32
      %dma_start3A_132 = tpu.memref_slice %arg3[%multiple_of3A_131] : memref<323712xi32, #tpu.memory_space<hbm>> -> memref<128xi32, #tpu.memory_space<hbm>>
      %dma_start3A_133 = tpu.memref_slice %arg3[%multiple_of3A_131] : memref<323712xi32, #tpu.memory_space<hbm>> -> memref<128xi32, #tpu.memory_space<hbm>>
      tpu.enqueue_dma source(%dma_start3A_133 : memref<128xi32, #tpu.memory_space<hbm>>) target(%arg9 : memref<128xi32, #tpu.memory_space<vmem>>) target_semaphore(%arg15 : memref<!tpu.dma_semaphore, #tpu.memory_space<semaphore_mem>>)
      %mul3A_134 = arith.constant 128 : i32
      %mul3A_135 = arith.muli %add3A_127, %mul3A_134 : i32
      %add3A_136 = arith.addi %select_n3A, %mul3A_135 : i32
      %multiple_of3A_137 = tpu.assume_multiple %add3A_136, 128 : i32
      %dma_start3A_138 = tpu.memref_slice %arg4[%multiple_of3A_137] : memref<323712xi32, #tpu.memory_space<hbm>> -> memref<128xi32, #tpu.memory_space<hbm>>
      %dma_start3A_139 = tpu.memref_slice %arg4[%multiple_of3A_137] : memref<323712xi32, #tpu.memory_space<hbm>> -> memref<128xi32, #tpu.memory_space<hbm>>
      tpu.enqueue_dma source(%dma_start3A_139 : memref<128xi32, #tpu.memory_space<hbm>>) target(%arg10 : memref<128xi32, #tpu.memory_space<vmem>>) target_semaphore(%arg15 : memref<!tpu.dma_semaphore, #tpu.memory_space<semaphore_mem>>)
    }
    %while3A_46 = arith.constant 1 : i32
    scf.for %while3A_81 = %while3A_44 to %while3A_40 step %while3A_46  : i32 {
      %mul3A_82 = arith.constant 2 : i32
      %mul3A_83 = arith.muli %mul3A_82, %while3A_81 : i32
      %dma_wait3A_84 = arith.constant 0 : i32
      %dma_wait3A_85 = tpu.memref_slice %arg3[%dma_wait3A_84] : memref<323712xi32, #tpu.memory_space<hbm>> -> memref<128xi32, #tpu.memory_space<hbm>>
      %dma_wait3A_86 = arith.constant 0 : i32
      %dma_wait3A_87 = tpu.memref_slice %arg3[%dma_wait3A_86] : memref<323712xi32, #tpu.memory_space<hbm>> -> memref<128xi32, #tpu.memory_space<hbm>>
      tpu.wait_dma2 semaphore(%arg15 : memref<!tpu.dma_semaphore, #tpu.memory_space<semaphore_mem>>) src(%dma_wait3A_87 : memref<128xi32, #tpu.memory_space<hbm>>) dst(%arg9 : memref<128xi32, #tpu.memory_space<vmem>>)
      %dma_wait3A_88 = arith.constant 0 : i32
      %dma_wait3A_89 = tpu.memref_slice %arg4[%dma_wait3A_88] : memref<323712xi32, #tpu.memory_space<hbm>> -> memref<128xi32, #tpu.memory_space<hbm>>
      %dma_wait3A_90 = arith.constant 0 : i32
      %dma_wait3A_91 = tpu.memref_slice %arg4[%dma_wait3A_90] : memref<323712xi32, #tpu.memory_space<hbm>> -> memref<128xi32, #tpu.memory_space<hbm>>
      tpu.wait_dma2 semaphore(%arg15 : memref<!tpu.dma_semaphore, #tpu.memory_space<semaphore_mem>>) src(%dma_wait3A_91 : memref<128xi32, #tpu.memory_space<hbm>>) dst(%arg10 : memref<128xi32, #tpu.memory_space<vmem>>)
      %dma_start3A_92 = arith.constant 0 : i32
      %dma_start3A_93 = arith.constant 0 : i32
      %dma_start3A_94 = tpu.memref_slice %arg2[%dma_start3A_92, %dma_start3A_93] : memref<10001x128xf32, #tpu.memory_space<hbm>> -> memref<10001x128xf32, #tpu.memory_space<hbm>>
      tpu.enqueue_indirect_dma source(%dma_start3A_94 : memref<10001x128xf32, #tpu.memory_space<hbm>>) target(%arg12 : memref<128x128xf32, #tpu.memory_space<vmem>>) offsets(%arg9 : memref<128xi32, #tpu.memory_space<vmem>>) semaphore(%arg17 : memref<!tpu.dma_semaphore, #tpu.memory_space<semaphore_mem>>)
      %dma_wait3A_95 = arith.constant 0 : i32
      %dma_wait3A_96 = arith.constant 0 : i32
      %dma_wait3A_97 = tpu.memref_slice %arg2[%dma_wait3A_95, %dma_wait3A_96] : memref<10001x128xf32, #tpu.memory_space<hbm>> -> memref<10001x128xf32, #tpu.memory_space<hbm>>
      tpu.wait_indirect_dma semaphore(%arg16 : memref<!tpu.dma_semaphore, #tpu.memory_space<semaphore_mem>>) src(%dma_wait3A_97 : memref<10001x128xf32, #tpu.memory_space<hbm>>) dst(%arg11 : memref<128x128xf32, #tpu.memory_space<vmem>>)
      "tpu.region"() ({
        %run_scoped3A = tpu.sem_alloc : memref<!tpu.dma_semaphore, #tpu.memory_space<semaphore_mem>>
        %dma_start3A_140 = arith.constant 0 : i32
        %dma_start3A_141 = arith.constant 0 : i32
        %dma_start3A_142 = tpu.memref_slice %arg13[%dma_start3A_140, %dma_start3A_141] : memref<10112x128xf32, #tpu.memory_space<vmem_shared>> -> memref<10112x128xf32, #tpu.memory_space<vmem_shared>>
        tpu.enqueue_indirect_dma source(%arg11 : memref<128x128xf32, #tpu.memory_space<vmem>>) target(%dma_start3A_142 : memref<10112x128xf32, #tpu.memory_space<vmem_shared>>) offsets(%arg8 : memref<128xi32, #tpu.memory_space<vmem>>) semaphore(%run_scoped3A : memref<!tpu.dma_semaphore, #tpu.memory_space<semaphore_mem>>) {add = true}
        %dma_wait3A_143 = arith.constant 0 : i32
        %dma_wait3A_144 = arith.constant 0 : i32
        %dma_wait3A_145 = tpu.memref_slice %arg13[%dma_wait3A_143, %dma_wait3A_144] : memref<10112x128xf32, #tpu.memory_space<vmem_shared>> -> memref<10112x128xf32, #tpu.memory_space<vmem_shared>>
        tpu.wait_indirect_dma semaphore(%run_scoped3A : memref<!tpu.dma_semaphore, #tpu.memory_space<semaphore_mem>>) src(%arg11 : memref<128x128xf32, #tpu.memory_space<vmem>>) dst(%dma_wait3A_145 : memref<10112x128xf32, #tpu.memory_space<vmem_shared>>)
        tpu.yield
      }) : () -> ()
      %add3A_98 = arith.constant 2 : i32
      %add3A_99 = arith.addi %mul3A_83, %add3A_98 : i32
      %mul3A_100 = arith.constant 128 : i32
      %mul3A_101 = arith.muli %add3A_99, %mul3A_100 : i32
      %add3A_102 = arith.addi %select_n3A, %mul3A_101 : i32
      %multiple_of3A_103 = tpu.assume_multiple %add3A_102, 128 : i32
      %dma_start3A_104 = tpu.memref_slice %arg3[%multiple_of3A_103] : memref<323712xi32, #tpu.memory_space<hbm>> -> memref<128xi32, #tpu.memory_space<hbm>>
      %dma_start3A_105 = tpu.memref_slice %arg3[%multiple_of3A_103] : memref<323712xi32, #tpu.memory_space<hbm>> -> memref<128xi32, #tpu.memory_space<hbm>>
      tpu.enqueue_dma source(%dma_start3A_105 : memref<128xi32, #tpu.memory_space<hbm>>) target(%arg7 : memref<128xi32, #tpu.memory_space<vmem>>) target_semaphore(%arg14 : memref<!tpu.dma_semaphore, #tpu.memory_space<semaphore_mem>>)
      %mul3A_106 = arith.constant 128 : i32
      %mul3A_107 = arith.muli %add3A_99, %mul3A_106 : i32
      %add3A_108 = arith.addi %select_n3A, %mul3A_107 : i32
      %multiple_of3A_109 = tpu.assume_multiple %add3A_108, 128 : i32
      %dma_start3A_110 = tpu.memref_slice %arg4[%multiple_of3A_109] : memref<323712xi32, #tpu.memory_space<hbm>> -> memref<128xi32, #tpu.memory_space<hbm>>
      %dma_start3A_111 = tpu.memref_slice %arg4[%multiple_of3A_109] : memref<323712xi32, #tpu.memory_space<hbm>> -> memref<128xi32, #tpu.memory_space<hbm>>
      tpu.enqueue_dma source(%dma_start3A_111 : memref<128xi32, #tpu.memory_space<hbm>>) target(%arg8 : memref<128xi32, #tpu.memory_space<vmem>>) target_semaphore(%arg14 : memref<!tpu.dma_semaphore, #tpu.memory_space<semaphore_mem>>)
      %dma_wait3A_112 = arith.constant 0 : i32
      %dma_wait3A_113 = tpu.memref_slice %arg3[%dma_wait3A_112] : memref<323712xi32, #tpu.memory_space<hbm>> -> memref<128xi32, #tpu.memory_space<hbm>>
      %dma_wait3A_114 = arith.constant 0 : i32
      %dma_wait3A_115 = tpu.memref_slice %arg3[%dma_wait3A_114] : memref<323712xi32, #tpu.memory_space<hbm>> -> memref<128xi32, #tpu.memory_space<hbm>>
      tpu.wait_dma2 semaphore(%arg14 : memref<!tpu.dma_semaphore, #tpu.memory_space<semaphore_mem>>) src(%dma_wait3A_115 : memref<128xi32, #tpu.memory_space<hbm>>) dst(%arg7 : memref<128xi32, #tpu.memory_space<vmem>>)
      %dma_wait3A_116 = arith.constant 0 : i32
      %dma_wait3A_117 = tpu.memref_slice %arg4[%dma_wait3A_116] : memref<323712xi32, #tpu.memory_space<hbm>> -> memref<128xi32, #tpu.memory_space<hbm>>
      %dma_wait3A_118 = arith.constant 0 : i32
      %dma_wait3A_119 = tpu.memref_slice %arg4[%dma_wait3A_118] : memref<323712xi32, #tpu.memory_space<hbm>> -> memref<128xi32, #tpu.memory_space<hbm>>
      tpu.wait_dma2 semaphore(%arg14 : memref<!tpu.dma_semaphore, #tpu.memory_space<semaphore_mem>>) src(%dma_wait3A_119 : memref<128xi32, #tpu.memory_space<hbm>>) dst(%arg8 : memref<128xi32, #tpu.memory_space<vmem>>)
      %dma_start3A_120 = arith.constant 0 : i32
      %dma_start3A_121 = arith.constant 0 : i32
      %dma_start3A_122 = tpu.memref_slice %arg2[%dma_start3A_120, %dma_start3A_121] : memref<10001x128xf32, #tpu.memory_space<hbm>> -> memref<10001x128xf32, #tpu.memory_space<hbm>>
      tpu.enqueue_indirect_dma source(%dma_start3A_122 : memref<10001x128xf32, #tpu.memory_space<hbm>>) target(%arg11 : memref<128x128xf32, #tpu.memory_space<vmem>>) offsets(%arg7 : memref<128xi32, #tpu.memory_space<vmem>>) semaphore(%arg16 : memref<!tpu.dma_semaphore, #tpu.memory_space<semaphore_mem>>)
      %dma_wait3A_123 = arith.constant 0 : i32
      %dma_wait3A_124 = arith.constant 0 : i32
      %dma_wait3A_125 = tpu.memref_slice %arg2[%dma_wait3A_123, %dma_wait3A_124] : memref<10001x128xf32, #tpu.memory_space<hbm>> -> memref<10001x128xf32, #tpu.memory_space<hbm>>
      tpu.wait_indirect_dma semaphore(%arg17 : memref<!tpu.dma_semaphore, #tpu.memory_space<semaphore_mem>>) src(%dma_wait3A_125 : memref<10001x128xf32, #tpu.memory_space<hbm>>) dst(%arg12 : memref<128x128xf32, #tpu.memory_space<vmem>>)
      "tpu.region"() ({
        %run_scoped3A = tpu.sem_alloc : memref<!tpu.dma_semaphore, #tpu.memory_space<semaphore_mem>>
        %dma_start3A_140 = arith.constant 0 : i32
        %dma_start3A_141 = arith.constant 0 : i32
        %dma_start3A_142 = tpu.memref_slice %arg13[%dma_start3A_140, %dma_start3A_141] : memref<10112x128xf32, #tpu.memory_space<vmem_shared>> -> memref<10112x128xf32, #tpu.memory_space<vmem_shared>>
        tpu.enqueue_indirect_dma source(%arg12 : memref<128x128xf32, #tpu.memory_space<vmem>>) target(%dma_start3A_142 : memref<10112x128xf32, #tpu.memory_space<vmem_shared>>) offsets(%arg10 : memref<128xi32, #tpu.memory_space<vmem>>) semaphore(%run_scoped3A : memref<!tpu.dma_semaphore, #tpu.memory_space<semaphore_mem>>) {add = true}
        %dma_wait3A_143 = arith.constant 0 : i32
        %dma_wait3A_144 = arith.constant 0 : i32
        %dma_wait3A_145 = tpu.memref_slice %arg13[%dma_wait3A_143, %dma_wait3A_144] : memref<10112x128xf32, #tpu.memory_space<vmem_shared>> -> memref<10112x128xf32, #tpu.memory_space<vmem_shared>>
        tpu.wait_indirect_dma semaphore(%run_scoped3A : memref<!tpu.dma_semaphore, #tpu.memory_space<semaphore_mem>>) src(%arg12 : memref<128x128xf32, #tpu.memory_space<vmem>>) dst(%dma_wait3A_145 : memref<10112x128xf32, #tpu.memory_space<vmem_shared>>)
        tpu.yield
      }) : () -> ()
      %add3A_126 = arith.constant 3 : i32
      %add3A_127 = arith.addi %mul3A_83, %add3A_126 : i32
      %mul3A_128 = arith.constant 128 : i32
      %mul3A_129 = arith.muli %add3A_127, %mul3A_128 : i32
      %add3A_130 = arith.addi %select_n3A, %mul3A_129 : i32
      %multiple_of3A_131 = tpu.assume_multiple %add3A_130, 128 : i32
      %dma_start3A_132 = tpu.memref_slice %arg3[%multiple_of3A_131] : memref<323712xi32, #tpu.memory_space<hbm>> -> memref<128xi32, #tpu.memory_space<hbm>>
      %dma_start3A_133 = tpu.memref_slice %arg3[%multiple_of3A_131] : memref<323712xi32, #tpu.memory_space<hbm>> -> memref<128xi32, #tpu.memory_space<hbm>>
      tpu.enqueue_dma source(%dma_start3A_133 : memref<128xi32, #tpu.memory_space<hbm>>) target(%arg9 : memref<128xi32, #tpu.memory_space<vmem>>) target_semaphore(%arg15 : memref<!tpu.dma_semaphore, #tpu.memory_space<semaphore_mem>>)
      %mul3A_134 = arith.constant 128 : i32
      %mul3A_135 = arith.muli %add3A_127, %mul3A_134 : i32
      %add3A_136 = arith.addi %select_n3A, %mul3A_135 : i32
      %multiple_of3A_137 = tpu.assume_multiple %add3A_136, 128 : i32
      %dma_start3A_138 = tpu.memref_slice %arg4[%multiple_of3A_137] : memref<323712xi32, #tpu.memory_space<hbm>> -> memref<128xi32, #tpu.memory_space<hbm>>
      %dma_start3A_139 = tpu.memref_slice %arg4[%multiple_of3A_137] : memref<323712xi32, #tpu.memory_space<hbm>> -> memref<128xi32, #tpu.memory_space<hbm>>
      tpu.enqueue_dma source(%dma_start3A_139 : memref<128xi32, #tpu.memory_space<hbm>>) target(%arg10 : memref<128xi32, #tpu.memory_space<vmem>>) target_semaphore(%arg15 : memref<!tpu.dma_semaphore, #tpu.memory_space<semaphore_mem>>)
    }
    %dma_wait3A = arith.constant 0 : i32
    %dma_wait3A_47 = arith.constant 0 : i32
    %dma_wait3A_48 = tpu.memref_slice %arg2[%dma_wait3A, %dma_wait3A_47] : memref<10001x128xf32, #tpu.memory_space<hbm>> -> memref<10001x128xf32, #tpu.memory_space<hbm>>
    tpu.wait_indirect_dma semaphore(%arg16 : memref<!tpu.dma_semaphore, #tpu.memory_space<semaphore_mem>>) src(%dma_wait3A_48 : memref<10001x128xf32, #tpu.memory_space<hbm>>) dst(%arg11 : memref<128x128xf32, #tpu.memory_space<vmem>>)
    "tpu.region"() ({
      %run_scoped3A = tpu.sem_alloc : memref<!tpu.dma_semaphore, #tpu.memory_space<semaphore_mem>>
      %dma_start3A_81 = arith.constant 0 : i32
      %dma_start3A_82 = arith.constant 0 : i32
      %dma_start3A_83 = tpu.memref_slice %arg13[%dma_start3A_81, %dma_start3A_82] : memref<10112x128xf32, #tpu.memory_space<vmem_shared>> -> memref<10112x128xf32, #tpu.memory_space<vmem_shared>>
      tpu.enqueue_indirect_dma source(%arg11 : memref<128x128xf32, #tpu.memory_space<vmem>>) target(%dma_start3A_83 : memref<10112x128xf32, #tpu.memory_space<vmem_shared>>) offsets(%arg8 : memref<128xi32, #tpu.memory_space<vmem>>) semaphore(%run_scoped3A : memref<!tpu.dma_semaphore, #tpu.memory_space<semaphore_mem>>) {add = true}
      %dma_wait3A_84 = arith.constant 0 : i32
      %dma_wait3A_85 = arith.constant 0 : i32
      %dma_wait3A_86 = tpu.memref_slice %arg13[%dma_wait3A_84, %dma_wait3A_85] : memref<10112x128xf32, #tpu.memory_space<vmem_shared>> -> memref<10112x128xf32, #tpu.memory_space<vmem_shared>>
      tpu.wait_indirect_dma semaphore(%run_scoped3A : memref<!tpu.dma_semaphore, #tpu.memory_space<semaphore_mem>>) src(%arg11 : memref<128x128xf32, #tpu.memory_space<vmem>>) dst(%dma_wait3A_86 : memref<10112x128xf32, #tpu.memory_space<vmem_shared>>)
      tpu.yield
    }) : () -> ()
    %dma_wait3A_49 = arith.constant 0 : i32
    %dma_wait3A_50 = tpu.memref_slice %arg3[%dma_wait3A_49] : memref<323712xi32, #tpu.memory_space<hbm>> -> memref<128xi32, #tpu.memory_space<hbm>>
    %dma_wait3A_51 = arith.constant 0 : i32
    %dma_wait3A_52 = tpu.memref_slice %arg3[%dma_wait3A_51] : memref<323712xi32, #tpu.memory_space<hbm>> -> memref<128xi32, #tpu.memory_space<hbm>>
    tpu.wait_dma2 semaphore(%arg15 : memref<!tpu.dma_semaphore, #tpu.memory_space<semaphore_mem>>) src(%dma_wait3A_52 : memref<128xi32, #tpu.memory_space<hbm>>) dst(%arg9 : memref<128xi32, #tpu.memory_space<vmem>>)
    %dma_wait3A_53 = arith.constant 0 : i32
    %dma_wait3A_54 = tpu.memref_slice %arg4[%dma_wait3A_53] : memref<323712xi32, #tpu.memory_space<hbm>> -> memref<128xi32, #tpu.memory_space<hbm>>
    %dma_wait3A_55 = arith.constant 0 : i32
    %dma_wait3A_56 = tpu.memref_slice %arg4[%dma_wait3A_55] : memref<323712xi32, #tpu.memory_space<hbm>> -> memref<128xi32, #tpu.memory_space<hbm>>
    tpu.wait_dma2 semaphore(%arg15 : memref<!tpu.dma_semaphore, #tpu.memory_space<semaphore_mem>>) src(%dma_wait3A_56 : memref<128xi32, #tpu.memory_space<hbm>>) dst(%arg10 : memref<128xi32, #tpu.memory_space<vmem>>)
    %barrier3A_57 = arith.constant 0 : index
    tpu.barrier barrier_id(%barrier3A_57)
    %mul3A_58 = arith.constant 10112 : i32
    %mul3A_59 = arith.muli %arg0, %mul3A_58 : i32
    %add3A_60 = arith.addi %mul3A_59, %mul3A_0 : i32
    %add3A_61 = arith.constant 0 : i32
    %add3A_62 = arith.addi %mul3A_0, %add3A_61 : i32
    %add3A_63 = arith.constant 0 : i32
    %add3A_64 = arith.addi %add3A_60, %add3A_63 : i32
    "tpu.region"() ({
      %run_scoped3A = tpu.sem_alloc : memref<!tpu.dma_semaphore, #tpu.memory_space<semaphore_mem>>
      %dma_start3A_81 = arith.constant 0 : i32
      %dma_start3A_82 = tpu.memref_slice %arg6[%add3A_64, %dma_start3A_81] : memref<20224x128xf32, #tpu.memory_space<hbm>> -> memref<128x128xf32, #tpu.memory_space<hbm>>
      %dma_start3A_83 = arith.constant 0 : i32
      %dma_start3A_84 = tpu.memref_slice %arg13[%add3A_62, %dma_start3A_83] : memref<10112x128xf32, #tpu.memory_space<vmem_shared>> -> memref<128x128xf32, #tpu.memory_space<vmem_shared>>
      tpu.enqueue_dma source(%dma_start3A_84 : memref<128x128xf32, #tpu.memory_space<vmem_shared>>) target(%dma_start3A_82 : memref<128x128xf32, #tpu.memory_space<hbm>>) target_semaphore(%run_scoped3A : memref<!tpu.dma_semaphore, #tpu.memory_space<semaphore_mem>>)
      %dma_wait3A_85 = arith.constant 0 : i32
      %dma_wait3A_86 = tpu.memref_slice %arg6[%add3A_64, %dma_wait3A_85] : memref<20224x128xf32, #tpu.memory_space<hbm>> -> memref<128x128xf32, #tpu.memory_space<hbm>>
      %dma_wait3A_87 = arith.constant 0 : i32
      %dma_wait3A_88 = tpu.memref_slice %arg13[%add3A_62, %dma_wait3A_87] : memref<10112x128xf32, #tpu.memory_space<vmem_shared>> -> memref<128x128xf32, #tpu.memory_space<vmem_shared>>
      tpu.wait_dma2 semaphore(%run_scoped3A : memref<!tpu.dma_semaphore, #tpu.memory_space<semaphore_mem>>) src(%dma_wait3A_88 : memref<128x128xf32, #tpu.memory_space<vmem_shared>>) dst(%dma_wait3A_86 : memref<128x128xf32, #tpu.memory_space<hbm>>)
      tpu.yield
    }) : () -> ()
    %add3A_65 = arith.constant 128 : i32
    %add3A_66 = arith.addi %mul3A_0, %add3A_65 : i32
    %add3A_67 = arith.constant 128 : i32
    %add3A_68 = arith.addi %add3A_60, %add3A_67 : i32
    "tpu.region"() ({
      %run_scoped3A = tpu.sem_alloc : memref<!tpu.dma_semaphore, #tpu.memory_space<semaphore_mem>>
      %dma_start3A_81 = arith.constant 0 : i32
      %dma_start3A_82 = tpu.memref_slice %arg6[%add3A_68, %dma_start3A_81] : memref<20224x128xf32, #tpu.memory_space<hbm>> -> memref<128x128xf32, #tpu.memory_space<hbm>>
      %dma_start3A_83 = arith.constant 0 : i32
      %dma_start3A_84 = tpu.memref_slice %arg13[%add3A_66, %dma_start3A_83] : memref<10112x128xf32, #tpu.memory_space<vmem_shared>> -> memref<128x128xf32, #tpu.memory_space<vmem_shared>>
      tpu.enqueue_dma source(%dma_start3A_84 : memref<128x128xf32, #tpu.memory_space<vmem_shared>>) target(%dma_start3A_82 : memref<128x128xf32, #tpu.memory_space<hbm>>) target_semaphore(%run_scoped3A : memref<!tpu.dma_semaphore, #tpu.memory_space<semaphore_mem>>)
      %dma_wait3A_85 = arith.constant 0 : i32
      %dma_wait3A_86 = tpu.memref_slice %arg6[%add3A_68, %dma_wait3A_85] : memref<20224x128xf32, #tpu.memory_space<hbm>> -> memref<128x128xf32, #tpu.memory_space<hbm>>
      %dma_wait3A_87 = arith.constant 0 : i32
      %dma_wait3A_88 = tpu.memref_slice %arg13[%add3A_66, %dma_wait3A_87] : memref<10112x128xf32, #tpu.memory_space<vmem_shared>> -> memref<128x128xf32, #tpu.memory_space<vmem_shared>>
      tpu.wait_dma2 semaphore(%run_scoped3A : memref<!tpu.dma_semaphore, #tpu.memory_space<semaphore_mem>>) src(%dma_wait3A_88 : memref<128x128xf32, #tpu.memory_space<vmem_shared>>) dst(%dma_wait3A_86 : memref<128x128xf32, #tpu.memory_space<hbm>>)
      tpu.yield
    }) : () -> ()
    %add3A_69 = arith.constant 256 : i32
    %add3A_70 = arith.addi %mul3A_0, %add3A_69 : i32
    %add3A_71 = arith.constant 256 : i32
    %add3A_72 = arith.addi %add3A_60, %add3A_71 : i32
    "tpu.region"() ({
      %run_scoped3A = tpu.sem_alloc : memref<!tpu.dma_semaphore, #tpu.memory_space<semaphore_mem>>
      %dma_start3A_81 = arith.constant 0 : i32
      %dma_start3A_82 = tpu.memref_slice %arg6[%add3A_72, %dma_start3A_81] : memref<20224x128xf32, #tpu.memory_space<hbm>> -> memref<128x128xf32, #tpu.memory_space<hbm>>
      %dma_start3A_83 = arith.constant 0 : i32
      %dma_start3A_84 = tpu.memref_slice %arg13[%add3A_70, %dma_start3A_83] : memref<10112x128xf32, #tpu.memory_space<vmem_shared>> -> memref<128x128xf32, #tpu.memory_space<vmem_shared>>
      tpu.enqueue_dma source(%dma_start3A_84 : memref<128x128xf32, #tpu.memory_space<vmem_shared>>) target(%dma_start3A_82 : memref<128x128xf32, #tpu.memory_space<hbm>>) target_semaphore(%run_scoped3A : memref<!tpu.dma_semaphore, #tpu.memory_space<semaphore_mem>>)
      %dma_wait3A_85 = arith.constant 0 : i32
      %dma_wait3A_86 = tpu.memref_slice %arg6[%add3A_72, %dma_wait3A_85] : memref<20224x128xf32, #tpu.memory_space<hbm>> -> memref<128x128xf32, #tpu.memory_space<hbm>>
      %dma_wait3A_87 = arith.constant 0 : i32
      %dma_wait3A_88 = tpu.memref_slice %arg13[%add3A_70, %dma_wait3A_87] : memref<10112x128xf32, #tpu.memory_space<vmem_shared>> -> memref<128x128xf32, #tpu.memory_space<vmem_shared>>
      tpu.wait_dma2 semaphore(%run_scoped3A : memref<!tpu.dma_semaphore, #tpu.memory_space<semaphore_mem>>) src(%dma_wait3A_88 : memref<128x128xf32, #tpu.memory_space<vmem_shared>>) dst(%dma_wait3A_86 : memref<128x128xf32, #tpu.memory_space<hbm>>)
      tpu.yield
    }) : () -> ()
    %add3A_73 = arith.constant 384 : i32
    %add3A_74 = arith.addi %mul3A_0, %add3A_73 : i32
    %add3A_75 = arith.constant 384 : i32
    %add3A_76 = arith.addi %add3A_60, %add3A_75 : i32
    "tpu.region"() ({
      %run_scoped3A = tpu.sem_alloc : memref<!tpu.dma_semaphore, #tpu.memory_space<semaphore_mem>>
      %dma_start3A_81 = arith.constant 0 : i32
      %dma_start3A_82 = tpu.memref_slice %arg6[%add3A_76, %dma_start3A_81] : memref<20224x128xf32, #tpu.memory_space<hbm>> -> memref<128x128xf32, #tpu.memory_space<hbm>>
      %dma_start3A_83 = arith.constant 0 : i32
      %dma_start3A_84 = tpu.memref_slice %arg13[%add3A_74, %dma_start3A_83] : memref<10112x128xf32, #tpu.memory_space<vmem_shared>> -> memref<128x128xf32, #tpu.memory_space<vmem_shared>>
      tpu.enqueue_dma source(%dma_start3A_84 : memref<128x128xf32, #tpu.memory_space<vmem_shared>>) target(%dma_start3A_82 : memref<128x128xf32, #tpu.memory_space<hbm>>) target_semaphore(%run_scoped3A : memref<!tpu.dma_semaphore, #tpu.memory_space<semaphore_mem>>)
      %dma_wait3A_85 = arith.constant 0 : i32
      %dma_wait3A_86 = tpu.memref_slice %arg6[%add3A_76, %dma_wait3A_85] : memref<20224x128xf32, #tpu.memory_space<hbm>> -> memref<128x128xf32, #tpu.memory_space<hbm>>
      %dma_wait3A_87 = arith.constant 0 : i32
      %dma_wait3A_88 = tpu.memref_slice %arg13[%add3A_74, %dma_wait3A_87] : memref<10112x128xf32, #tpu.memory_space<vmem_shared>> -> memref<128x128xf32, #tpu.memory_space<vmem_shared>>
      tpu.wait_dma2 semaphore(%run_scoped3A : memref<!tpu.dma_semaphore, #tpu.memory_space<semaphore_mem>>) src(%dma_wait3A_88 : memref<128x128xf32, #tpu.memory_space<vmem_shared>>) dst(%dma_wait3A_86 : memref<128x128xf32, #tpu.memory_space<hbm>>)
      tpu.yield
    }) : () -> ()
    %add3A_77 = arith.constant 512 : i32
    %add3A_78 = arith.addi %mul3A_0, %add3A_77 : i32
    %add3A_79 = arith.constant 512 : i32
    %add3A_80 = arith.addi %add3A_60, %add3A_79 : i32
    "tpu.region"() ({
      %run_scoped3A = tpu.sem_alloc : memref<!tpu.dma_semaphore, #tpu.memory_space<semaphore_mem>>
      %dma_start3A_81 = arith.constant 0 : i32
      %dma_start3A_82 = tpu.memref_slice %arg6[%add3A_80, %dma_start3A_81] : memref<20224x128xf32, #tpu.memory_space<hbm>> -> memref<120x128xf32, #tpu.memory_space<hbm>>
      %dma_start3A_83 = arith.constant 0 : i32
      %dma_start3A_84 = tpu.memref_slice %arg13[%add3A_78, %dma_start3A_83] : memref<10112x128xf32, #tpu.memory_space<vmem_shared>> -> memref<120x128xf32, #tpu.memory_space<vmem_shared>>
      tpu.enqueue_dma source(%dma_start3A_84 : memref<120x128xf32, #tpu.memory_space<vmem_shared>>) target(%dma_start3A_82 : memref<120x128xf32, #tpu.memory_space<hbm>>) target_semaphore(%run_scoped3A : memref<!tpu.dma_semaphore, #tpu.memory_space<semaphore_mem>>)
      %dma_wait3A_85 = arith.constant 0 : i32
      %dma_wait3A_86 = tpu.memref_slice %arg6[%add3A_80, %dma_wait3A_85] : memref<20224x128xf32, #tpu.memory_space<hbm>> -> memref<120x128xf32, #tpu.memory_space<hbm>>
      %dma_wait3A_87 = arith.constant 0 : i32
      %dma_wait3A_88 = tpu.memref_slice %arg13[%add3A_78, %dma_wait3A_87] : memref<10112x128xf32, #tpu.memory_space<vmem_shared>> -> memref<120x128xf32, #tpu.memory_space<vmem_shared>>
      tpu.wait_dma2 semaphore(%run_scoped3A : memref<!tpu.dma_semaphore, #tpu.memory_space<semaphore_mem>>) src(%dma_wait3A_88 : memref<120x128xf32, #tpu.memory_space<vmem_shared>>) dst(%dma_wait3A_86 : memref<120x128xf32, #tpu.memory_space<hbm>>)
      tpu.yield
    }) : () -> ()
    return
  }
}

#map = affine_map<(d0, d1) -> (0, 0)>
#map1 = affine_map<(d0, d1) -> (0)>
module attributes {stable_mosaic.version = 14 : i64} {
  func.func @k(%arg0: i32, %arg1: i32, %arg2: memref<10001x128xf32, #tpu.memory_space<hbm>>, %arg3: memref<323712xi32, #tpu.memory_space<hbm>>, %arg4: memref<323712xi32, #tpu.memory_space<hbm>>, %arg5: memref<128x128xf32, #tpu.memory_space<hbm>>, %arg6: memref<20224x128xf32, #tpu.memory_space<hbm>>, %arg7: memref<128xi32, #tpu.memory_space<vmem>>, %arg8: memref<128xi32, #tpu.memory_space<vmem>>, %arg9: memref<128xi32, #tpu.memory_space<vmem>>, %arg10: memref<128xi32, #tpu.memory_space<vmem>>, %arg11: memref<128x128xf32, #tpu.memory_space<vmem>>, %arg12: memref<128x128xf32, #tpu.memory_space<vmem>>, %arg13: memref<10112x128xf32, #tpu.memory_space<vmem_shared>>, %arg14: memref<!tpu.dma_semaphore, #tpu.memory_space<semaphore_mem>>, %arg15: memref<!tpu.dma_semaphore, #tpu.memory_space<semaphore_mem>>, %arg16: memref<!tpu.dma_semaphore, #tpu.memory_space<semaphore_mem>>, %arg17: memref<!tpu.dma_semaphore, #tpu.memory_space<semaphore_mem>>) attributes {dimension_semantics = [#tpu.dimension_semantics<core_parallel>, #tpu.dimension_semantics<subcore_parallel>], iteration_bounds = array<i64: 2, 16>, scalar_prefetch = 0 : i64, scratch_operands = 11 : i64, tpu.core_type = #tpu.core_type<sc_vector_subcore>, window_params = [{transform_indices = #map}, {transform_indices = #map1}, {transform_indices = #map1}, {transform_indices = #map}, {transform_indices = #map}]} {
    %mul3A = arith.constant 632 : i32
    %mul3A_0 = arith.muli %arg1, %mul3A : i32
    "tpu.region"() ({
      %run_scoped3A = tpu.sem_alloc : memref<!tpu.dma_semaphore, #tpu.memory_space<semaphore_mem>>
      %dma_start3A_81 = arith.constant 0 : i32
      %dma_start3A_82 = arith.constant 0 : i32
      %dma_start3A_83 = tpu.memref_slice %arg5[%dma_start3A_81, %dma_start3A_82] : memref<128x128xf32, #tpu.memory_space<hbm>> -> memref<128x128xf32, #tpu.memory_space<hbm>>
      %dma_start3A_84 = arith.constant 0 : i32
      %dma_start3A_85 = arith.constant 0 : i32
      %dma_start3A_86 = tpu.memref_slice %arg5[%dma_start3A_84, %dma_start3A_85] : memref<128x128xf32, #tpu.memory_space<hbm>> -> memref<128x128xf32, #tpu.memory_space<hbm>>
      tpu.enqueue_dma source(%dma_start3A_86 : memref<128x128xf32, #tpu.memory_space<hbm>>) target(%arg11 : memref<128x128xf32, #tpu.memory_space<vmem>>) target_semaphore(%run_scoped3A : memref<!tpu.dma_semaphore, #tpu.memory_space<semaphore_mem>>)
      %dma_wait3A_87 = arith.constant 0 : i32
      %dma_wait3A_88 = arith.constant 0 : i32
      %dma_wait3A_89 = tpu.memref_slice %arg5[%dma_wait3A_87, %dma_wait3A_88] : memref<128x128xf32, #tpu.memory_space<hbm>> -> memref<128x128xf32, #tpu.memory_space<hbm>>
      %dma_wait3A_90 = arith.constant 0 : i32
      %dma_wait3A_91 = arith.constant 0 : i32
      %dma_wait3A_92 = tpu.memref_slice %arg5[%dma_wait3A_90, %dma_wait3A_91] : memref<128x128xf32, #tpu.memory_space<hbm>> -> memref<128x128xf32, #tpu.memory_space<hbm>>
      tpu.wait_dma2 semaphore(%run_scoped3A : memref<!tpu.dma_semaphore, #tpu.memory_space<semaphore_mem>>) src(%dma_wait3A_92 : memref<128x128xf32, #tpu.memory_space<hbm>>) dst(%arg11 : memref<128x128xf32, #tpu.memory_space<vmem>>)
      tpu.yield
    }) : () -> ()
    %add3A = arith.constant 0 : i32
    %add3A_1 = arith.addi %mul3A_0, %add3A : i32
    "tpu.region"() ({
      %run_scoped3A = tpu.sem_alloc : memref<!tpu.dma_semaphore, #tpu.memory_space<semaphore_mem>>
      %dma_start3A_81 = arith.constant 0 : i32
      %dma_start3A_82 = arith.constant 0 : i32
      %dma_start3A_83 = tpu.memref_slice %arg11[%dma_start3A_81, %dma_start3A_82] : memref<128x128xf32, #tpu.memory_space<vmem>> -> memref<128x128xf32, #tpu.memory_space<vmem>>
      %dma_start3A_84 = arith.constant 0 : i32
      %dma_start3A_85 = tpu.memref_slice %arg13[%add3A_1, %dma_start3A_84] : memref<10112x128xf32, #tpu.memory_space<vmem_shared>> -> memref<128x128xf32, #tpu.memory_space<vmem_shared>>
      %dma_start3A_86 = arith.constant 0 : i32
      %dma_start3A_87 = tpu.memref_slice %arg13[%add3A_1, %dma_start3A_86] : memref<10112x128xf32, #tpu.memory_space<vmem_shared>> -> memref<128x128xf32, #tpu.memory_space<vmem_shared>>
      %dma_start3A_88 = arith.constant 0 : i32
      %dma_start3A_89 = arith.constant 0 : i32
      %dma_start3A_90 = tpu.memref_slice %arg11[%dma_start3A_88, %dma_start3A_89] : memref<128x128xf32, #tpu.memory_space<vmem>> -> memref<128x128xf32, #tpu.memory_space<vmem>>
      tpu.enqueue_dma source(%dma_start3A_90 : memref<128x128xf32, #tpu.memory_space<vmem>>) target(%dma_start3A_87 : memref<128x128xf32, #tpu.memory_space<vmem_shared>>) target_semaphore(%run_scoped3A : memref<!tpu.dma_semaphore, #tpu.memory_space<semaphore_mem>>)
      %dma_wait3A_91 = arith.constant 0 : i32
      %dma_wait3A_92 = arith.constant 0 : i32
      %dma_wait3A_93 = tpu.memref_slice %arg11[%dma_wait3A_91, %dma_wait3A_92] : memref<128x128xf32, #tpu.memory_space<vmem>> -> memref<128x128xf32, #tpu.memory_space<vmem>>
      %dma_wait3A_94 = arith.constant 0 : i32
      %dma_wait3A_95 = tpu.memref_slice %arg13[%add3A_1, %dma_wait3A_94] : memref<10112x128xf32, #tpu.memory_space<vmem_shared>> -> memref<128x128xf32, #tpu.memory_space<vmem_shared>>
      %dma_wait3A_96 = arith.constant 0 : i32
      %dma_wait3A_97 = tpu.memref_slice %arg13[%add3A_1, %dma_wait3A_96] : memref<10112x128xf32, #tpu.memory_space<vmem_shared>> -> memref<128x128xf32, #tpu.memory_space<vmem_shared>>
      %dma_wait3A_98 = arith.constant 0 : i32
      %dma_wait3A_99 = arith.constant 0 : i32
      %dma_wait3A_100 = tpu.memref_slice %arg11[%dma_wait3A_98, %dma_wait3A_99] : memref<128x128xf32, #tpu.memory_space<vmem>> -> memref<128x128xf32, #tpu.memory_space<vmem>>
      tpu.wait_dma2 semaphore(%run_scoped3A : memref<!tpu.dma_semaphore, #tpu.memory_space<semaphore_mem>>) src(%dma_wait3A_100 : memref<128x128xf32, #tpu.memory_space<vmem>>) dst(%dma_wait3A_97 : memref<128x128xf32, #tpu.memory_space<vmem_shared>>)
      tpu.yield
    }) : () -> ()
    %add3A_2 = arith.constant 128 : i32
    %add3A_3 = arith.addi %mul3A_0, %add3A_2 : i32
    "tpu.region"() ({
      %run_scoped3A = tpu.sem_alloc : memref<!tpu.dma_semaphore, #tpu.memory_space<semaphore_mem>>
      %dma_start3A_81 = arith.constant 0 : i32
      %dma_start3A_82 = arith.constant 0 : i32
      %dma_start3A_83 = tpu.memref_slice %arg11[%dma_start3A_81, %dma_start3A_82] : memref<128x128xf32, #tpu.memory_space<vmem>> -> memref<128x128xf32, #tpu.memory_space<vmem>>
      %dma_start3A_84 = arith.constant 0 : i32
      %dma_start3A_85 = tpu.memref_slice %arg13[%add3A_3, %dma_start3A_84] : memref<10112x128xf32, #tpu.memory_space<vmem_shared>> -> memref<128x128xf32, #tpu.memory_space<vmem_shared>>
      %dma_start3A_86 = arith.constant 0 : i32
      %dma_start3A_87 = tpu.memref_slice %arg13[%add3A_3, %dma_start3A_86] : memref<10112x128xf32, #tpu.memory_space<vmem_shared>> -> memref<128x128xf32, #tpu.memory_space<vmem_shared>>
      %dma_start3A_88 = arith.constant 0 : i32
      %dma_start3A_89 = arith.constant 0 : i32
      %dma_start3A_90 = tpu.memref_slice %arg11[%dma_start3A_88, %dma_start3A_89] : memref<128x128xf32, #tpu.memory_space<vmem>> -> memref<128x128xf32, #tpu.memory_space<vmem>>
      tpu.enqueue_dma source(%dma_start3A_90 : memref<128x128xf32, #tpu.memory_space<vmem>>) target(%dma_start3A_87 : memref<128x128xf32, #tpu.memory_space<vmem_shared>>) target_semaphore(%run_scoped3A : memref<!tpu.dma_semaphore, #tpu.memory_space<semaphore_mem>>)
      %dma_wait3A_91 = arith.constant 0 : i32
      %dma_wait3A_92 = arith.constant 0 : i32
      %dma_wait3A_93 = tpu.memref_slice %arg11[%dma_wait3A_91, %dma_wait3A_92] : memref<128x128xf32, #tpu.memory_space<vmem>> -> memref<128x128xf32, #tpu.memory_space<vmem>>
      %dma_wait3A_94 = arith.constant 0 : i32
      %dma_wait3A_95 = tpu.memref_slice %arg13[%add3A_3, %dma_wait3A_94] : memref<10112x128xf32, #tpu.memory_space<vmem_shared>> -> memref<128x128xf32, #tpu.memory_space<vmem_shared>>
      %dma_wait3A_96 = arith.constant 0 : i32
      %dma_wait3A_97 = tpu.memref_slice %arg13[%add3A_3, %dma_wait3A_96] : memref<10112x128xf32, #tpu.memory_space<vmem_shared>> -> memref<128x128xf32, #tpu.memory_space<vmem_shared>>
      %dma_wait3A_98 = arith.constant 0 : i32
      %dma_wait3A_99 = arith.constant 0 : i32
      %dma_wait3A_100 = tpu.memref_slice %arg11[%dma_wait3A_98, %dma_wait3A_99] : memref<128x128xf32, #tpu.memory_space<vmem>> -> memref<128x128xf32, #tpu.memory_space<vmem>>
      tpu.wait_dma2 semaphore(%run_scoped3A : memref<!tpu.dma_semaphore, #tpu.memory_space<semaphore_mem>>) src(%dma_wait3A_100 : memref<128x128xf32, #tpu.memory_space<vmem>>) dst(%dma_wait3A_97 : memref<128x128xf32, #tpu.memory_space<vmem_shared>>)
      tpu.yield
    }) : () -> ()
    %add3A_4 = arith.constant 256 : i32
    %add3A_5 = arith.addi %mul3A_0, %add3A_4 : i32
    "tpu.region"() ({
      %run_scoped3A = tpu.sem_alloc : memref<!tpu.dma_semaphore, #tpu.memory_space<semaphore_mem>>
      %dma_start3A_81 = arith.constant 0 : i32
      %dma_start3A_82 = arith.constant 0 : i32
      %dma_start3A_83 = tpu.memref_slice %arg11[%dma_start3A_81, %dma_start3A_82] : memref<128x128xf32, #tpu.memory_space<vmem>> -> memref<128x128xf32, #tpu.memory_space<vmem>>
      %dma_start3A_84 = arith.constant 0 : i32
      %dma_start3A_85 = tpu.memref_slice %arg13[%add3A_5, %dma_start3A_84] : memref<10112x128xf32, #tpu.memory_space<vmem_shared>> -> memref<128x128xf32, #tpu.memory_space<vmem_shared>>
      %dma_start3A_86 = arith.constant 0 : i32
      %dma_start3A_87 = tpu.memref_slice %arg13[%add3A_5, %dma_start3A_86] : memref<10112x128xf32, #tpu.memory_space<vmem_shared>> -> memref<128x128xf32, #tpu.memory_space<vmem_shared>>
      %dma_start3A_88 = arith.constant 0 : i32
      %dma_start3A_89 = arith.constant 0 : i32
      %dma_start3A_90 = tpu.memref_slice %arg11[%dma_start3A_88, %dma_start3A_89] : memref<128x128xf32, #tpu.memory_space<vmem>> -> memref<128x128xf32, #tpu.memory_space<vmem>>
      tpu.enqueue_dma source(%dma_start3A_90 : memref<128x128xf32, #tpu.memory_space<vmem>>) target(%dma_start3A_87 : memref<128x128xf32, #tpu.memory_space<vmem_shared>>) target_semaphore(%run_scoped3A : memref<!tpu.dma_semaphore, #tpu.memory_space<semaphore_mem>>)
      %dma_wait3A_91 = arith.constant 0 : i32
      %dma_wait3A_92 = arith.constant 0 : i32
      %dma_wait3A_93 = tpu.memref_slice %arg11[%dma_wait3A_91, %dma_wait3A_92] : memref<128x128xf32, #tpu.memory_space<vmem>> -> memref<128x128xf32, #tpu.memory_space<vmem>>
      %dma_wait3A_94 = arith.constant 0 : i32
      %dma_wait3A_95 = tpu.memref_slice %arg13[%add3A_5, %dma_wait3A_94] : memref<10112x128xf32, #tpu.memory_space<vmem_shared>> -> memref<128x128xf32, #tpu.memory_space<vmem_shared>>
      %dma_wait3A_96 = arith.constant 0 : i32
      %dma_wait3A_97 = tpu.memref_slice %arg13[%add3A_5, %dma_wait3A_96] : memref<10112x128xf32, #tpu.memory_space<vmem_shared>> -> memref<128x128xf32, #tpu.memory_space<vmem_shared>>
      %dma_wait3A_98 = arith.constant 0 : i32
      %dma_wait3A_99 = arith.constant 0 : i32
      %dma_wait3A_100 = tpu.memref_slice %arg11[%dma_wait3A_98, %dma_wait3A_99] : memref<128x128xf32, #tpu.memory_space<vmem>> -> memref<128x128xf32, #tpu.memory_space<vmem>>
      tpu.wait_dma2 semaphore(%run_scoped3A : memref<!tpu.dma_semaphore, #tpu.memory_space<semaphore_mem>>) src(%dma_wait3A_100 : memref<128x128xf32, #tpu.memory_space<vmem>>) dst(%dma_wait3A_97 : memref<128x128xf32, #tpu.memory_space<vmem_shared>>)
      tpu.yield
    }) : () -> ()
    %add3A_6 = arith.constant 384 : i32
    %add3A_7 = arith.addi %mul3A_0, %add3A_6 : i32
    "tpu.region"() ({
      %run_scoped3A = tpu.sem_alloc : memref<!tpu.dma_semaphore, #tpu.memory_space<semaphore_mem>>
      %dma_start3A_81 = arith.constant 0 : i32
      %dma_start3A_82 = arith.constant 0 : i32
      %dma_start3A_83 = tpu.memref_slice %arg11[%dma_start3A_81, %dma_start3A_82] : memref<128x128xf32, #tpu.memory_space<vmem>> -> memref<128x128xf32, #tpu.memory_space<vmem>>
      %dma_start3A_84 = arith.constant 0 : i32
      %dma_start3A_85 = tpu.memref_slice %arg13[%add3A_7, %dma_start3A_84] : memref<10112x128xf32, #tpu.memory_space<vmem_shared>> -> memref<128x128xf32, #tpu.memory_space<vmem_shared>>
      %dma_start3A_86 = arith.constant 0 : i32
      %dma_start3A_87 = tpu.memref_slice %arg13[%add3A_7, %dma_start3A_86] : memref<10112x128xf32, #tpu.memory_space<vmem_shared>> -> memref<128x128xf32, #tpu.memory_space<vmem_shared>>
      %dma_start3A_88 = arith.constant 0 : i32
      %dma_start3A_89 = arith.constant 0 : i32
      %dma_start3A_90 = tpu.memref_slice %arg11[%dma_start3A_88, %dma_start3A_89] : memref<128x128xf32, #tpu.memory_space<vmem>> -> memref<128x128xf32, #tpu.memory_space<vmem>>
      tpu.enqueue_dma source(%dma_start3A_90 : memref<128x128xf32, #tpu.memory_space<vmem>>) target(%dma_start3A_87 : memref<128x128xf32, #tpu.memory_space<vmem_shared>>) target_semaphore(%run_scoped3A : memref<!tpu.dma_semaphore, #tpu.memory_space<semaphore_mem>>)
      %dma_wait3A_91 = arith.constant 0 : i32
      %dma_wait3A_92 = arith.constant 0 : i32
      %dma_wait3A_93 = tpu.memref_slice %arg11[%dma_wait3A_91, %dma_wait3A_92] : memref<128x128xf32, #tpu.memory_space<vmem>> -> memref<128x128xf32, #tpu.memory_space<vmem>>
      %dma_wait3A_94 = arith.constant 0 : i32
      %dma_wait3A_95 = tpu.memref_slice %arg13[%add3A_7, %dma_wait3A_94] : memref<10112x128xf32, #tpu.memory_space<vmem_shared>> -> memref<128x128xf32, #tpu.memory_space<vmem_shared>>
      %dma_wait3A_96 = arith.constant 0 : i32
      %dma_wait3A_97 = tpu.memref_slice %arg13[%add3A_7, %dma_wait3A_96] : memref<10112x128xf32, #tpu.memory_space<vmem_shared>> -> memref<128x128xf32, #tpu.memory_space<vmem_shared>>
      %dma_wait3A_98 = arith.constant 0 : i32
      %dma_wait3A_99 = arith.constant 0 : i32
      %dma_wait3A_100 = tpu.memref_slice %arg11[%dma_wait3A_98, %dma_wait3A_99] : memref<128x128xf32, #tpu.memory_space<vmem>> -> memref<128x128xf32, #tpu.memory_space<vmem>>
      tpu.wait_dma2 semaphore(%run_scoped3A : memref<!tpu.dma_semaphore, #tpu.memory_space<semaphore_mem>>) src(%dma_wait3A_100 : memref<128x128xf32, #tpu.memory_space<vmem>>) dst(%dma_wait3A_97 : memref<128x128xf32, #tpu.memory_space<vmem_shared>>)
      tpu.yield
    }) : () -> ()
    %add3A_8 = arith.constant 512 : i32
    %add3A_9 = arith.addi %mul3A_0, %add3A_8 : i32
    "tpu.region"() ({
      %run_scoped3A = tpu.sem_alloc : memref<!tpu.dma_semaphore, #tpu.memory_space<semaphore_mem>>
      %dma_start3A_81 = arith.constant 0 : i32
      %dma_start3A_82 = arith.constant 0 : i32
      %dma_start3A_83 = tpu.memref_slice %arg11[%dma_start3A_81, %dma_start3A_82] : memref<128x128xf32, #tpu.memory_space<vmem>> -> memref<120x128xf32, #tpu.memory_space<vmem>>
      %dma_start3A_84 = arith.constant 0 : i32
      %dma_start3A_85 = tpu.memref_slice %arg13[%add3A_9, %dma_start3A_84] : memref<10112x128xf32, #tpu.memory_space<vmem_shared>> -> memref<120x128xf32, #tpu.memory_space<vmem_shared>>
      %dma_start3A_86 = arith.constant 0 : i32
      %dma_start3A_87 = tpu.memref_slice %arg13[%add3A_9, %dma_start3A_86] : memref<10112x128xf32, #tpu.memory_space<vmem_shared>> -> memref<120x128xf32, #tpu.memory_space<vmem_shared>>
      %dma_start3A_88 = arith.constant 0 : i32
      %dma_start3A_89 = arith.constant 0 : i32
      %dma_start3A_90 = tpu.memref_slice %arg11[%dma_start3A_88, %dma_start3A_89] : memref<128x128xf32, #tpu.memory_space<vmem>> -> memref<120x128xf32, #tpu.memory_space<vmem>>
      tpu.enqueue_dma source(%dma_start3A_90 : memref<120x128xf32, #tpu.memory_space<vmem>>) target(%dma_start3A_87 : memref<120x128xf32, #tpu.memory_space<vmem_shared>>) target_semaphore(%run_scoped3A : memref<!tpu.dma_semaphore, #tpu.memory_space<semaphore_mem>>)
      %dma_wait3A_91 = arith.constant 0 : i32
      %dma_wait3A_92 = arith.constant 0 : i32
      %dma_wait3A_93 = tpu.memref_slice %arg11[%dma_wait3A_91, %dma_wait3A_92] : memref<128x128xf32, #tpu.memory_space<vmem>> -> memref<120x128xf32, #tpu.memory_space<vmem>>
      %dma_wait3A_94 = arith.constant 0 : i32
      %dma_wait3A_95 = tpu.memref_slice %arg13[%add3A_9, %dma_wait3A_94] : memref<10112x128xf32, #tpu.memory_space<vmem_shared>> -> memref<120x128xf32, #tpu.memory_space<vmem_shared>>
      %dma_wait3A_96 = arith.constant 0 : i32
      %dma_wait3A_97 = tpu.memref_slice %arg13[%add3A_9, %dma_wait3A_96] : memref<10112x128xf32, #tpu.memory_space<vmem_shared>> -> memref<120x128xf32, #tpu.memory_space<vmem_shared>>
      %dma_wait3A_98 = arith.constant 0 : i32
      %dma_wait3A_99 = arith.constant 0 : i32
      %dma_wait3A_100 = tpu.memref_slice %arg11[%dma_wait3A_98, %dma_wait3A_99] : memref<128x128xf32, #tpu.memory_space<vmem>> -> memref<120x128xf32, #tpu.memory_space<vmem>>
      tpu.wait_dma2 semaphore(%run_scoped3A : memref<!tpu.dma_semaphore, #tpu.memory_space<semaphore_mem>>) src(%dma_wait3A_100 : memref<120x128xf32, #tpu.memory_space<vmem>>) dst(%dma_wait3A_97 : memref<120x128xf32, #tpu.memory_space<vmem_shared>>)
      tpu.yield
    }) : () -> ()
    %barrier3A = arith.constant 0 : index
    tpu.barrier barrier_id(%barrier3A)
    %eq3A = arith.constant 0 : i32
    %eq3A_10 = arith.cmpi eq, %arg0, %eq3A : i32
    %mul3A_11 = arith.constant 16768 : i32
    %mul3A_12 = arith.muli %arg1, %mul3A_11 : i32
    %mul3A_13 = arith.constant 3456 : i32
    %mul3A_14 = arith.muli %arg1, %mul3A_13 : i32
    %add3A_15 = arith.constant 268288 : i32
    %add3A_16 = arith.addi %add3A_15, %mul3A_14 : i32
    %select_n3A = arith.select %eq3A_10, %mul3A_12, %add3A_16 : i32
    %eq3A_17 = arith.constant 0 : i32
    %eq3A_18 = arith.cmpi eq, %arg0, %eq3A_17 : i32
    %jit3A = arith.constant 65 : i32
    %jit3A_19 = arith.constant 13 : i32
    %select_n3A_20 = arith.select %eq3A_18, %jit3A, %jit3A_19 : i32
    %add3A_21 = arith.constant 0 : i32
    %add3A_22 = arith.addi %select_n3A, %add3A_21 : i32
    %multiple_of3A = tpu.assume_multiple %add3A_22, 128 : i32
    "tpu.region"() ({
      %run_scoped3A = tpu.sem_alloc : memref<!tpu.dma_semaphore, #tpu.memory_space<semaphore_mem>>
      %dma_start3A_81 = tpu.memref_slice %arg3[%multiple_of3A] : memref<323712xi32, #tpu.memory_space<hbm>> -> memref<128xi32, #tpu.memory_space<hbm>>
      %dma_start3A_82 = tpu.memref_slice %arg3[%multiple_of3A] : memref<323712xi32, #tpu.memory_space<hbm>> -> memref<128xi32, #tpu.memory_space<hbm>>
      tpu.enqueue_dma source(%dma_start3A_82 : memref<128xi32, #tpu.memory_space<hbm>>) target(%arg7 : memref<128xi32, #tpu.memory_space<vmem>>) target_semaphore(%run_scoped3A : memref<!tpu.dma_semaphore, #tpu.memory_space<semaphore_mem>>)
      %dma_wait3A_83 = tpu.memref_slice %arg3[%multiple_of3A] : memref<323712xi32, #tpu.memory_space<hbm>> -> memref<128xi32, #tpu.memory_space<hbm>>
      %dma_wait3A_84 = tpu.memref_slice %arg3[%multiple_of3A] : memref<323712xi32, #tpu.memory_space<hbm>> -> memref<128xi32, #tpu.memory_space<hbm>>
      tpu.wait_dma2 semaphore(%run_scoped3A : memref<!tpu.dma_semaphore, #tpu.memory_space<semaphore_mem>>) src(%dma_wait3A_84 : memref<128xi32, #tpu.memory_space<hbm>>) dst(%arg7 : memref<128xi32, #tpu.memory_space<vmem>>)
      tpu.yield
    }) : () -> ()
    %add3A_23 = arith.constant 0 : i32
    %add3A_24 = arith.addi %select_n3A, %add3A_23 : i32
    %multiple_of3A_25 = tpu.assume_multiple %add3A_24, 128 : i32
    "tpu.region"() ({
      %run_scoped3A = tpu.sem_alloc : memref<!tpu.dma_semaphore, #tpu.memory_space<semaphore_mem>>
      %dma_start3A_81 = tpu.memref_slice %arg4[%multiple_of3A_25] : memref<323712xi32, #tpu.memory_space<hbm>> -> memref<128xi32, #tpu.memory_space<hbm>>
      %dma_start3A_82 = tpu.memref_slice %arg4[%multiple_of3A_25] : memref<323712xi32, #tpu.memory_space<hbm>> -> memref<128xi32, #tpu.memory_space<hbm>>
      tpu.enqueue_dma source(%dma_start3A_82 : memref<128xi32, #tpu.memory_space<hbm>>) target(%arg8 : memref<128xi32, #tpu.memory_space<vmem>>) target_semaphore(%run_scoped3A : memref<!tpu.dma_semaphore, #tpu.memory_space<semaphore_mem>>)
      %dma_wait3A_83 = tpu.memref_slice %arg4[%multiple_of3A_25] : memref<323712xi32, #tpu.memory_space<hbm>> -> memref<128xi32, #tpu.memory_space<hbm>>
      %dma_wait3A_84 = tpu.memref_slice %arg4[%multiple_of3A_25] : memref<323712xi32, #tpu.memory_space<hbm>> -> memref<128xi32, #tpu.memory_space<hbm>>
      tpu.wait_dma2 semaphore(%run_scoped3A : memref<!tpu.dma_semaphore, #tpu.memory_space<semaphore_mem>>) src(%dma_wait3A_84 : memref<128xi32, #tpu.memory_space<hbm>>) dst(%arg8 : memref<128xi32, #tpu.memory_space<vmem>>)
      tpu.yield
    }) : () -> ()
    %dma_start3A = arith.constant 0 : i32
    %dma_start3A_26 = arith.constant 0 : i32
    %dma_start3A_27 = tpu.memref_slice %arg2[%dma_start3A, %dma_start3A_26] : memref<10001x128xf32, #tpu.memory_space<hbm>> -> memref<10001x128xf32, #tpu.memory_space<hbm>>
    tpu.enqueue_indirect_dma source(%dma_start3A_27 : memref<10001x128xf32, #tpu.memory_space<hbm>>) target(%arg11 : memref<128x128xf32, #tpu.memory_space<vmem>>) offsets(%arg7 : memref<128xi32, #tpu.memory_space<vmem>>) semaphore(%arg16 : memref<!tpu.dma_semaphore, #tpu.memory_space<semaphore_mem>>)
    %add3A_28 = arith.constant 128 : i32
    %add3A_29 = arith.addi %select_n3A, %add3A_28 : i32
    %multiple_of3A_30 = tpu.assume_multiple %add3A_29, 128 : i32
    %dma_start3A_31 = tpu.memref_slice %arg3[%multiple_of3A_30] : memref<323712xi32, #tpu.memory_space<hbm>> -> memref<128xi32, #tpu.memory_space<hbm>>
    %dma_start3A_32 = tpu.memref_slice %arg3[%multiple_of3A_30] : memref<323712xi32, #tpu.memory_space<hbm>> -> memref<128xi32, #tpu.memory_space<hbm>>
    tpu.enqueue_dma source(%dma_start3A_32 : memref<128xi32, #tpu.memory_space<hbm>>) target(%arg9 : memref<128xi32, #tpu.memory_space<vmem>>) target_semaphore(%arg15 : memref<!tpu.dma_semaphore, #tpu.memory_space<semaphore_mem>>)
    %add3A_33 = arith.constant 128 : i32
    %add3A_34 = arith.addi %select_n3A, %add3A_33 : i32
    %multiple_of3A_35 = tpu.assume_multiple %add3A_34, 128 : i32
    %dma_start3A_36 = tpu.memref_slice %arg4[%multiple_of3A_35] : memref<323712xi32, #tpu.memory_space<hbm>> -> memref<128xi32, #tpu.memory_space<hbm>>
    %dma_start3A_37 = tpu.memref_slice %arg4[%multiple_of3A_35] : memref<323712xi32, #tpu.memory_space<hbm>> -> memref<128xi32, #tpu.memory_space<hbm>>
    tpu.enqueue_dma source(%dma_start3A_37 : memref<128xi32, #tpu.memory_space<hbm>>) target(%arg10 : memref<128xi32, #tpu.memory_space<vmem>>) target_semaphore(%arg15 : memref<!tpu.dma_semaphore, #tpu.memory_space<semaphore_mem>>)
    %while3A = arith.constant 0 : i32
    %while3A_38 = arith.constant 0 : i32
    %while3A_39 = arith.subi %select_n3A_20, %while3A_38 : i32
    %while3A_40 = arith.addi %while3A_38, %while3A_39 : i32
    %while3A_41 = arith.constant 1 : i32
    %while3A_42 = arith.divsi %while3A_39, %while3A_41 : i32
    %while3A_43 = arith.muli %while3A_42, %while3A_41 : i32
    %while3A_44 = arith.addi %while3A_38, %while3A_43 : i32
    %while3A_45 = arith.constant 1 : i32
    scf.for %while3A_81 = %while3A_38 to %while3A_44 step %while3A_45  : i32 {
      %mul3A_82 = arith.constant 2 : i32
      %mul3A_83 = arith.muli %mul3A_82, %while3A_81 : i32
      %dma_wait3A_84 = arith.constant 0 : i32
      %dma_wait3A_85 = tpu.memref_slice %arg3[%dma_wait3A_84] : memref<323712xi32, #tpu.memory_space<hbm>> -> memref<128xi32, #tpu.memory_space<hbm>>
      %dma_wait3A_86 = arith.constant 0 : i32
      %dma_wait3A_87 = tpu.memref_slice %arg3[%dma_wait3A_86] : memref<323712xi32, #tpu.memory_space<hbm>> -> memref<128xi32, #tpu.memory_space<hbm>>
      tpu.wait_dma2 semaphore(%arg15 : memref<!tpu.dma_semaphore, #tpu.memory_space<semaphore_mem>>) src(%dma_wait3A_87 : memref<128xi32, #tpu.memory_space<hbm>>) dst(%arg9 : memref<128xi32, #tpu.memory_space<vmem>>)
      %dma_wait3A_88 = arith.constant 0 : i32
      %dma_wait3A_89 = tpu.memref_slice %arg4[%dma_wait3A_88] : memref<323712xi32, #tpu.memory_space<hbm>> -> memref<128xi32, #tpu.memory_space<hbm>>
      %dma_wait3A_90 = arith.constant 0 : i32
      %dma_wait3A_91 = tpu.memref_slice %arg4[%dma_wait3A_90] : memref<323712xi32, #tpu.memory_space<hbm>> -> memref<128xi32, #tpu.memory_space<hbm>>
      tpu.wait_dma2 semaphore(%arg15 : memref<!tpu.dma_semaphore, #tpu.memory_space<semaphore_mem>>) src(%dma_wait3A_91 : memref<128xi32, #tpu.memory_space<hbm>>) dst(%arg10 : memref<128xi32, #tpu.memory_space<vmem>>)
      %dma_start3A_92 = arith.constant 0 : i32
      %dma_start3A_93 = arith.constant 0 : i32
      %dma_start3A_94 = tpu.memref_slice %arg2[%dma_start3A_92, %dma_start3A_93] : memref<10001x128xf32, #tpu.memory_space<hbm>> -> memref<10001x128xf32, #tpu.memory_space<hbm>>
      tpu.enqueue_indirect_dma source(%dma_start3A_94 : memref<10001x128xf32, #tpu.memory_space<hbm>>) target(%arg12 : memref<128x128xf32, #tpu.memory_space<vmem>>) offsets(%arg9 : memref<128xi32, #tpu.memory_space<vmem>>) semaphore(%arg17 : memref<!tpu.dma_semaphore, #tpu.memory_space<semaphore_mem>>)
      %dma_wait3A_95 = arith.constant 0 : i32
      %dma_wait3A_96 = arith.constant 0 : i32
      %dma_wait3A_97 = tpu.memref_slice %arg2[%dma_wait3A_95, %dma_wait3A_96] : memref<10001x128xf32, #tpu.memory_space<hbm>> -> memref<10001x128xf32, #tpu.memory_space<hbm>>
      tpu.wait_indirect_dma semaphore(%arg16 : memref<!tpu.dma_semaphore, #tpu.memory_space<semaphore_mem>>) src(%dma_wait3A_97 : memref<10001x128xf32, #tpu.memory_space<hbm>>) dst(%arg11 : memref<128x128xf32, #tpu.memory_space<vmem>>)
      "tpu.region"() ({
        %run_scoped3A = tpu.sem_alloc : memref<!tpu.dma_semaphore, #tpu.memory_space<semaphore_mem>>
        %dma_start3A_140 = arith.constant 0 : i32
        %dma_start3A_141 = arith.constant 0 : i32
        %dma_start3A_142 = tpu.memref_slice %arg13[%dma_start3A_140, %dma_start3A_141] : memref<10112x128xf32, #tpu.memory_space<vmem_shared>> -> memref<10112x128xf32, #tpu.memory_space<vmem_shared>>
        tpu.enqueue_indirect_dma source(%arg11 : memref<128x128xf32, #tpu.memory_space<vmem>>) target(%dma_start3A_142 : memref<10112x128xf32, #tpu.memory_space<vmem_shared>>) offsets(%arg8 : memref<128xi32, #tpu.memory_space<vmem>>) semaphore(%run_scoped3A : memref<!tpu.dma_semaphore, #tpu.memory_space<semaphore_mem>>) {add = true}
        %dma_wait3A_143 = arith.constant 0 : i32
        %dma_wait3A_144 = arith.constant 0 : i32
        %dma_wait3A_145 = tpu.memref_slice %arg13[%dma_wait3A_143, %dma_wait3A_144] : memref<10112x128xf32, #tpu.memory_space<vmem_shared>> -> memref<10112x128xf32, #tpu.memory_space<vmem_shared>>
        tpu.wait_indirect_dma semaphore(%run_scoped3A : memref<!tpu.dma_semaphore, #tpu.memory_space<semaphore_mem>>) src(%arg11 : memref<128x128xf32, #tpu.memory_space<vmem>>) dst(%dma_wait3A_145 : memref<10112x128xf32, #tpu.memory_space<vmem_shared>>)
        tpu.yield
      }) : () -> ()
      %add3A_98 = arith.constant 2 : i32
      %add3A_99 = arith.addi %mul3A_83, %add3A_98 : i32
      %mul3A_100 = arith.constant 128 : i32
      %mul3A_101 = arith.muli %add3A_99, %mul3A_100 : i32
      %add3A_102 = arith.addi %select_n3A, %mul3A_101 : i32
      %multiple_of3A_103 = tpu.assume_multiple %add3A_102, 128 : i32
      %dma_start3A_104 = tpu.memref_slice %arg3[%multiple_of3A_103] : memref<323712xi32, #tpu.memory_space<hbm>> -> memref<128xi32, #tpu.memory_space<hbm>>
      %dma_start3A_105 = tpu.memref_slice %arg3[%multiple_of3A_103] : memref<323712xi32, #tpu.memory_space<hbm>> -> memref<128xi32, #tpu.memory_space<hbm>>
      tpu.enqueue_dma source(%dma_start3A_105 : memref<128xi32, #tpu.memory_space<hbm>>) target(%arg7 : memref<128xi32, #tpu.memory_space<vmem>>) target_semaphore(%arg14 : memref<!tpu.dma_semaphore, #tpu.memory_space<semaphore_mem>>)
      %mul3A_106 = arith.constant 128 : i32
      %mul3A_107 = arith.muli %add3A_99, %mul3A_106 : i32
      %add3A_108 = arith.addi %select_n3A, %mul3A_107 : i32
      %multiple_of3A_109 = tpu.assume_multiple %add3A_108, 128 : i32
      %dma_start3A_110 = tpu.memref_slice %arg4[%multiple_of3A_109] : memref<323712xi32, #tpu.memory_space<hbm>> -> memref<128xi32, #tpu.memory_space<hbm>>
      %dma_start3A_111 = tpu.memref_slice %arg4[%multiple_of3A_109] : memref<323712xi32, #tpu.memory_space<hbm>> -> memref<128xi32, #tpu.memory_space<hbm>>
      tpu.enqueue_dma source(%dma_start3A_111 : memref<128xi32, #tpu.memory_space<hbm>>) target(%arg8 : memref<128xi32, #tpu.memory_space<vmem>>) target_semaphore(%arg14 : memref<!tpu.dma_semaphore, #tpu.memory_space<semaphore_mem>>)
      %dma_wait3A_112 = arith.constant 0 : i32
      %dma_wait3A_113 = tpu.memref_slice %arg3[%dma_wait3A_112] : memref<323712xi32, #tpu.memory_space<hbm>> -> memref<128xi32, #tpu.memory_space<hbm>>
      %dma_wait3A_114 = arith.constant 0 : i32
      %dma_wait3A_115 = tpu.memref_slice %arg3[%dma_wait3A_114] : memref<323712xi32, #tpu.memory_space<hbm>> -> memref<128xi32, #tpu.memory_space<hbm>>
      tpu.wait_dma2 semaphore(%arg14 : memref<!tpu.dma_semaphore, #tpu.memory_space<semaphore_mem>>) src(%dma_wait3A_115 : memref<128xi32, #tpu.memory_space<hbm>>) dst(%arg7 : memref<128xi32, #tpu.memory_space<vmem>>)
      %dma_wait3A_116 = arith.constant 0 : i32
      %dma_wait3A_117 = tpu.memref_slice %arg4[%dma_wait3A_116] : memref<323712xi32, #tpu.memory_space<hbm>> -> memref<128xi32, #tpu.memory_space<hbm>>
      %dma_wait3A_118 = arith.constant 0 : i32
      %dma_wait3A_119 = tpu.memref_slice %arg4[%dma_wait3A_118] : memref<323712xi32, #tpu.memory_space<hbm>> -> memref<128xi32, #tpu.memory_space<hbm>>
      tpu.wait_dma2 semaphore(%arg14 : memref<!tpu.dma_semaphore, #tpu.memory_space<semaphore_mem>>) src(%dma_wait3A_119 : memref<128xi32, #tpu.memory_space<hbm>>) dst(%arg8 : memref<128xi32, #tpu.memory_space<vmem>>)
      %dma_start3A_120 = arith.constant 0 : i32
      %dma_start3A_121 = arith.constant 0 : i32
      %dma_start3A_122 = tpu.memref_slice %arg2[%dma_start3A_120, %dma_start3A_121] : memref<10001x128xf32, #tpu.memory_space<hbm>> -> memref<10001x128xf32, #tpu.memory_space<hbm>>
      tpu.enqueue_indirect_dma source(%dma_start3A_122 : memref<10001x128xf32, #tpu.memory_space<hbm>>) target(%arg11 : memref<128x128xf32, #tpu.memory_space<vmem>>) offsets(%arg7 : memref<128xi32, #tpu.memory_space<vmem>>) semaphore(%arg16 : memref<!tpu.dma_semaphore, #tpu.memory_space<semaphore_mem>>)
      %dma_wait3A_123 = arith.constant 0 : i32
      %dma_wait3A_124 = arith.constant 0 : i32
      %dma_wait3A_125 = tpu.memref_slice %arg2[%dma_wait3A_123, %dma_wait3A_124] : memref<10001x128xf32, #tpu.memory_space<hbm>> -> memref<10001x128xf32, #tpu.memory_space<hbm>>
      tpu.wait_indirect_dma semaphore(%arg17 : memref<!tpu.dma_semaphore, #tpu.memory_space<semaphore_mem>>) src(%dma_wait3A_125 : memref<10001x128xf32, #tpu.memory_space<hbm>>) dst(%arg12 : memref<128x128xf32, #tpu.memory_space<vmem>>)
      "tpu.region"() ({
        %run_scoped3A = tpu.sem_alloc : memref<!tpu.dma_semaphore, #tpu.memory_space<semaphore_mem>>
        %dma_start3A_140 = arith.constant 0 : i32
        %dma_start3A_141 = arith.constant 0 : i32
        %dma_start3A_142 = tpu.memref_slice %arg13[%dma_start3A_140, %dma_start3A_141] : memref<10112x128xf32, #tpu.memory_space<vmem_shared>> -> memref<10112x128xf32, #tpu.memory_space<vmem_shared>>
        tpu.enqueue_indirect_dma source(%arg12 : memref<128x128xf32, #tpu.memory_space<vmem>>) target(%dma_start3A_142 : memref<10112x128xf32, #tpu.memory_space<vmem_shared>>) offsets(%arg10 : memref<128xi32, #tpu.memory_space<vmem>>) semaphore(%run_scoped3A : memref<!tpu.dma_semaphore, #tpu.memory_space<semaphore_mem>>) {add = true}
        %dma_wait3A_143 = arith.constant 0 : i32
        %dma_wait3A_144 = arith.constant 0 : i32
        %dma_wait3A_145 = tpu.memref_slice %arg13[%dma_wait3A_143, %dma_wait3A_144] : memref<10112x128xf32, #tpu.memory_space<vmem_shared>> -> memref<10112x128xf32, #tpu.memory_space<vmem_shared>>
        tpu.wait_indirect_dma semaphore(%run_scoped3A : memref<!tpu.dma_semaphore, #tpu.memory_space<semaphore_mem>>) src(%arg12 : memref<128x128xf32, #tpu.memory_space<vmem>>) dst(%dma_wait3A_145 : memref<10112x128xf32, #tpu.memory_space<vmem_shared>>)
        tpu.yield
      }) : () -> ()
      %add3A_126 = arith.constant 3 : i32
      %add3A_127 = arith.addi %mul3A_83, %add3A_126 : i32
      %mul3A_128 = arith.constant 128 : i32
      %mul3A_129 = arith.muli %add3A_127, %mul3A_128 : i32
      %add3A_130 = arith.addi %select_n3A, %mul3A_129 : i32
      %multiple_of3A_131 = tpu.assume_multiple %add3A_130, 128 : i32
      %dma_start3A_132 = tpu.memref_slice %arg3[%multiple_of3A_131] : memref<323712xi32, #tpu.memory_space<hbm>> -> memref<128xi32, #tpu.memory_space<hbm>>
      %dma_start3A_133 = tpu.memref_slice %arg3[%multiple_of3A_131] : memref<323712xi32, #tpu.memory_space<hbm>> -> memref<128xi32, #tpu.memory_space<hbm>>
      tpu.enqueue_dma source(%dma_start3A_133 : memref<128xi32, #tpu.memory_space<hbm>>) target(%arg9 : memref<128xi32, #tpu.memory_space<vmem>>) target_semaphore(%arg15 : memref<!tpu.dma_semaphore, #tpu.memory_space<semaphore_mem>>)
      %mul3A_134 = arith.constant 128 : i32
      %mul3A_135 = arith.muli %add3A_127, %mul3A_134 : i32
      %add3A_136 = arith.addi %select_n3A, %mul3A_135 : i32
      %multiple_of3A_137 = tpu.assume_multiple %add3A_136, 128 : i32
      %dma_start3A_138 = tpu.memref_slice %arg4[%multiple_of3A_137] : memref<323712xi32, #tpu.memory_space<hbm>> -> memref<128xi32, #tpu.memory_space<hbm>>
      %dma_start3A_139 = tpu.memref_slice %arg4[%multiple_of3A_137] : memref<323712xi32, #tpu.memory_space<hbm>> -> memref<128xi32, #tpu.memory_space<hbm>>
      tpu.enqueue_dma source(%dma_start3A_139 : memref<128xi32, #tpu.memory_space<hbm>>) target(%arg10 : memref<128xi32, #tpu.memory_space<vmem>>) target_semaphore(%arg15 : memref<!tpu.dma_semaphore, #tpu.memory_space<semaphore_mem>>)
    }
    %while3A_46 = arith.constant 1 : i32
    scf.for %while3A_81 = %while3A_44 to %while3A_40 step %while3A_46  : i32 {
      %mul3A_82 = arith.constant 2 : i32
      %mul3A_83 = arith.muli %mul3A_82, %while3A_81 : i32
      %dma_wait3A_84 = arith.constant 0 : i32
      %dma_wait3A_85 = tpu.memref_slice %arg3[%dma_wait3A_84] : memref<323712xi32, #tpu.memory_space<hbm>> -> memref<128xi32, #tpu.memory_space<hbm>>
      %dma_wait3A_86 = arith.constant 0 : i32
      %dma_wait3A_87 = tpu.memref_slice %arg3[%dma_wait3A_86] : memref<323712xi32, #tpu.memory_space<hbm>> -> memref<128xi32, #tpu.memory_space<hbm>>
      tpu.wait_dma2 semaphore(%arg15 : memref<!tpu.dma_semaphore, #tpu.memory_space<semaphore_mem>>) src(%dma_wait3A_87 : memref<128xi32, #tpu.memory_space<hbm>>) dst(%arg9 : memref<128xi32, #tpu.memory_space<vmem>>)
      %dma_wait3A_88 = arith.constant 0 : i32
      %dma_wait3A_89 = tpu.memref_slice %arg4[%dma_wait3A_88] : memref<323712xi32, #tpu.memory_space<hbm>> -> memref<128xi32, #tpu.memory_space<hbm>>
      %dma_wait3A_90 = arith.constant 0 : i32
      %dma_wait3A_91 = tpu.memref_slice %arg4[%dma_wait3A_90] : memref<323712xi32, #tpu.memory_space<hbm>> -> memref<128xi32, #tpu.memory_space<hbm>>
      tpu.wait_dma2 semaphore(%arg15 : memref<!tpu.dma_semaphore, #tpu.memory_space<semaphore_mem>>) src(%dma_wait3A_91 : memref<128xi32, #tpu.memory_space<hbm>>) dst(%arg10 : memref<128xi32, #tpu.memory_space<vmem>>)
      %dma_start3A_92 = arith.constant 0 : i32
      %dma_start3A_93 = arith.constant 0 : i32
      %dma_start3A_94 = tpu.memref_slice %arg2[%dma_start3A_92, %dma_start3A_93] : memref<10001x128xf32, #tpu.memory_space<hbm>> -> memref<10001x128xf32, #tpu.memory_space<hbm>>
      tpu.enqueue_indirect_dma source(%dma_start3A_94 : memref<10001x128xf32, #tpu.memory_space<hbm>>) target(%arg12 : memref<128x128xf32, #tpu.memory_space<vmem>>) offsets(%arg9 : memref<128xi32, #tpu.memory_space<vmem>>) semaphore(%arg17 : memref<!tpu.dma_semaphore, #tpu.memory_space<semaphore_mem>>)
      %dma_wait3A_95 = arith.constant 0 : i32
      %dma_wait3A_96 = arith.constant 0 : i32
      %dma_wait3A_97 = tpu.memref_slice %arg2[%dma_wait3A_95, %dma_wait3A_96] : memref<10001x128xf32, #tpu.memory_space<hbm>> -> memref<10001x128xf32, #tpu.memory_space<hbm>>
      tpu.wait_indirect_dma semaphore(%arg16 : memref<!tpu.dma_semaphore, #tpu.memory_space<semaphore_mem>>) src(%dma_wait3A_97 : memref<10001x128xf32, #tpu.memory_space<hbm>>) dst(%arg11 : memref<128x128xf32, #tpu.memory_space<vmem>>)
      "tpu.region"() ({
        %run_scoped3A = tpu.sem_alloc : memref<!tpu.dma_semaphore, #tpu.memory_space<semaphore_mem>>
        %dma_start3A_140 = arith.constant 0 : i32
        %dma_start3A_141 = arith.constant 0 : i32
        %dma_start3A_142 = tpu.memref_slice %arg13[%dma_start3A_140, %dma_start3A_141] : memref<10112x128xf32, #tpu.memory_space<vmem_shared>> -> memref<10112x128xf32, #tpu.memory_space<vmem_shared>>
        tpu.enqueue_indirect_dma source(%arg11 : memref<128x128xf32, #tpu.memory_space<vmem>>) target(%dma_start3A_142 : memref<10112x128xf32, #tpu.memory_space<vmem_shared>>) offsets(%arg8 : memref<128xi32, #tpu.memory_space<vmem>>) semaphore(%run_scoped3A : memref<!tpu.dma_semaphore, #tpu.memory_space<semaphore_mem>>) {add = true}
        %dma_wait3A_143 = arith.constant 0 : i32
        %dma_wait3A_144 = arith.constant 0 : i32
        %dma_wait3A_145 = tpu.memref_slice %arg13[%dma_wait3A_143, %dma_wait3A_144] : memref<10112x128xf32, #tpu.memory_space<vmem_shared>> -> memref<10112x128xf32, #tpu.memory_space<vmem_shared>>
        tpu.wait_indirect_dma semaphore(%run_scoped3A : memref<!tpu.dma_semaphore, #tpu.memory_space<semaphore_mem>>) src(%arg11 : memref<128x128xf32, #tpu.memory_space<vmem>>) dst(%dma_wait3A_145 : memref<10112x128xf32, #tpu.memory_space<vmem_shared>>)
        tpu.yield
      }) : () -> ()
      %add3A_98 = arith.constant 2 : i32
      %add3A_99 = arith.addi %mul3A_83, %add3A_98 : i32
      %mul3A_100 = arith.constant 128 : i32
      %mul3A_101 = arith.muli %add3A_99, %mul3A_100 : i32
      %add3A_102 = arith.addi %select_n3A, %mul3A_101 : i32
      %multiple_of3A_103 = tpu.assume_multiple %add3A_102, 128 : i32
      %dma_start3A_104 = tpu.memref_slice %arg3[%multiple_of3A_103] : memref<323712xi32, #tpu.memory_space<hbm>> -> memref<128xi32, #tpu.memory_space<hbm>>
      %dma_start3A_105 = tpu.memref_slice %arg3[%multiple_of3A_103] : memref<323712xi32, #tpu.memory_space<hbm>> -> memref<128xi32, #tpu.memory_space<hbm>>
      tpu.enqueue_dma source(%dma_start3A_105 : memref<128xi32, #tpu.memory_space<hbm>>) target(%arg7 : memref<128xi32, #tpu.memory_space<vmem>>) target_semaphore(%arg14 : memref<!tpu.dma_semaphore, #tpu.memory_space<semaphore_mem>>)
      %mul3A_106 = arith.constant 128 : i32
      %mul3A_107 = arith.muli %add3A_99, %mul3A_106 : i32
      %add3A_108 = arith.addi %select_n3A, %mul3A_107 : i32
      %multiple_of3A_109 = tpu.assume_multiple %add3A_108, 128 : i32
      %dma_start3A_110 = tpu.memref_slice %arg4[%multiple_of3A_109] : memref<323712xi32, #tpu.memory_space<hbm>> -> memref<128xi32, #tpu.memory_space<hbm>>
      %dma_start3A_111 = tpu.memref_slice %arg4[%multiple_of3A_109] : memref<323712xi32, #tpu.memory_space<hbm>> -> memref<128xi32, #tpu.memory_space<hbm>>
      tpu.enqueue_dma source(%dma_start3A_111 : memref<128xi32, #tpu.memory_space<hbm>>) target(%arg8 : memref<128xi32, #tpu.memory_space<vmem>>) target_semaphore(%arg14 : memref<!tpu.dma_semaphore, #tpu.memory_space<semaphore_mem>>)
      %dma_wait3A_112 = arith.constant 0 : i32
      %dma_wait3A_113 = tpu.memref_slice %arg3[%dma_wait3A_112] : memref<323712xi32, #tpu.memory_space<hbm>> -> memref<128xi32, #tpu.memory_space<hbm>>
      %dma_wait3A_114 = arith.constant 0 : i32
      %dma_wait3A_115 = tpu.memref_slice %arg3[%dma_wait3A_114] : memref<323712xi32, #tpu.memory_space<hbm>> -> memref<128xi32, #tpu.memory_space<hbm>>
      tpu.wait_dma2 semaphore(%arg14 : memref<!tpu.dma_semaphore, #tpu.memory_space<semaphore_mem>>) src(%dma_wait3A_115 : memref<128xi32, #tpu.memory_space<hbm>>) dst(%arg7 : memref<128xi32, #tpu.memory_space<vmem>>)
      %dma_wait3A_116 = arith.constant 0 : i32
      %dma_wait3A_117 = tpu.memref_slice %arg4[%dma_wait3A_116] : memref<323712xi32, #tpu.memory_space<hbm>> -> memref<128xi32, #tpu.memory_space<hbm>>
      %dma_wait3A_118 = arith.constant 0 : i32
      %dma_wait3A_119 = tpu.memref_slice %arg4[%dma_wait3A_118] : memref<323712xi32, #tpu.memory_space<hbm>> -> memref<128xi32, #tpu.memory_space<hbm>>
      tpu.wait_dma2 semaphore(%arg14 : memref<!tpu.dma_semaphore, #tpu.memory_space<semaphore_mem>>) src(%dma_wait3A_119 : memref<128xi32, #tpu.memory_space<hbm>>) dst(%arg8 : memref<128xi32, #tpu.memory_space<vmem>>)
      %dma_start3A_120 = arith.constant 0 : i32
      %dma_start3A_121 = arith.constant 0 : i32
      %dma_start3A_122 = tpu.memref_slice %arg2[%dma_start3A_120, %dma_start3A_121] : memref<10001x128xf32, #tpu.memory_space<hbm>> -> memref<10001x128xf32, #tpu.memory_space<hbm>>
      tpu.enqueue_indirect_dma source(%dma_start3A_122 : memref<10001x128xf32, #tpu.memory_space<hbm>>) target(%arg11 : memref<128x128xf32, #tpu.memory_space<vmem>>) offsets(%arg7 : memref<128xi32, #tpu.memory_space<vmem>>) semaphore(%arg16 : memref<!tpu.dma_semaphore, #tpu.memory_space<semaphore_mem>>)
      %dma_wait3A_123 = arith.constant 0 : i32
      %dma_wait3A_124 = arith.constant 0 : i32
      %dma_wait3A_125 = tpu.memref_slice %arg2[%dma_wait3A_123, %dma_wait3A_124] : memref<10001x128xf32, #tpu.memory_space<hbm>> -> memref<10001x128xf32, #tpu.memory_space<hbm>>
      tpu.wait_indirect_dma semaphore(%arg17 : memref<!tpu.dma_semaphore, #tpu.memory_space<semaphore_mem>>) src(%dma_wait3A_125 : memref<10001x128xf32, #tpu.memory_space<hbm>>) dst(%arg12 : memref<128x128xf32, #tpu.memory_space<vmem>>)
      "tpu.region"() ({
        %run_scoped3A = tpu.sem_alloc : memref<!tpu.dma_semaphore, #tpu.memory_space<semaphore_mem>>
        %dma_start3A_140 = arith.constant 0 : i32
        %dma_start3A_141 = arith.constant 0 : i32
        %dma_start3A_142 = tpu.memref_slice %arg13[%dma_start3A_140, %dma_start3A_141] : memref<10112x128xf32, #tpu.memory_space<vmem_shared>> -> memref<10112x128xf32, #tpu.memory_space<vmem_shared>>
        tpu.enqueue_indirect_dma source(%arg12 : memref<128x128xf32, #tpu.memory_space<vmem>>) target(%dma_start3A_142 : memref<10112x128xf32, #tpu.memory_space<vmem_shared>>) offsets(%arg10 : memref<128xi32, #tpu.memory_space<vmem>>) semaphore(%run_scoped3A : memref<!tpu.dma_semaphore, #tpu.memory_space<semaphore_mem>>) {add = true}
        %dma_wait3A_143 = arith.constant 0 : i32
        %dma_wait3A_144 = arith.constant 0 : i32
        %dma_wait3A_145 = tpu.memref_slice %arg13[%dma_wait3A_143, %dma_wait3A_144] : memref<10112x128xf32, #tpu.memory_space<vmem_shared>> -> memref<10112x128xf32, #tpu.memory_space<vmem_shared>>
        tpu.wait_indirect_dma semaphore(%run_scoped3A : memref<!tpu.dma_semaphore, #tpu.memory_space<semaphore_mem>>) src(%arg12 : memref<128x128xf32, #tpu.memory_space<vmem>>) dst(%dma_wait3A_145 : memref<10112x128xf32, #tpu.memory_space<vmem_shared>>)
        tpu.yield
      }) : () -> ()
      %add3A_126 = arith.constant 3 : i32
      %add3A_127 = arith.addi %mul3A_83, %add3A_126 : i32
      %mul3A_128 = arith.constant 128 : i32
      %mul3A_129 = arith.muli %add3A_127, %mul3A_128 : i32
      %add3A_130 = arith.addi %select_n3A, %mul3A_129 : i32
      %multiple_of3A_131 = tpu.assume_multiple %add3A_130, 128 : i32
      %dma_start3A_132 = tpu.memref_slice %arg3[%multiple_of3A_131] : memref<323712xi32, #tpu.memory_space<hbm>> -> memref<128xi32, #tpu.memory_space<hbm>>
      %dma_start3A_133 = tpu.memref_slice %arg3[%multiple_of3A_131] : memref<323712xi32, #tpu.memory_space<hbm>> -> memref<128xi32, #tpu.memory_space<hbm>>
      tpu.enqueue_dma source(%dma_start3A_133 : memref<128xi32, #tpu.memory_space<hbm>>) target(%arg9 : memref<128xi32, #tpu.memory_space<vmem>>) target_semaphore(%arg15 : memref<!tpu.dma_semaphore, #tpu.memory_space<semaphore_mem>>)
      %mul3A_134 = arith.constant 128 : i32
      %mul3A_135 = arith.muli %add3A_127, %mul3A_134 : i32
      %add3A_136 = arith.addi %select_n3A, %mul3A_135 : i32
      %multiple_of3A_137 = tpu.assume_multiple %add3A_136, 128 : i32
      %dma_start3A_138 = tpu.memref_slice %arg4[%multiple_of3A_137] : memref<323712xi32, #tpu.memory_space<hbm>> -> memref<128xi32, #tpu.memory_space<hbm>>
      %dma_start3A_139 = tpu.memref_slice %arg4[%multiple_of3A_137] : memref<323712xi32, #tpu.memory_space<hbm>> -> memref<128xi32, #tpu.memory_space<hbm>>
      tpu.enqueue_dma source(%dma_start3A_139 : memref<128xi32, #tpu.memory_space<hbm>>) target(%arg10 : memref<128xi32, #tpu.memory_space<vmem>>) target_semaphore(%arg15 : memref<!tpu.dma_semaphore, #tpu.memory_space<semaphore_mem>>)
    }
    %dma_wait3A = arith.constant 0 : i32
    %dma_wait3A_47 = arith.constant 0 : i32
    %dma_wait3A_48 = tpu.memref_slice %arg2[%dma_wait3A, %dma_wait3A_47] : memref<10001x128xf32, #tpu.memory_space<hbm>> -> memref<10001x128xf32, #tpu.memory_space<hbm>>
    tpu.wait_indirect_dma semaphore(%arg16 : memref<!tpu.dma_semaphore, #tpu.memory_space<semaphore_mem>>) src(%dma_wait3A_48 : memref<10001x128xf32, #tpu.memory_space<hbm>>) dst(%arg11 : memref<128x128xf32, #tpu.memory_space<vmem>>)
    "tpu.region"() ({
      %run_scoped3A = tpu.sem_alloc : memref<!tpu.dma_semaphore, #tpu.memory_space<semaphore_mem>>
      %dma_start3A_81 = arith.constant 0 : i32
      %dma_start3A_82 = arith.constant 0 : i32
      %dma_start3A_83 = tpu.memref_slice %arg13[%dma_start3A_81, %dma_start3A_82] : memref<10112x128xf32, #tpu.memory_space<vmem_shared>> -> memref<10112x128xf32, #tpu.memory_space<vmem_shared>>
      tpu.enqueue_indirect_dma source(%arg11 : memref<128x128xf32, #tpu.memory_space<vmem>>) target(%dma_start3A_83 : memref<10112x128xf32, #tpu.memory_space<vmem_shared>>) offsets(%arg8 : memref<128xi32, #tpu.memory_space<vmem>>) semaphore(%run_scoped3A : memref<!tpu.dma_semaphore, #tpu.memory_space<semaphore_mem>>) {add = true}
      %dma_wait3A_84 = arith.constant 0 : i32
      %dma_wait3A_85 = arith.constant 0 : i32
      %dma_wait3A_86 = tpu.memref_slice %arg13[%dma_wait3A_84, %dma_wait3A_85] : memref<10112x128xf32, #tpu.memory_space<vmem_shared>> -> memref<10112x128xf32, #tpu.memory_space<vmem_shared>>
      tpu.wait_indirect_dma semaphore(%run_scoped3A : memref<!tpu.dma_semaphore, #tpu.memory_space<semaphore_mem>>) src(%arg11 : memref<128x128xf32, #tpu.memory_space<vmem>>) dst(%dma_wait3A_86 : memref<10112x128xf32, #tpu.memory_space<vmem_shared>>)
      tpu.yield
    }) : () -> ()
    %dma_wait3A_49 = arith.constant 0 : i32
    %dma_wait3A_50 = tpu.memref_slice %arg3[%dma_wait3A_49] : memref<323712xi32, #tpu.memory_space<hbm>> -> memref<128xi32, #tpu.memory_space<hbm>>
    %dma_wait3A_51 = arith.constant 0 : i32
    %dma_wait3A_52 = tpu.memref_slice %arg3[%dma_wait3A_51] : memref<323712xi32, #tpu.memory_space<hbm>> -> memref<128xi32, #tpu.memory_space<hbm>>
    tpu.wait_dma2 semaphore(%arg15 : memref<!tpu.dma_semaphore, #tpu.memory_space<semaphore_mem>>) src(%dma_wait3A_52 : memref<128xi32, #tpu.memory_space<hbm>>) dst(%arg9 : memref<128xi32, #tpu.memory_space<vmem>>)
    %dma_wait3A_53 = arith.constant 0 : i32
    %dma_wait3A_54 = tpu.memref_slice %arg4[%dma_wait3A_53] : memref<323712xi32, #tpu.memory_space<hbm>> -> memref<128xi32, #tpu.memory_space<hbm>>
    %dma_wait3A_55 = arith.constant 0 : i32
    %dma_wait3A_56 = tpu.memref_slice %arg4[%dma_wait3A_55] : memref<323712xi32, #tpu.memory_space<hbm>> -> memref<128xi32, #tpu.memory_space<hbm>>
    tpu.wait_dma2 semaphore(%arg15 : memref<!tpu.dma_semaphore, #tpu.memory_space<semaphore_mem>>) src(%dma_wait3A_56 : memref<128xi32, #tpu.memory_space<hbm>>) dst(%arg10 : memref<128xi32, #tpu.memory_space<vmem>>)
    %barrier3A_57 = arith.constant 0 : index
    tpu.barrier barrier_id(%barrier3A_57)
    %mul3A_58 = arith.constant 10112 : i32
    %mul3A_59 = arith.muli %arg0, %mul3A_58 : i32
    %add3A_60 = arith.addi %mul3A_59, %mul3A_0 : i32
    %add3A_61 = arith.constant 0 : i32
    %add3A_62 = arith.addi %mul3A_0, %add3A_61 : i32
    %add3A_63 = arith.constant 0 : i32
    %add3A_64 = arith.addi %add3A_60, %add3A_63 : i32
    "tpu.region"() ({
      %run_scoped3A = tpu.sem_alloc : memref<!tpu.dma_semaphore, #tpu.memory_space<semaphore_mem>>
      %dma_start3A_81 = arith.constant 0 : i32
      %dma_start3A_82 = tpu.memref_slice %arg6[%add3A_64, %dma_start3A_81] : memref<20224x128xf32, #tpu.memory_space<hbm>> -> memref<128x128xf32, #tpu.memory_space<hbm>>
      %dma_start3A_83 = arith.constant 0 : i32
      %dma_start3A_84 = tpu.memref_slice %arg13[%add3A_62, %dma_start3A_83] : memref<10112x128xf32, #tpu.memory_space<vmem_shared>> -> memref<128x128xf32, #tpu.memory_space<vmem_shared>>
      tpu.enqueue_dma source(%dma_start3A_84 : memref<128x128xf32, #tpu.memory_space<vmem_shared>>) target(%dma_start3A_82 : memref<128x128xf32, #tpu.memory_space<hbm>>) target_semaphore(%run_scoped3A : memref<!tpu.dma_semaphore, #tpu.memory_space<semaphore_mem>>)
      %dma_wait3A_85 = arith.constant 0 : i32
      %dma_wait3A_86 = tpu.memref_slice %arg6[%add3A_64, %dma_wait3A_85] : memref<20224x128xf32, #tpu.memory_space<hbm>> -> memref<128x128xf32, #tpu.memory_space<hbm>>
      %dma_wait3A_87 = arith.constant 0 : i32
      %dma_wait3A_88 = tpu.memref_slice %arg13[%add3A_62, %dma_wait3A_87] : memref<10112x128xf32, #tpu.memory_space<vmem_shared>> -> memref<128x128xf32, #tpu.memory_space<vmem_shared>>
      tpu.wait_dma2 semaphore(%run_scoped3A : memref<!tpu.dma_semaphore, #tpu.memory_space<semaphore_mem>>) src(%dma_wait3A_88 : memref<128x128xf32, #tpu.memory_space<vmem_shared>>) dst(%dma_wait3A_86 : memref<128x128xf32, #tpu.memory_space<hbm>>)
      tpu.yield
    }) : () -> ()
    %add3A_65 = arith.constant 128 : i32
    %add3A_66 = arith.addi %mul3A_0, %add3A_65 : i32
    %add3A_67 = arith.constant 128 : i32
    %add3A_68 = arith.addi %add3A_60, %add3A_67 : i32
    "tpu.region"() ({
      %run_scoped3A = tpu.sem_alloc : memref<!tpu.dma_semaphore, #tpu.memory_space<semaphore_mem>>
      %dma_start3A_81 = arith.constant 0 : i32
      %dma_start3A_82 = tpu.memref_slice %arg6[%add3A_68, %dma_start3A_81] : memref<20224x128xf32, #tpu.memory_space<hbm>> -> memref<128x128xf32, #tpu.memory_space<hbm>>
      %dma_start3A_83 = arith.constant 0 : i32
      %dma_start3A_84 = tpu.memref_slice %arg13[%add3A_66, %dma_start3A_83] : memref<10112x128xf32, #tpu.memory_space<vmem_shared>> -> memref<128x128xf32, #tpu.memory_space<vmem_shared>>
      tpu.enqueue_dma source(%dma_start3A_84 : memref<128x128xf32, #tpu.memory_space<vmem_shared>>) target(%dma_start3A_82 : memref<128x128xf32, #tpu.memory_space<hbm>>) target_semaphore(%run_scoped3A : memref<!tpu.dma_semaphore, #tpu.memory_space<semaphore_mem>>)
      %dma_wait3A_85 = arith.constant 0 : i32
      %dma_wait3A_86 = tpu.memref_slice %arg6[%add3A_68, %dma_wait3A_85] : memref<20224x128xf32, #tpu.memory_space<hbm>> -> memref<128x128xf32, #tpu.memory_space<hbm>>
      %dma_wait3A_87 = arith.constant 0 : i32
      %dma_wait3A_88 = tpu.memref_slice %arg13[%add3A_66, %dma_wait3A_87] : memref<10112x128xf32, #tpu.memory_space<vmem_shared>> -> memref<128x128xf32, #tpu.memory_space<vmem_shared>>
      tpu.wait_dma2 semaphore(%run_scoped3A : memref<!tpu.dma_semaphore, #tpu.memory_space<semaphore_mem>>) src(%dma_wait3A_88 : memref<128x128xf32, #tpu.memory_space<vmem_shared>>) dst(%dma_wait3A_86 : memref<128x128xf32, #tpu.memory_space<hbm>>)
      tpu.yield
    }) : () -> ()
    %add3A_69 = arith.constant 256 : i32
    %add3A_70 = arith.addi %mul3A_0, %add3A_69 : i32
    %add3A_71 = arith.constant 256 : i32
    %add3A_72 = arith.addi %add3A_60, %add3A_71 : i32
    "tpu.region"() ({
      %run_scoped3A = tpu.sem_alloc : memref<!tpu.dma_semaphore, #tpu.memory_space<semaphore_mem>>
      %dma_start3A_81 = arith.constant 0 : i32
      %dma_start3A_82 = tpu.memref_slice %arg6[%add3A_72, %dma_start3A_81] : memref<20224x128xf32, #tpu.memory_space<hbm>> -> memref<128x128xf32, #tpu.memory_space<hbm>>
      %dma_start3A_83 = arith.constant 0 : i32
      %dma_start3A_84 = tpu.memref_slice %arg13[%add3A_70, %dma_start3A_83] : memref<10112x128xf32, #tpu.memory_space<vmem_shared>> -> memref<128x128xf32, #tpu.memory_space<vmem_shared>>
      tpu.enqueue_dma source(%dma_start3A_84 : memref<128x128xf32, #tpu.memory_space<vmem_shared>>) target(%dma_start3A_82 : memref<128x128xf32, #tpu.memory_space<hbm>>) target_semaphore(%run_scoped3A : memref<!tpu.dma_semaphore, #tpu.memory_space<semaphore_mem>>)
      %dma_wait3A_85 = arith.constant 0 : i32
      %dma_wait3A_86 = tpu.memref_slice %arg6[%add3A_72, %dma_wait3A_85] : memref<20224x128xf32, #tpu.memory_space<hbm>> -> memref<128x128xf32, #tpu.memory_space<hbm>>
      %dma_wait3A_87 = arith.constant 0 : i32
      %dma_wait3A_88 = tpu.memref_slice %arg13[%add3A_70, %dma_wait3A_87] : memref<10112x128xf32, #tpu.memory_space<vmem_shared>> -> memref<128x128xf32, #tpu.memory_space<vmem_shared>>
      tpu.wait_dma2 semaphore(%run_scoped3A : memref<!tpu.dma_semaphore, #tpu.memory_space<semaphore_mem>>) src(%dma_wait3A_88 : memref<128x128xf32, #tpu.memory_space<vmem_shared>>) dst(%dma_wait3A_86 : memref<128x128xf32, #tpu.memory_space<hbm>>)
      tpu.yield
    }) : () -> ()
    %add3A_73 = arith.constant 384 : i32
    %add3A_74 = arith.addi %mul3A_0, %add3A_73 : i32
    %add3A_75 = arith.constant 384 : i32
    %add3A_76 = arith.addi %add3A_60, %add3A_75 : i32
    "tpu.region"() ({
      %run_scoped3A = tpu.sem_alloc : memref<!tpu.dma_semaphore, #tpu.memory_space<semaphore_mem>>
      %dma_start3A_81 = arith.constant 0 : i32
      %dma_start3A_82 = tpu.memref_slice %arg6[%add3A_76, %dma_start3A_81] : memref<20224x128xf32, #tpu.memory_space<hbm>> -> memref<128x128xf32, #tpu.memory_space<hbm>>
      %dma_start3A_83 = arith.constant 0 : i32
      %dma_start3A_84 = tpu.memref_slice %arg13[%add3A_74, %dma_start3A_83] : memref<10112x128xf32, #tpu.memory_space<vmem_shared>> -> memref<128x128xf32, #tpu.memory_space<vmem_shared>>
      tpu.enqueue_dma source(%dma_start3A_84 : memref<128x128xf32, #tpu.memory_space<vmem_shared>>) target(%dma_start3A_82 : memref<128x128xf32, #tpu.memory_space<hbm>>) target_semaphore(%run_scoped3A : memref<!tpu.dma_semaphore, #tpu.memory_space<semaphore_mem>>)
      %dma_wait3A_85 = arith.constant 0 : i32
      %dma_wait3A_86 = tpu.memref_slice %arg6[%add3A_76, %dma_wait3A_85] : memref<20224x128xf32, #tpu.memory_space<hbm>> -> memref<128x128xf32, #tpu.memory_space<hbm>>
      %dma_wait3A_87 = arith.constant 0 : i32
      %dma_wait3A_88 = tpu.memref_slice %arg13[%add3A_74, %dma_wait3A_87] : memref<10112x128xf32, #tpu.memory_space<vmem_shared>> -> memref<128x128xf32, #tpu.memory_space<vmem_shared>>
      tpu.wait_dma2 semaphore(%run_scoped3A : memref<!tpu.dma_semaphore, #tpu.memory_space<semaphore_mem>>) src(%dma_wait3A_88 : memref<128x128xf32, #tpu.memory_space<vmem_shared>>) dst(%dma_wait3A_86 : memref<128x128xf32, #tpu.memory_space<hbm>>)
      tpu.yield
    }) : () -> ()
    %add3A_77 = arith.constant 512 : i32
    %add3A_78 = arith.addi %mul3A_0, %add3A_77 : i32
    %add3A_79 = arith.constant 512 : i32
    %add3A_80 = arith.addi %add3A_60, %add3A_79 : i32
    "tpu.region"() ({
      %run_scoped3A = tpu.sem_alloc : memref<!tpu.dma_semaphore, #tpu.memory_space<semaphore_mem>>
      %dma_start3A_81 = arith.constant 0 : i32
      %dma_start3A_82 = tpu.memref_slice %arg6[%add3A_80, %dma_start3A_81] : memref<20224x128xf32, #tpu.memory_space<hbm>> -> memref<120x128xf32, #tpu.memory_space<hbm>>
      %dma_start3A_83 = arith.constant 0 : i32
      %dma_start3A_84 = tpu.memref_slice %arg13[%add3A_78, %dma_start3A_83] : memref<10112x128xf32, #tpu.memory_space<vmem_shared>> -> memref<120x128xf32, #tpu.memory_space<vmem_shared>>
      tpu.enqueue_dma source(%dma_start3A_84 : memref<120x128xf32, #tpu.memory_space<vmem_shared>>) target(%dma_start3A_82 : memref<120x128xf32, #tpu.memory_space<hbm>>) target_semaphore(%run_scoped3A : memref<!tpu.dma_semaphore, #tpu.memory_space<semaphore_mem>>)
      %dma_wait3A_85 = arith.constant 0 : i32
      %dma_wait3A_86 = tpu.memref_slice %arg6[%add3A_80, %dma_wait3A_85] : memref<20224x128xf32, #tpu.memory_space<hbm>> -> memref<120x128xf32, #tpu.memory_space<hbm>>
      %dma_wait3A_87 = arith.constant 0 : i32
      %dma_wait3A_88 = tpu.memref_slice %arg13[%add3A_78, %dma_wait3A_87] : memref<10112x128xf32, #tpu.memory_space<vmem_shared>> -> memref<120x128xf32, #tpu.memory_space<vmem_shared>>
      tpu.wait_dma2 semaphore(%run_scoped3A : memref<!tpu.dma_semaphore, #tpu.memory_space<semaphore_mem>>) src(%dma_wait3A_88 : memref<120x128xf32, #tpu.memory_space<vmem_shared>>) dst(%dma_wait3A_86 : memref<120x128xf32, #tpu.memory_space<hbm>>)
      tpu.yield
    }) : () -> ()
    return
  }
}

#map = affine_map<(d0, d1) -> (0, 0)>
#map1 = affine_map<(d0, d1) -> (0)>
module attributes {stable_mosaic.version = 14 : i64} {
  func.func @k(%arg0: i32, %arg1: i32, %arg2: memref<10001x64xf32, #tpu.memory_space<hbm>>, %arg3: memref<323712xi32, #tpu.memory_space<hbm>>, %arg4: memref<323712xi32, #tpu.memory_space<hbm>>, %arg5: memref<128x64xf32, #tpu.memory_space<hbm>>, %arg6: memref<20224x64xf32, #tpu.memory_space<hbm>>, %arg7: memref<128xi32, #tpu.memory_space<vmem>>, %arg8: memref<128xi32, #tpu.memory_space<vmem>>, %arg9: memref<128xi32, #tpu.memory_space<vmem>>, %arg10: memref<128xi32, #tpu.memory_space<vmem>>, %arg11: memref<128x64xf32, #tpu.memory_space<vmem>>, %arg12: memref<128x64xf32, #tpu.memory_space<vmem>>, %arg13: memref<10112x64xf32, #tpu.memory_space<vmem_shared>>, %arg14: memref<!tpu.dma_semaphore, #tpu.memory_space<semaphore_mem>>, %arg15: memref<!tpu.dma_semaphore, #tpu.memory_space<semaphore_mem>>, %arg16: memref<!tpu.dma_semaphore, #tpu.memory_space<semaphore_mem>>, %arg17: memref<!tpu.dma_semaphore, #tpu.memory_space<semaphore_mem>>) attributes {dimension_semantics = [#tpu.dimension_semantics<core_parallel>, #tpu.dimension_semantics<subcore_parallel>], iteration_bounds = array<i64: 2, 16>, scalar_prefetch = 0 : i64, scratch_operands = 11 : i64, tpu.core_type = #tpu.core_type<sc_vector_subcore>, window_params = [{transform_indices = #map}, {transform_indices = #map1}, {transform_indices = #map1}, {transform_indices = #map}, {transform_indices = #map}]} {
    %mul3A = arith.constant 632 : i32
    %mul3A_0 = arith.muli %arg1, %mul3A : i32
    "tpu.region"() ({
      %run_scoped3A = tpu.sem_alloc : memref<!tpu.dma_semaphore, #tpu.memory_space<semaphore_mem>>
      %dma_start3A_81 = arith.constant 0 : i32
      %dma_start3A_82 = arith.constant 0 : i32
      %dma_start3A_83 = tpu.memref_slice %arg5[%dma_start3A_81, %dma_start3A_82] : memref<128x64xf32, #tpu.memory_space<hbm>> -> memref<128x64xf32, #tpu.memory_space<hbm>>
      %dma_start3A_84 = arith.constant 0 : i32
      %dma_start3A_85 = arith.constant 0 : i32
      %dma_start3A_86 = tpu.memref_slice %arg5[%dma_start3A_84, %dma_start3A_85] : memref<128x64xf32, #tpu.memory_space<hbm>> -> memref<128x64xf32, #tpu.memory_space<hbm>>
      tpu.enqueue_dma source(%dma_start3A_86 : memref<128x64xf32, #tpu.memory_space<hbm>>) target(%arg11 : memref<128x64xf32, #tpu.memory_space<vmem>>) target_semaphore(%run_scoped3A : memref<!tpu.dma_semaphore, #tpu.memory_space<semaphore_mem>>)
      %dma_wait3A_87 = arith.constant 0 : i32
      %dma_wait3A_88 = arith.constant 0 : i32
      %dma_wait3A_89 = tpu.memref_slice %arg5[%dma_wait3A_87, %dma_wait3A_88] : memref<128x64xf32, #tpu.memory_space<hbm>> -> memref<128x64xf32, #tpu.memory_space<hbm>>
      %dma_wait3A_90 = arith.constant 0 : i32
      %dma_wait3A_91 = arith.constant 0 : i32
      %dma_wait3A_92 = tpu.memref_slice %arg5[%dma_wait3A_90, %dma_wait3A_91] : memref<128x64xf32, #tpu.memory_space<hbm>> -> memref<128x64xf32, #tpu.memory_space<hbm>>
      tpu.wait_dma2 semaphore(%run_scoped3A : memref<!tpu.dma_semaphore, #tpu.memory_space<semaphore_mem>>) src(%dma_wait3A_92 : memref<128x64xf32, #tpu.memory_space<hbm>>) dst(%arg11 : memref<128x64xf32, #tpu.memory_space<vmem>>)
      tpu.yield
    }) : () -> ()
    %add3A = arith.constant 0 : i32
    %add3A_1 = arith.addi %mul3A_0, %add3A : i32
    "tpu.region"() ({
      %run_scoped3A = tpu.sem_alloc : memref<!tpu.dma_semaphore, #tpu.memory_space<semaphore_mem>>
      %dma_start3A_81 = arith.constant 0 : i32
      %dma_start3A_82 = arith.constant 0 : i32
      %dma_start3A_83 = tpu.memref_slice %arg11[%dma_start3A_81, %dma_start3A_82] : memref<128x64xf32, #tpu.memory_space<vmem>> -> memref<128x64xf32, #tpu.memory_space<vmem>>
      %dma_start3A_84 = arith.constant 0 : i32
      %dma_start3A_85 = tpu.memref_slice %arg13[%add3A_1, %dma_start3A_84] : memref<10112x64xf32, #tpu.memory_space<vmem_shared>> -> memref<128x64xf32, #tpu.memory_space<vmem_shared>>
      %dma_start3A_86 = arith.constant 0 : i32
      %dma_start3A_87 = tpu.memref_slice %arg13[%add3A_1, %dma_start3A_86] : memref<10112x64xf32, #tpu.memory_space<vmem_shared>> -> memref<128x64xf32, #tpu.memory_space<vmem_shared>>
      %dma_start3A_88 = arith.constant 0 : i32
      %dma_start3A_89 = arith.constant 0 : i32
      %dma_start3A_90 = tpu.memref_slice %arg11[%dma_start3A_88, %dma_start3A_89] : memref<128x64xf32, #tpu.memory_space<vmem>> -> memref<128x64xf32, #tpu.memory_space<vmem>>
      tpu.enqueue_dma source(%dma_start3A_90 : memref<128x64xf32, #tpu.memory_space<vmem>>) target(%dma_start3A_87 : memref<128x64xf32, #tpu.memory_space<vmem_shared>>) target_semaphore(%run_scoped3A : memref<!tpu.dma_semaphore, #tpu.memory_space<semaphore_mem>>)
      %dma_wait3A_91 = arith.constant 0 : i32
      %dma_wait3A_92 = arith.constant 0 : i32
      %dma_wait3A_93 = tpu.memref_slice %arg11[%dma_wait3A_91, %dma_wait3A_92] : memref<128x64xf32, #tpu.memory_space<vmem>> -> memref<128x64xf32, #tpu.memory_space<vmem>>
      %dma_wait3A_94 = arith.constant 0 : i32
      %dma_wait3A_95 = tpu.memref_slice %arg13[%add3A_1, %dma_wait3A_94] : memref<10112x64xf32, #tpu.memory_space<vmem_shared>> -> memref<128x64xf32, #tpu.memory_space<vmem_shared>>
      %dma_wait3A_96 = arith.constant 0 : i32
      %dma_wait3A_97 = tpu.memref_slice %arg13[%add3A_1, %dma_wait3A_96] : memref<10112x64xf32, #tpu.memory_space<vmem_shared>> -> memref<128x64xf32, #tpu.memory_space<vmem_shared>>
      %dma_wait3A_98 = arith.constant 0 : i32
      %dma_wait3A_99 = arith.constant 0 : i32
      %dma_wait3A_100 = tpu.memref_slice %arg11[%dma_wait3A_98, %dma_wait3A_99] : memref<128x64xf32, #tpu.memory_space<vmem>> -> memref<128x64xf32, #tpu.memory_space<vmem>>
      tpu.wait_dma2 semaphore(%run_scoped3A : memref<!tpu.dma_semaphore, #tpu.memory_space<semaphore_mem>>) src(%dma_wait3A_100 : memref<128x64xf32, #tpu.memory_space<vmem>>) dst(%dma_wait3A_97 : memref<128x64xf32, #tpu.memory_space<vmem_shared>>)
      tpu.yield
    }) : () -> ()
    %add3A_2 = arith.constant 128 : i32
    %add3A_3 = arith.addi %mul3A_0, %add3A_2 : i32
    "tpu.region"() ({
      %run_scoped3A = tpu.sem_alloc : memref<!tpu.dma_semaphore, #tpu.memory_space<semaphore_mem>>
      %dma_start3A_81 = arith.constant 0 : i32
      %dma_start3A_82 = arith.constant 0 : i32
      %dma_start3A_83 = tpu.memref_slice %arg11[%dma_start3A_81, %dma_start3A_82] : memref<128x64xf32, #tpu.memory_space<vmem>> -> memref<128x64xf32, #tpu.memory_space<vmem>>
      %dma_start3A_84 = arith.constant 0 : i32
      %dma_start3A_85 = tpu.memref_slice %arg13[%add3A_3, %dma_start3A_84] : memref<10112x64xf32, #tpu.memory_space<vmem_shared>> -> memref<128x64xf32, #tpu.memory_space<vmem_shared>>
      %dma_start3A_86 = arith.constant 0 : i32
      %dma_start3A_87 = tpu.memref_slice %arg13[%add3A_3, %dma_start3A_86] : memref<10112x64xf32, #tpu.memory_space<vmem_shared>> -> memref<128x64xf32, #tpu.memory_space<vmem_shared>>
      %dma_start3A_88 = arith.constant 0 : i32
      %dma_start3A_89 = arith.constant 0 : i32
      %dma_start3A_90 = tpu.memref_slice %arg11[%dma_start3A_88, %dma_start3A_89] : memref<128x64xf32, #tpu.memory_space<vmem>> -> memref<128x64xf32, #tpu.memory_space<vmem>>
      tpu.enqueue_dma source(%dma_start3A_90 : memref<128x64xf32, #tpu.memory_space<vmem>>) target(%dma_start3A_87 : memref<128x64xf32, #tpu.memory_space<vmem_shared>>) target_semaphore(%run_scoped3A : memref<!tpu.dma_semaphore, #tpu.memory_space<semaphore_mem>>)
      %dma_wait3A_91 = arith.constant 0 : i32
      %dma_wait3A_92 = arith.constant 0 : i32
      %dma_wait3A_93 = tpu.memref_slice %arg11[%dma_wait3A_91, %dma_wait3A_92] : memref<128x64xf32, #tpu.memory_space<vmem>> -> memref<128x64xf32, #tpu.memory_space<vmem>>
      %dma_wait3A_94 = arith.constant 0 : i32
      %dma_wait3A_95 = tpu.memref_slice %arg13[%add3A_3, %dma_wait3A_94] : memref<10112x64xf32, #tpu.memory_space<vmem_shared>> -> memref<128x64xf32, #tpu.memory_space<vmem_shared>>
      %dma_wait3A_96 = arith.constant 0 : i32
      %dma_wait3A_97 = tpu.memref_slice %arg13[%add3A_3, %dma_wait3A_96] : memref<10112x64xf32, #tpu.memory_space<vmem_shared>> -> memref<128x64xf32, #tpu.memory_space<vmem_shared>>
      %dma_wait3A_98 = arith.constant 0 : i32
      %dma_wait3A_99 = arith.constant 0 : i32
      %dma_wait3A_100 = tpu.memref_slice %arg11[%dma_wait3A_98, %dma_wait3A_99] : memref<128x64xf32, #tpu.memory_space<vmem>> -> memref<128x64xf32, #tpu.memory_space<vmem>>
      tpu.wait_dma2 semaphore(%run_scoped3A : memref<!tpu.dma_semaphore, #tpu.memory_space<semaphore_mem>>) src(%dma_wait3A_100 : memref<128x64xf32, #tpu.memory_space<vmem>>) dst(%dma_wait3A_97 : memref<128x64xf32, #tpu.memory_space<vmem_shared>>)
      tpu.yield
    }) : () -> ()
    %add3A_4 = arith.constant 256 : i32
    %add3A_5 = arith.addi %mul3A_0, %add3A_4 : i32
    "tpu.region"() ({
      %run_scoped3A = tpu.sem_alloc : memref<!tpu.dma_semaphore, #tpu.memory_space<semaphore_mem>>
      %dma_start3A_81 = arith.constant 0 : i32
      %dma_start3A_82 = arith.constant 0 : i32
      %dma_start3A_83 = tpu.memref_slice %arg11[%dma_start3A_81, %dma_start3A_82] : memref<128x64xf32, #tpu.memory_space<vmem>> -> memref<128x64xf32, #tpu.memory_space<vmem>>
      %dma_start3A_84 = arith.constant 0 : i32
      %dma_start3A_85 = tpu.memref_slice %arg13[%add3A_5, %dma_start3A_84] : memref<10112x64xf32, #tpu.memory_space<vmem_shared>> -> memref<128x64xf32, #tpu.memory_space<vmem_shared>>
      %dma_start3A_86 = arith.constant 0 : i32
      %dma_start3A_87 = tpu.memref_slice %arg13[%add3A_5, %dma_start3A_86] : memref<10112x64xf32, #tpu.memory_space<vmem_shared>> -> memref<128x64xf32, #tpu.memory_space<vmem_shared>>
      %dma_start3A_88 = arith.constant 0 : i32
      %dma_start3A_89 = arith.constant 0 : i32
      %dma_start3A_90 = tpu.memref_slice %arg11[%dma_start3A_88, %dma_start3A_89] : memref<128x64xf32, #tpu.memory_space<vmem>> -> memref<128x64xf32, #tpu.memory_space<vmem>>
      tpu.enqueue_dma source(%dma_start3A_90 : memref<128x64xf32, #tpu.memory_space<vmem>>) target(%dma_start3A_87 : memref<128x64xf32, #tpu.memory_space<vmem_shared>>) target_semaphore(%run_scoped3A : memref<!tpu.dma_semaphore, #tpu.memory_space<semaphore_mem>>)
      %dma_wait3A_91 = arith.constant 0 : i32
      %dma_wait3A_92 = arith.constant 0 : i32
      %dma_wait3A_93 = tpu.memref_slice %arg11[%dma_wait3A_91, %dma_wait3A_92] : memref<128x64xf32, #tpu.memory_space<vmem>> -> memref<128x64xf32, #tpu.memory_space<vmem>>
      %dma_wait3A_94 = arith.constant 0 : i32
      %dma_wait3A_95 = tpu.memref_slice %arg13[%add3A_5, %dma_wait3A_94] : memref<10112x64xf32, #tpu.memory_space<vmem_shared>> -> memref<128x64xf32, #tpu.memory_space<vmem_shared>>
      %dma_wait3A_96 = arith.constant 0 : i32
      %dma_wait3A_97 = tpu.memref_slice %arg13[%add3A_5, %dma_wait3A_96] : memref<10112x64xf32, #tpu.memory_space<vmem_shared>> -> memref<128x64xf32, #tpu.memory_space<vmem_shared>>
      %dma_wait3A_98 = arith.constant 0 : i32
      %dma_wait3A_99 = arith.constant 0 : i32
      %dma_wait3A_100 = tpu.memref_slice %arg11[%dma_wait3A_98, %dma_wait3A_99] : memref<128x64xf32, #tpu.memory_space<vmem>> -> memref<128x64xf32, #tpu.memory_space<vmem>>
      tpu.wait_dma2 semaphore(%run_scoped3A : memref<!tpu.dma_semaphore, #tpu.memory_space<semaphore_mem>>) src(%dma_wait3A_100 : memref<128x64xf32, #tpu.memory_space<vmem>>) dst(%dma_wait3A_97 : memref<128x64xf32, #tpu.memory_space<vmem_shared>>)
      tpu.yield
    }) : () -> ()
    %add3A_6 = arith.constant 384 : i32
    %add3A_7 = arith.addi %mul3A_0, %add3A_6 : i32
    "tpu.region"() ({
      %run_scoped3A = tpu.sem_alloc : memref<!tpu.dma_semaphore, #tpu.memory_space<semaphore_mem>>
      %dma_start3A_81 = arith.constant 0 : i32
      %dma_start3A_82 = arith.constant 0 : i32
      %dma_start3A_83 = tpu.memref_slice %arg11[%dma_start3A_81, %dma_start3A_82] : memref<128x64xf32, #tpu.memory_space<vmem>> -> memref<128x64xf32, #tpu.memory_space<vmem>>
      %dma_start3A_84 = arith.constant 0 : i32
      %dma_start3A_85 = tpu.memref_slice %arg13[%add3A_7, %dma_start3A_84] : memref<10112x64xf32, #tpu.memory_space<vmem_shared>> -> memref<128x64xf32, #tpu.memory_space<vmem_shared>>
      %dma_start3A_86 = arith.constant 0 : i32
      %dma_start3A_87 = tpu.memref_slice %arg13[%add3A_7, %dma_start3A_86] : memref<10112x64xf32, #tpu.memory_space<vmem_shared>> -> memref<128x64xf32, #tpu.memory_space<vmem_shared>>
      %dma_start3A_88 = arith.constant 0 : i32
      %dma_start3A_89 = arith.constant 0 : i32
      %dma_start3A_90 = tpu.memref_slice %arg11[%dma_start3A_88, %dma_start3A_89] : memref<128x64xf32, #tpu.memory_space<vmem>> -> memref<128x64xf32, #tpu.memory_space<vmem>>
      tpu.enqueue_dma source(%dma_start3A_90 : memref<128x64xf32, #tpu.memory_space<vmem>>) target(%dma_start3A_87 : memref<128x64xf32, #tpu.memory_space<vmem_shared>>) target_semaphore(%run_scoped3A : memref<!tpu.dma_semaphore, #tpu.memory_space<semaphore_mem>>)
      %dma_wait3A_91 = arith.constant 0 : i32
      %dma_wait3A_92 = arith.constant 0 : i32
      %dma_wait3A_93 = tpu.memref_slice %arg11[%dma_wait3A_91, %dma_wait3A_92] : memref<128x64xf32, #tpu.memory_space<vmem>> -> memref<128x64xf32, #tpu.memory_space<vmem>>
      %dma_wait3A_94 = arith.constant 0 : i32
      %dma_wait3A_95 = tpu.memref_slice %arg13[%add3A_7, %dma_wait3A_94] : memref<10112x64xf32, #tpu.memory_space<vmem_shared>> -> memref<128x64xf32, #tpu.memory_space<vmem_shared>>
      %dma_wait3A_96 = arith.constant 0 : i32
      %dma_wait3A_97 = tpu.memref_slice %arg13[%add3A_7, %dma_wait3A_96] : memref<10112x64xf32, #tpu.memory_space<vmem_shared>> -> memref<128x64xf32, #tpu.memory_space<vmem_shared>>
      %dma_wait3A_98 = arith.constant 0 : i32
      %dma_wait3A_99 = arith.constant 0 : i32
      %dma_wait3A_100 = tpu.memref_slice %arg11[%dma_wait3A_98, %dma_wait3A_99] : memref<128x64xf32, #tpu.memory_space<vmem>> -> memref<128x64xf32, #tpu.memory_space<vmem>>
      tpu.wait_dma2 semaphore(%run_scoped3A : memref<!tpu.dma_semaphore, #tpu.memory_space<semaphore_mem>>) src(%dma_wait3A_100 : memref<128x64xf32, #tpu.memory_space<vmem>>) dst(%dma_wait3A_97 : memref<128x64xf32, #tpu.memory_space<vmem_shared>>)
      tpu.yield
    }) : () -> ()
    %add3A_8 = arith.constant 512 : i32
    %add3A_9 = arith.addi %mul3A_0, %add3A_8 : i32
    "tpu.region"() ({
      %run_scoped3A = tpu.sem_alloc : memref<!tpu.dma_semaphore, #tpu.memory_space<semaphore_mem>>
      %dma_start3A_81 = arith.constant 0 : i32
      %dma_start3A_82 = arith.constant 0 : i32
      %dma_start3A_83 = tpu.memref_slice %arg11[%dma_start3A_81, %dma_start3A_82] : memref<128x64xf32, #tpu.memory_space<vmem>> -> memref<120x64xf32, #tpu.memory_space<vmem>>
      %dma_start3A_84 = arith.constant 0 : i32
      %dma_start3A_85 = tpu.memref_slice %arg13[%add3A_9, %dma_start3A_84] : memref<10112x64xf32, #tpu.memory_space<vmem_shared>> -> memref<120x64xf32, #tpu.memory_space<vmem_shared>>
      %dma_start3A_86 = arith.constant 0 : i32
      %dma_start3A_87 = tpu.memref_slice %arg13[%add3A_9, %dma_start3A_86] : memref<10112x64xf32, #tpu.memory_space<vmem_shared>> -> memref<120x64xf32, #tpu.memory_space<vmem_shared>>
      %dma_start3A_88 = arith.constant 0 : i32
      %dma_start3A_89 = arith.constant 0 : i32
      %dma_start3A_90 = tpu.memref_slice %arg11[%dma_start3A_88, %dma_start3A_89] : memref<128x64xf32, #tpu.memory_space<vmem>> -> memref<120x64xf32, #tpu.memory_space<vmem>>
      tpu.enqueue_dma source(%dma_start3A_90 : memref<120x64xf32, #tpu.memory_space<vmem>>) target(%dma_start3A_87 : memref<120x64xf32, #tpu.memory_space<vmem_shared>>) target_semaphore(%run_scoped3A : memref<!tpu.dma_semaphore, #tpu.memory_space<semaphore_mem>>)
      %dma_wait3A_91 = arith.constant 0 : i32
      %dma_wait3A_92 = arith.constant 0 : i32
      %dma_wait3A_93 = tpu.memref_slice %arg11[%dma_wait3A_91, %dma_wait3A_92] : memref<128x64xf32, #tpu.memory_space<vmem>> -> memref<120x64xf32, #tpu.memory_space<vmem>>
      %dma_wait3A_94 = arith.constant 0 : i32
      %dma_wait3A_95 = tpu.memref_slice %arg13[%add3A_9, %dma_wait3A_94] : memref<10112x64xf32, #tpu.memory_space<vmem_shared>> -> memref<120x64xf32, #tpu.memory_space<vmem_shared>>
      %dma_wait3A_96 = arith.constant 0 : i32
      %dma_wait3A_97 = tpu.memref_slice %arg13[%add3A_9, %dma_wait3A_96] : memref<10112x64xf32, #tpu.memory_space<vmem_shared>> -> memref<120x64xf32, #tpu.memory_space<vmem_shared>>
      %dma_wait3A_98 = arith.constant 0 : i32
      %dma_wait3A_99 = arith.constant 0 : i32
      %dma_wait3A_100 = tpu.memref_slice %arg11[%dma_wait3A_98, %dma_wait3A_99] : memref<128x64xf32, #tpu.memory_space<vmem>> -> memref<120x64xf32, #tpu.memory_space<vmem>>
      tpu.wait_dma2 semaphore(%run_scoped3A : memref<!tpu.dma_semaphore, #tpu.memory_space<semaphore_mem>>) src(%dma_wait3A_100 : memref<120x64xf32, #tpu.memory_space<vmem>>) dst(%dma_wait3A_97 : memref<120x64xf32, #tpu.memory_space<vmem_shared>>)
      tpu.yield
    }) : () -> ()
    %barrier3A = arith.constant 0 : index
    tpu.barrier barrier_id(%barrier3A)
    %eq3A = arith.constant 0 : i32
    %eq3A_10 = arith.cmpi eq, %arg0, %eq3A : i32
    %mul3A_11 = arith.constant 12416 : i32
    %mul3A_12 = arith.muli %arg1, %mul3A_11 : i32
    %mul3A_13 = arith.constant 7808 : i32
    %mul3A_14 = arith.muli %arg1, %mul3A_13 : i32
    %add3A_15 = arith.constant 198656 : i32
    %add3A_16 = arith.addi %add3A_15, %mul3A_14 : i32
    %select_n3A = arith.select %eq3A_10, %mul3A_12, %add3A_16 : i32
    %eq3A_17 = arith.constant 0 : i32
    %eq3A_18 = arith.cmpi eq, %arg0, %eq3A_17 : i32
    %jit3A = arith.constant 48 : i32
    %jit3A_19 = arith.constant 30 : i32
    %select_n3A_20 = arith.select %eq3A_18, %jit3A, %jit3A_19 : i32
    %add3A_21 = arith.constant 0 : i32
    %add3A_22 = arith.addi %select_n3A, %add3A_21 : i32
    %multiple_of3A = tpu.assume_multiple %add3A_22, 128 : i32
    "tpu.region"() ({
      %run_scoped3A = tpu.sem_alloc : memref<!tpu.dma_semaphore, #tpu.memory_space<semaphore_mem>>
      %dma_start3A_81 = tpu.memref_slice %arg3[%multiple_of3A] : memref<323712xi32, #tpu.memory_space<hbm>> -> memref<128xi32, #tpu.memory_space<hbm>>
      %dma_start3A_82 = tpu.memref_slice %arg3[%multiple_of3A] : memref<323712xi32, #tpu.memory_space<hbm>> -> memref<128xi32, #tpu.memory_space<hbm>>
      tpu.enqueue_dma source(%dma_start3A_82 : memref<128xi32, #tpu.memory_space<hbm>>) target(%arg7 : memref<128xi32, #tpu.memory_space<vmem>>) target_semaphore(%run_scoped3A : memref<!tpu.dma_semaphore, #tpu.memory_space<semaphore_mem>>)
      %dma_wait3A_83 = tpu.memref_slice %arg3[%multiple_of3A] : memref<323712xi32, #tpu.memory_space<hbm>> -> memref<128xi32, #tpu.memory_space<hbm>>
      %dma_wait3A_84 = tpu.memref_slice %arg3[%multiple_of3A] : memref<323712xi32, #tpu.memory_space<hbm>> -> memref<128xi32, #tpu.memory_space<hbm>>
      tpu.wait_dma2 semaphore(%run_scoped3A : memref<!tpu.dma_semaphore, #tpu.memory_space<semaphore_mem>>) src(%dma_wait3A_84 : memref<128xi32, #tpu.memory_space<hbm>>) dst(%arg7 : memref<128xi32, #tpu.memory_space<vmem>>)
      tpu.yield
    }) : () -> ()
    %add3A_23 = arith.constant 0 : i32
    %add3A_24 = arith.addi %select_n3A, %add3A_23 : i32
    %multiple_of3A_25 = tpu.assume_multiple %add3A_24, 128 : i32
    "tpu.region"() ({
      %run_scoped3A = tpu.sem_alloc : memref<!tpu.dma_semaphore, #tpu.memory_space<semaphore_mem>>
      %dma_start3A_81 = tpu.memref_slice %arg4[%multiple_of3A_25] : memref<323712xi32, #tpu.memory_space<hbm>> -> memref<128xi32, #tpu.memory_space<hbm>>
      %dma_start3A_82 = tpu.memref_slice %arg4[%multiple_of3A_25] : memref<323712xi32, #tpu.memory_space<hbm>> -> memref<128xi32, #tpu.memory_space<hbm>>
      tpu.enqueue_dma source(%dma_start3A_82 : memref<128xi32, #tpu.memory_space<hbm>>) target(%arg8 : memref<128xi32, #tpu.memory_space<vmem>>) target_semaphore(%run_scoped3A : memref<!tpu.dma_semaphore, #tpu.memory_space<semaphore_mem>>)
      %dma_wait3A_83 = tpu.memref_slice %arg4[%multiple_of3A_25] : memref<323712xi32, #tpu.memory_space<hbm>> -> memref<128xi32, #tpu.memory_space<hbm>>
      %dma_wait3A_84 = tpu.memref_slice %arg4[%multiple_of3A_25] : memref<323712xi32, #tpu.memory_space<hbm>> -> memref<128xi32, #tpu.memory_space<hbm>>
      tpu.wait_dma2 semaphore(%run_scoped3A : memref<!tpu.dma_semaphore, #tpu.memory_space<semaphore_mem>>) src(%dma_wait3A_84 : memref<128xi32, #tpu.memory_space<hbm>>) dst(%arg8 : memref<128xi32, #tpu.memory_space<vmem>>)
      tpu.yield
    }) : () -> ()
    %dma_start3A = arith.constant 0 : i32
    %dma_start3A_26 = arith.constant 0 : i32
    %dma_start3A_27 = tpu.memref_slice %arg2[%dma_start3A, %dma_start3A_26] : memref<10001x64xf32, #tpu.memory_space<hbm>> -> memref<10001x64xf32, #tpu.memory_space<hbm>>
    tpu.enqueue_indirect_dma source(%dma_start3A_27 : memref<10001x64xf32, #tpu.memory_space<hbm>>) target(%arg11 : memref<128x64xf32, #tpu.memory_space<vmem>>) offsets(%arg7 : memref<128xi32, #tpu.memory_space<vmem>>) semaphore(%arg16 : memref<!tpu.dma_semaphore, #tpu.memory_space<semaphore_mem>>)
    %add3A_28 = arith.constant 128 : i32
    %add3A_29 = arith.addi %select_n3A, %add3A_28 : i32
    %multiple_of3A_30 = tpu.assume_multiple %add3A_29, 128 : i32
    %dma_start3A_31 = tpu.memref_slice %arg3[%multiple_of3A_30] : memref<323712xi32, #tpu.memory_space<hbm>> -> memref<128xi32, #tpu.memory_space<hbm>>
    %dma_start3A_32 = tpu.memref_slice %arg3[%multiple_of3A_30] : memref<323712xi32, #tpu.memory_space<hbm>> -> memref<128xi32, #tpu.memory_space<hbm>>
    tpu.enqueue_dma source(%dma_start3A_32 : memref<128xi32, #tpu.memory_space<hbm>>) target(%arg9 : memref<128xi32, #tpu.memory_space<vmem>>) target_semaphore(%arg15 : memref<!tpu.dma_semaphore, #tpu.memory_space<semaphore_mem>>)
    %add3A_33 = arith.constant 128 : i32
    %add3A_34 = arith.addi %select_n3A, %add3A_33 : i32
    %multiple_of3A_35 = tpu.assume_multiple %add3A_34, 128 : i32
    %dma_start3A_36 = tpu.memref_slice %arg4[%multiple_of3A_35] : memref<323712xi32, #tpu.memory_space<hbm>> -> memref<128xi32, #tpu.memory_space<hbm>>
    %dma_start3A_37 = tpu.memref_slice %arg4[%multiple_of3A_35] : memref<323712xi32, #tpu.memory_space<hbm>> -> memref<128xi32, #tpu.memory_space<hbm>>
    tpu.enqueue_dma source(%dma_start3A_37 : memref<128xi32, #tpu.memory_space<hbm>>) target(%arg10 : memref<128xi32, #tpu.memory_space<vmem>>) target_semaphore(%arg15 : memref<!tpu.dma_semaphore, #tpu.memory_space<semaphore_mem>>)
    %while3A = arith.constant 0 : i32
    %while3A_38 = arith.constant 0 : i32
    %while3A_39 = arith.subi %select_n3A_20, %while3A_38 : i32
    %while3A_40 = arith.addi %while3A_38, %while3A_39 : i32
    %while3A_41 = arith.constant 1 : i32
    %while3A_42 = arith.divsi %while3A_39, %while3A_41 : i32
    %while3A_43 = arith.muli %while3A_42, %while3A_41 : i32
    %while3A_44 = arith.addi %while3A_38, %while3A_43 : i32
    %while3A_45 = arith.constant 1 : i32
    scf.for %while3A_81 = %while3A_38 to %while3A_44 step %while3A_45  : i32 {
      %mul3A_82 = arith.constant 2 : i32
      %mul3A_83 = arith.muli %mul3A_82, %while3A_81 : i32
      %dma_wait3A_84 = arith.constant 0 : i32
      %dma_wait3A_85 = tpu.memref_slice %arg3[%dma_wait3A_84] : memref<323712xi32, #tpu.memory_space<hbm>> -> memref<128xi32, #tpu.memory_space<hbm>>
      %dma_wait3A_86 = arith.constant 0 : i32
      %dma_wait3A_87 = tpu.memref_slice %arg3[%dma_wait3A_86] : memref<323712xi32, #tpu.memory_space<hbm>> -> memref<128xi32, #tpu.memory_space<hbm>>
      tpu.wait_dma2 semaphore(%arg15 : memref<!tpu.dma_semaphore, #tpu.memory_space<semaphore_mem>>) src(%dma_wait3A_87 : memref<128xi32, #tpu.memory_space<hbm>>) dst(%arg9 : memref<128xi32, #tpu.memory_space<vmem>>)
      %dma_wait3A_88 = arith.constant 0 : i32
      %dma_wait3A_89 = tpu.memref_slice %arg4[%dma_wait3A_88] : memref<323712xi32, #tpu.memory_space<hbm>> -> memref<128xi32, #tpu.memory_space<hbm>>
      %dma_wait3A_90 = arith.constant 0 : i32
      %dma_wait3A_91 = tpu.memref_slice %arg4[%dma_wait3A_90] : memref<323712xi32, #tpu.memory_space<hbm>> -> memref<128xi32, #tpu.memory_space<hbm>>
      tpu.wait_dma2 semaphore(%arg15 : memref<!tpu.dma_semaphore, #tpu.memory_space<semaphore_mem>>) src(%dma_wait3A_91 : memref<128xi32, #tpu.memory_space<hbm>>) dst(%arg10 : memref<128xi32, #tpu.memory_space<vmem>>)
      %dma_start3A_92 = arith.constant 0 : i32
      %dma_start3A_93 = arith.constant 0 : i32
      %dma_start3A_94 = tpu.memref_slice %arg2[%dma_start3A_92, %dma_start3A_93] : memref<10001x64xf32, #tpu.memory_space<hbm>> -> memref<10001x64xf32, #tpu.memory_space<hbm>>
      tpu.enqueue_indirect_dma source(%dma_start3A_94 : memref<10001x64xf32, #tpu.memory_space<hbm>>) target(%arg12 : memref<128x64xf32, #tpu.memory_space<vmem>>) offsets(%arg9 : memref<128xi32, #tpu.memory_space<vmem>>) semaphore(%arg17 : memref<!tpu.dma_semaphore, #tpu.memory_space<semaphore_mem>>)
      %dma_wait3A_95 = arith.constant 0 : i32
      %dma_wait3A_96 = arith.constant 0 : i32
      %dma_wait3A_97 = tpu.memref_slice %arg2[%dma_wait3A_95, %dma_wait3A_96] : memref<10001x64xf32, #tpu.memory_space<hbm>> -> memref<10001x64xf32, #tpu.memory_space<hbm>>
      tpu.wait_indirect_dma semaphore(%arg16 : memref<!tpu.dma_semaphore, #tpu.memory_space<semaphore_mem>>) src(%dma_wait3A_97 : memref<10001x64xf32, #tpu.memory_space<hbm>>) dst(%arg11 : memref<128x64xf32, #tpu.memory_space<vmem>>)
      "tpu.region"() ({
        %run_scoped3A = tpu.sem_alloc : memref<!tpu.dma_semaphore, #tpu.memory_space<semaphore_mem>>
        %dma_start3A_140 = arith.constant 0 : i32
        %dma_start3A_141 = arith.constant 0 : i32
        %dma_start3A_142 = tpu.memref_slice %arg13[%dma_start3A_140, %dma_start3A_141] : memref<10112x64xf32, #tpu.memory_space<vmem_shared>> -> memref<10112x64xf32, #tpu.memory_space<vmem_shared>>
        tpu.enqueue_indirect_dma source(%arg11 : memref<128x64xf32, #tpu.memory_space<vmem>>) target(%dma_start3A_142 : memref<10112x64xf32, #tpu.memory_space<vmem_shared>>) offsets(%arg8 : memref<128xi32, #tpu.memory_space<vmem>>) semaphore(%run_scoped3A : memref<!tpu.dma_semaphore, #tpu.memory_space<semaphore_mem>>) {add = true}
        %dma_wait3A_143 = arith.constant 0 : i32
        %dma_wait3A_144 = arith.constant 0 : i32
        %dma_wait3A_145 = tpu.memref_slice %arg13[%dma_wait3A_143, %dma_wait3A_144] : memref<10112x64xf32, #tpu.memory_space<vmem_shared>> -> memref<10112x64xf32, #tpu.memory_space<vmem_shared>>
        tpu.wait_indirect_dma semaphore(%run_scoped3A : memref<!tpu.dma_semaphore, #tpu.memory_space<semaphore_mem>>) src(%arg11 : memref<128x64xf32, #tpu.memory_space<vmem>>) dst(%dma_wait3A_145 : memref<10112x64xf32, #tpu.memory_space<vmem_shared>>)
        tpu.yield
      }) : () -> ()
      %add3A_98 = arith.constant 2 : i32
      %add3A_99 = arith.addi %mul3A_83, %add3A_98 : i32
      %mul3A_100 = arith.constant 128 : i32
      %mul3A_101 = arith.muli %add3A_99, %mul3A_100 : i32
      %add3A_102 = arith.addi %select_n3A, %mul3A_101 : i32
      %multiple_of3A_103 = tpu.assume_multiple %add3A_102, 128 : i32
      %dma_start3A_104 = tpu.memref_slice %arg3[%multiple_of3A_103] : memref<323712xi32, #tpu.memory_space<hbm>> -> memref<128xi32, #tpu.memory_space<hbm>>
      %dma_start3A_105 = tpu.memref_slice %arg3[%multiple_of3A_103] : memref<323712xi32, #tpu.memory_space<hbm>> -> memref<128xi32, #tpu.memory_space<hbm>>
      tpu.enqueue_dma source(%dma_start3A_105 : memref<128xi32, #tpu.memory_space<hbm>>) target(%arg7 : memref<128xi32, #tpu.memory_space<vmem>>) target_semaphore(%arg14 : memref<!tpu.dma_semaphore, #tpu.memory_space<semaphore_mem>>)
      %mul3A_106 = arith.constant 128 : i32
      %mul3A_107 = arith.muli %add3A_99, %mul3A_106 : i32
      %add3A_108 = arith.addi %select_n3A, %mul3A_107 : i32
      %multiple_of3A_109 = tpu.assume_multiple %add3A_108, 128 : i32
      %dma_start3A_110 = tpu.memref_slice %arg4[%multiple_of3A_109] : memref<323712xi32, #tpu.memory_space<hbm>> -> memref<128xi32, #tpu.memory_space<hbm>>
      %dma_start3A_111 = tpu.memref_slice %arg4[%multiple_of3A_109] : memref<323712xi32, #tpu.memory_space<hbm>> -> memref<128xi32, #tpu.memory_space<hbm>>
      tpu.enqueue_dma source(%dma_start3A_111 : memref<128xi32, #tpu.memory_space<hbm>>) target(%arg8 : memref<128xi32, #tpu.memory_space<vmem>>) target_semaphore(%arg14 : memref<!tpu.dma_semaphore, #tpu.memory_space<semaphore_mem>>)
      %dma_wait3A_112 = arith.constant 0 : i32
      %dma_wait3A_113 = tpu.memref_slice %arg3[%dma_wait3A_112] : memref<323712xi32, #tpu.memory_space<hbm>> -> memref<128xi32, #tpu.memory_space<hbm>>
      %dma_wait3A_114 = arith.constant 0 : i32
      %dma_wait3A_115 = tpu.memref_slice %arg3[%dma_wait3A_114] : memref<323712xi32, #tpu.memory_space<hbm>> -> memref<128xi32, #tpu.memory_space<hbm>>
      tpu.wait_dma2 semaphore(%arg14 : memref<!tpu.dma_semaphore, #tpu.memory_space<semaphore_mem>>) src(%dma_wait3A_115 : memref<128xi32, #tpu.memory_space<hbm>>) dst(%arg7 : memref<128xi32, #tpu.memory_space<vmem>>)
      %dma_wait3A_116 = arith.constant 0 : i32
      %dma_wait3A_117 = tpu.memref_slice %arg4[%dma_wait3A_116] : memref<323712xi32, #tpu.memory_space<hbm>> -> memref<128xi32, #tpu.memory_space<hbm>>
      %dma_wait3A_118 = arith.constant 0 : i32
      %dma_wait3A_119 = tpu.memref_slice %arg4[%dma_wait3A_118] : memref<323712xi32, #tpu.memory_space<hbm>> -> memref<128xi32, #tpu.memory_space<hbm>>
      tpu.wait_dma2 semaphore(%arg14 : memref<!tpu.dma_semaphore, #tpu.memory_space<semaphore_mem>>) src(%dma_wait3A_119 : memref<128xi32, #tpu.memory_space<hbm>>) dst(%arg8 : memref<128xi32, #tpu.memory_space<vmem>>)
      %dma_start3A_120 = arith.constant 0 : i32
      %dma_start3A_121 = arith.constant 0 : i32
      %dma_start3A_122 = tpu.memref_slice %arg2[%dma_start3A_120, %dma_start3A_121] : memref<10001x64xf32, #tpu.memory_space<hbm>> -> memref<10001x64xf32, #tpu.memory_space<hbm>>
      tpu.enqueue_indirect_dma source(%dma_start3A_122 : memref<10001x64xf32, #tpu.memory_space<hbm>>) target(%arg11 : memref<128x64xf32, #tpu.memory_space<vmem>>) offsets(%arg7 : memref<128xi32, #tpu.memory_space<vmem>>) semaphore(%arg16 : memref<!tpu.dma_semaphore, #tpu.memory_space<semaphore_mem>>)
      %dma_wait3A_123 = arith.constant 0 : i32
      %dma_wait3A_124 = arith.constant 0 : i32
      %dma_wait3A_125 = tpu.memref_slice %arg2[%dma_wait3A_123, %dma_wait3A_124] : memref<10001x64xf32, #tpu.memory_space<hbm>> -> memref<10001x64xf32, #tpu.memory_space<hbm>>
      tpu.wait_indirect_dma semaphore(%arg17 : memref<!tpu.dma_semaphore, #tpu.memory_space<semaphore_mem>>) src(%dma_wait3A_125 : memref<10001x64xf32, #tpu.memory_space<hbm>>) dst(%arg12 : memref<128x64xf32, #tpu.memory_space<vmem>>)
      "tpu.region"() ({
        %run_scoped3A = tpu.sem_alloc : memref<!tpu.dma_semaphore, #tpu.memory_space<semaphore_mem>>
        %dma_start3A_140 = arith.constant 0 : i32
        %dma_start3A_141 = arith.constant 0 : i32
        %dma_start3A_142 = tpu.memref_slice %arg13[%dma_start3A_140, %dma_start3A_141] : memref<10112x64xf32, #tpu.memory_space<vmem_shared>> -> memref<10112x64xf32, #tpu.memory_space<vmem_shared>>
        tpu.enqueue_indirect_dma source(%arg12 : memref<128x64xf32, #tpu.memory_space<vmem>>) target(%dma_start3A_142 : memref<10112x64xf32, #tpu.memory_space<vmem_shared>>) offsets(%arg10 : memref<128xi32, #tpu.memory_space<vmem>>) semaphore(%run_scoped3A : memref<!tpu.dma_semaphore, #tpu.memory_space<semaphore_mem>>) {add = true}
        %dma_wait3A_143 = arith.constant 0 : i32
        %dma_wait3A_144 = arith.constant 0 : i32
        %dma_wait3A_145 = tpu.memref_slice %arg13[%dma_wait3A_143, %dma_wait3A_144] : memref<10112x64xf32, #tpu.memory_space<vmem_shared>> -> memref<10112x64xf32, #tpu.memory_space<vmem_shared>>
        tpu.wait_indirect_dma semaphore(%run_scoped3A : memref<!tpu.dma_semaphore, #tpu.memory_space<semaphore_mem>>) src(%arg12 : memref<128x64xf32, #tpu.memory_space<vmem>>) dst(%dma_wait3A_145 : memref<10112x64xf32, #tpu.memory_space<vmem_shared>>)
        tpu.yield
      }) : () -> ()
      %add3A_126 = arith.constant 3 : i32
      %add3A_127 = arith.addi %mul3A_83, %add3A_126 : i32
      %mul3A_128 = arith.constant 128 : i32
      %mul3A_129 = arith.muli %add3A_127, %mul3A_128 : i32
      %add3A_130 = arith.addi %select_n3A, %mul3A_129 : i32
      %multiple_of3A_131 = tpu.assume_multiple %add3A_130, 128 : i32
      %dma_start3A_132 = tpu.memref_slice %arg3[%multiple_of3A_131] : memref<323712xi32, #tpu.memory_space<hbm>> -> memref<128xi32, #tpu.memory_space<hbm>>
      %dma_start3A_133 = tpu.memref_slice %arg3[%multiple_of3A_131] : memref<323712xi32, #tpu.memory_space<hbm>> -> memref<128xi32, #tpu.memory_space<hbm>>
      tpu.enqueue_dma source(%dma_start3A_133 : memref<128xi32, #tpu.memory_space<hbm>>) target(%arg9 : memref<128xi32, #tpu.memory_space<vmem>>) target_semaphore(%arg15 : memref<!tpu.dma_semaphore, #tpu.memory_space<semaphore_mem>>)
      %mul3A_134 = arith.constant 128 : i32
      %mul3A_135 = arith.muli %add3A_127, %mul3A_134 : i32
      %add3A_136 = arith.addi %select_n3A, %mul3A_135 : i32
      %multiple_of3A_137 = tpu.assume_multiple %add3A_136, 128 : i32
      %dma_start3A_138 = tpu.memref_slice %arg4[%multiple_of3A_137] : memref<323712xi32, #tpu.memory_space<hbm>> -> memref<128xi32, #tpu.memory_space<hbm>>
      %dma_start3A_139 = tpu.memref_slice %arg4[%multiple_of3A_137] : memref<323712xi32, #tpu.memory_space<hbm>> -> memref<128xi32, #tpu.memory_space<hbm>>
      tpu.enqueue_dma source(%dma_start3A_139 : memref<128xi32, #tpu.memory_space<hbm>>) target(%arg10 : memref<128xi32, #tpu.memory_space<vmem>>) target_semaphore(%arg15 : memref<!tpu.dma_semaphore, #tpu.memory_space<semaphore_mem>>)
    }
    %while3A_46 = arith.constant 1 : i32
    scf.for %while3A_81 = %while3A_44 to %while3A_40 step %while3A_46  : i32 {
      %mul3A_82 = arith.constant 2 : i32
      %mul3A_83 = arith.muli %mul3A_82, %while3A_81 : i32
      %dma_wait3A_84 = arith.constant 0 : i32
      %dma_wait3A_85 = tpu.memref_slice %arg3[%dma_wait3A_84] : memref<323712xi32, #tpu.memory_space<hbm>> -> memref<128xi32, #tpu.memory_space<hbm>>
      %dma_wait3A_86 = arith.constant 0 : i32
      %dma_wait3A_87 = tpu.memref_slice %arg3[%dma_wait3A_86] : memref<323712xi32, #tpu.memory_space<hbm>> -> memref<128xi32, #tpu.memory_space<hbm>>
      tpu.wait_dma2 semaphore(%arg15 : memref<!tpu.dma_semaphore, #tpu.memory_space<semaphore_mem>>) src(%dma_wait3A_87 : memref<128xi32, #tpu.memory_space<hbm>>) dst(%arg9 : memref<128xi32, #tpu.memory_space<vmem>>)
      %dma_wait3A_88 = arith.constant 0 : i32
      %dma_wait3A_89 = tpu.memref_slice %arg4[%dma_wait3A_88] : memref<323712xi32, #tpu.memory_space<hbm>> -> memref<128xi32, #tpu.memory_space<hbm>>
      %dma_wait3A_90 = arith.constant 0 : i32
      %dma_wait3A_91 = tpu.memref_slice %arg4[%dma_wait3A_90] : memref<323712xi32, #tpu.memory_space<hbm>> -> memref<128xi32, #tpu.memory_space<hbm>>
      tpu.wait_dma2 semaphore(%arg15 : memref<!tpu.dma_semaphore, #tpu.memory_space<semaphore_mem>>) src(%dma_wait3A_91 : memref<128xi32, #tpu.memory_space<hbm>>) dst(%arg10 : memref<128xi32, #tpu.memory_space<vmem>>)
      %dma_start3A_92 = arith.constant 0 : i32
      %dma_start3A_93 = arith.constant 0 : i32
      %dma_start3A_94 = tpu.memref_slice %arg2[%dma_start3A_92, %dma_start3A_93] : memref<10001x64xf32, #tpu.memory_space<hbm>> -> memref<10001x64xf32, #tpu.memory_space<hbm>>
      tpu.enqueue_indirect_dma source(%dma_start3A_94 : memref<10001x64xf32, #tpu.memory_space<hbm>>) target(%arg12 : memref<128x64xf32, #tpu.memory_space<vmem>>) offsets(%arg9 : memref<128xi32, #tpu.memory_space<vmem>>) semaphore(%arg17 : memref<!tpu.dma_semaphore, #tpu.memory_space<semaphore_mem>>)
      %dma_wait3A_95 = arith.constant 0 : i32
      %dma_wait3A_96 = arith.constant 0 : i32
      %dma_wait3A_97 = tpu.memref_slice %arg2[%dma_wait3A_95, %dma_wait3A_96] : memref<10001x64xf32, #tpu.memory_space<hbm>> -> memref<10001x64xf32, #tpu.memory_space<hbm>>
      tpu.wait_indirect_dma semaphore(%arg16 : memref<!tpu.dma_semaphore, #tpu.memory_space<semaphore_mem>>) src(%dma_wait3A_97 : memref<10001x64xf32, #tpu.memory_space<hbm>>) dst(%arg11 : memref<128x64xf32, #tpu.memory_space<vmem>>)
      "tpu.region"() ({
        %run_scoped3A = tpu.sem_alloc : memref<!tpu.dma_semaphore, #tpu.memory_space<semaphore_mem>>
        %dma_start3A_140 = arith.constant 0 : i32
        %dma_start3A_141 = arith.constant 0 : i32
        %dma_start3A_142 = tpu.memref_slice %arg13[%dma_start3A_140, %dma_start3A_141] : memref<10112x64xf32, #tpu.memory_space<vmem_shared>> -> memref<10112x64xf32, #tpu.memory_space<vmem_shared>>
        tpu.enqueue_indirect_dma source(%arg11 : memref<128x64xf32, #tpu.memory_space<vmem>>) target(%dma_start3A_142 : memref<10112x64xf32, #tpu.memory_space<vmem_shared>>) offsets(%arg8 : memref<128xi32, #tpu.memory_space<vmem>>) semaphore(%run_scoped3A : memref<!tpu.dma_semaphore, #tpu.memory_space<semaphore_mem>>) {add = true}
        %dma_wait3A_143 = arith.constant 0 : i32
        %dma_wait3A_144 = arith.constant 0 : i32
        %dma_wait3A_145 = tpu.memref_slice %arg13[%dma_wait3A_143, %dma_wait3A_144] : memref<10112x64xf32, #tpu.memory_space<vmem_shared>> -> memref<10112x64xf32, #tpu.memory_space<vmem_shared>>
        tpu.wait_indirect_dma semaphore(%run_scoped3A : memref<!tpu.dma_semaphore, #tpu.memory_space<semaphore_mem>>) src(%arg11 : memref<128x64xf32, #tpu.memory_space<vmem>>) dst(%dma_wait3A_145 : memref<10112x64xf32, #tpu.memory_space<vmem_shared>>)
        tpu.yield
      }) : () -> ()
      %add3A_98 = arith.constant 2 : i32
      %add3A_99 = arith.addi %mul3A_83, %add3A_98 : i32
      %mul3A_100 = arith.constant 128 : i32
      %mul3A_101 = arith.muli %add3A_99, %mul3A_100 : i32
      %add3A_102 = arith.addi %select_n3A, %mul3A_101 : i32
      %multiple_of3A_103 = tpu.assume_multiple %add3A_102, 128 : i32
      %dma_start3A_104 = tpu.memref_slice %arg3[%multiple_of3A_103] : memref<323712xi32, #tpu.memory_space<hbm>> -> memref<128xi32, #tpu.memory_space<hbm>>
      %dma_start3A_105 = tpu.memref_slice %arg3[%multiple_of3A_103] : memref<323712xi32, #tpu.memory_space<hbm>> -> memref<128xi32, #tpu.memory_space<hbm>>
      tpu.enqueue_dma source(%dma_start3A_105 : memref<128xi32, #tpu.memory_space<hbm>>) target(%arg7 : memref<128xi32, #tpu.memory_space<vmem>>) target_semaphore(%arg14 : memref<!tpu.dma_semaphore, #tpu.memory_space<semaphore_mem>>)
      %mul3A_106 = arith.constant 128 : i32
      %mul3A_107 = arith.muli %add3A_99, %mul3A_106 : i32
      %add3A_108 = arith.addi %select_n3A, %mul3A_107 : i32
      %multiple_of3A_109 = tpu.assume_multiple %add3A_108, 128 : i32
      %dma_start3A_110 = tpu.memref_slice %arg4[%multiple_of3A_109] : memref<323712xi32, #tpu.memory_space<hbm>> -> memref<128xi32, #tpu.memory_space<hbm>>
      %dma_start3A_111 = tpu.memref_slice %arg4[%multiple_of3A_109] : memref<323712xi32, #tpu.memory_space<hbm>> -> memref<128xi32, #tpu.memory_space<hbm>>
      tpu.enqueue_dma source(%dma_start3A_111 : memref<128xi32, #tpu.memory_space<hbm>>) target(%arg8 : memref<128xi32, #tpu.memory_space<vmem>>) target_semaphore(%arg14 : memref<!tpu.dma_semaphore, #tpu.memory_space<semaphore_mem>>)
      %dma_wait3A_112 = arith.constant 0 : i32
      %dma_wait3A_113 = tpu.memref_slice %arg3[%dma_wait3A_112] : memref<323712xi32, #tpu.memory_space<hbm>> -> memref<128xi32, #tpu.memory_space<hbm>>
      %dma_wait3A_114 = arith.constant 0 : i32
      %dma_wait3A_115 = tpu.memref_slice %arg3[%dma_wait3A_114] : memref<323712xi32, #tpu.memory_space<hbm>> -> memref<128xi32, #tpu.memory_space<hbm>>
      tpu.wait_dma2 semaphore(%arg14 : memref<!tpu.dma_semaphore, #tpu.memory_space<semaphore_mem>>) src(%dma_wait3A_115 : memref<128xi32, #tpu.memory_space<hbm>>) dst(%arg7 : memref<128xi32, #tpu.memory_space<vmem>>)
      %dma_wait3A_116 = arith.constant 0 : i32
      %dma_wait3A_117 = tpu.memref_slice %arg4[%dma_wait3A_116] : memref<323712xi32, #tpu.memory_space<hbm>> -> memref<128xi32, #tpu.memory_space<hbm>>
      %dma_wait3A_118 = arith.constant 0 : i32
      %dma_wait3A_119 = tpu.memref_slice %arg4[%dma_wait3A_118] : memref<323712xi32, #tpu.memory_space<hbm>> -> memref<128xi32, #tpu.memory_space<hbm>>
      tpu.wait_dma2 semaphore(%arg14 : memref<!tpu.dma_semaphore, #tpu.memory_space<semaphore_mem>>) src(%dma_wait3A_119 : memref<128xi32, #tpu.memory_space<hbm>>) dst(%arg8 : memref<128xi32, #tpu.memory_space<vmem>>)
      %dma_start3A_120 = arith.constant 0 : i32
      %dma_start3A_121 = arith.constant 0 : i32
      %dma_start3A_122 = tpu.memref_slice %arg2[%dma_start3A_120, %dma_start3A_121] : memref<10001x64xf32, #tpu.memory_space<hbm>> -> memref<10001x64xf32, #tpu.memory_space<hbm>>
      tpu.enqueue_indirect_dma source(%dma_start3A_122 : memref<10001x64xf32, #tpu.memory_space<hbm>>) target(%arg11 : memref<128x64xf32, #tpu.memory_space<vmem>>) offsets(%arg7 : memref<128xi32, #tpu.memory_space<vmem>>) semaphore(%arg16 : memref<!tpu.dma_semaphore, #tpu.memory_space<semaphore_mem>>)
      %dma_wait3A_123 = arith.constant 0 : i32
      %dma_wait3A_124 = arith.constant 0 : i32
      %dma_wait3A_125 = tpu.memref_slice %arg2[%dma_wait3A_123, %dma_wait3A_124] : memref<10001x64xf32, #tpu.memory_space<hbm>> -> memref<10001x64xf32, #tpu.memory_space<hbm>>
      tpu.wait_indirect_dma semaphore(%arg17 : memref<!tpu.dma_semaphore, #tpu.memory_space<semaphore_mem>>) src(%dma_wait3A_125 : memref<10001x64xf32, #tpu.memory_space<hbm>>) dst(%arg12 : memref<128x64xf32, #tpu.memory_space<vmem>>)
      "tpu.region"() ({
        %run_scoped3A = tpu.sem_alloc : memref<!tpu.dma_semaphore, #tpu.memory_space<semaphore_mem>>
        %dma_start3A_140 = arith.constant 0 : i32
        %dma_start3A_141 = arith.constant 0 : i32
        %dma_start3A_142 = tpu.memref_slice %arg13[%dma_start3A_140, %dma_start3A_141] : memref<10112x64xf32, #tpu.memory_space<vmem_shared>> -> memref<10112x64xf32, #tpu.memory_space<vmem_shared>>
        tpu.enqueue_indirect_dma source(%arg12 : memref<128x64xf32, #tpu.memory_space<vmem>>) target(%dma_start3A_142 : memref<10112x64xf32, #tpu.memory_space<vmem_shared>>) offsets(%arg10 : memref<128xi32, #tpu.memory_space<vmem>>) semaphore(%run_scoped3A : memref<!tpu.dma_semaphore, #tpu.memory_space<semaphore_mem>>) {add = true}
        %dma_wait3A_143 = arith.constant 0 : i32
        %dma_wait3A_144 = arith.constant 0 : i32
        %dma_wait3A_145 = tpu.memref_slice %arg13[%dma_wait3A_143, %dma_wait3A_144] : memref<10112x64xf32, #tpu.memory_space<vmem_shared>> -> memref<10112x64xf32, #tpu.memory_space<vmem_shared>>
        tpu.wait_indirect_dma semaphore(%run_scoped3A : memref<!tpu.dma_semaphore, #tpu.memory_space<semaphore_mem>>) src(%arg12 : memref<128x64xf32, #tpu.memory_space<vmem>>) dst(%dma_wait3A_145 : memref<10112x64xf32, #tpu.memory_space<vmem_shared>>)
        tpu.yield
      }) : () -> ()
      %add3A_126 = arith.constant 3 : i32
      %add3A_127 = arith.addi %mul3A_83, %add3A_126 : i32
      %mul3A_128 = arith.constant 128 : i32
      %mul3A_129 = arith.muli %add3A_127, %mul3A_128 : i32
      %add3A_130 = arith.addi %select_n3A, %mul3A_129 : i32
      %multiple_of3A_131 = tpu.assume_multiple %add3A_130, 128 : i32
      %dma_start3A_132 = tpu.memref_slice %arg3[%multiple_of3A_131] : memref<323712xi32, #tpu.memory_space<hbm>> -> memref<128xi32, #tpu.memory_space<hbm>>
      %dma_start3A_133 = tpu.memref_slice %arg3[%multiple_of3A_131] : memref<323712xi32, #tpu.memory_space<hbm>> -> memref<128xi32, #tpu.memory_space<hbm>>
      tpu.enqueue_dma source(%dma_start3A_133 : memref<128xi32, #tpu.memory_space<hbm>>) target(%arg9 : memref<128xi32, #tpu.memory_space<vmem>>) target_semaphore(%arg15 : memref<!tpu.dma_semaphore, #tpu.memory_space<semaphore_mem>>)
      %mul3A_134 = arith.constant 128 : i32
      %mul3A_135 = arith.muli %add3A_127, %mul3A_134 : i32
      %add3A_136 = arith.addi %select_n3A, %mul3A_135 : i32
      %multiple_of3A_137 = tpu.assume_multiple %add3A_136, 128 : i32
      %dma_start3A_138 = tpu.memref_slice %arg4[%multiple_of3A_137] : memref<323712xi32, #tpu.memory_space<hbm>> -> memref<128xi32, #tpu.memory_space<hbm>>
      %dma_start3A_139 = tpu.memref_slice %arg4[%multiple_of3A_137] : memref<323712xi32, #tpu.memory_space<hbm>> -> memref<128xi32, #tpu.memory_space<hbm>>
      tpu.enqueue_dma source(%dma_start3A_139 : memref<128xi32, #tpu.memory_space<hbm>>) target(%arg10 : memref<128xi32, #tpu.memory_space<vmem>>) target_semaphore(%arg15 : memref<!tpu.dma_semaphore, #tpu.memory_space<semaphore_mem>>)
    }
    %dma_wait3A = arith.constant 0 : i32
    %dma_wait3A_47 = arith.constant 0 : i32
    %dma_wait3A_48 = tpu.memref_slice %arg2[%dma_wait3A, %dma_wait3A_47] : memref<10001x64xf32, #tpu.memory_space<hbm>> -> memref<10001x64xf32, #tpu.memory_space<hbm>>
    tpu.wait_indirect_dma semaphore(%arg16 : memref<!tpu.dma_semaphore, #tpu.memory_space<semaphore_mem>>) src(%dma_wait3A_48 : memref<10001x64xf32, #tpu.memory_space<hbm>>) dst(%arg11 : memref<128x64xf32, #tpu.memory_space<vmem>>)
    "tpu.region"() ({
      %run_scoped3A = tpu.sem_alloc : memref<!tpu.dma_semaphore, #tpu.memory_space<semaphore_mem>>
      %dma_start3A_81 = arith.constant 0 : i32
      %dma_start3A_82 = arith.constant 0 : i32
      %dma_start3A_83 = tpu.memref_slice %arg13[%dma_start3A_81, %dma_start3A_82] : memref<10112x64xf32, #tpu.memory_space<vmem_shared>> -> memref<10112x64xf32, #tpu.memory_space<vmem_shared>>
      tpu.enqueue_indirect_dma source(%arg11 : memref<128x64xf32, #tpu.memory_space<vmem>>) target(%dma_start3A_83 : memref<10112x64xf32, #tpu.memory_space<vmem_shared>>) offsets(%arg8 : memref<128xi32, #tpu.memory_space<vmem>>) semaphore(%run_scoped3A : memref<!tpu.dma_semaphore, #tpu.memory_space<semaphore_mem>>) {add = true}
      %dma_wait3A_84 = arith.constant 0 : i32
      %dma_wait3A_85 = arith.constant 0 : i32
      %dma_wait3A_86 = tpu.memref_slice %arg13[%dma_wait3A_84, %dma_wait3A_85] : memref<10112x64xf32, #tpu.memory_space<vmem_shared>> -> memref<10112x64xf32, #tpu.memory_space<vmem_shared>>
      tpu.wait_indirect_dma semaphore(%run_scoped3A : memref<!tpu.dma_semaphore, #tpu.memory_space<semaphore_mem>>) src(%arg11 : memref<128x64xf32, #tpu.memory_space<vmem>>) dst(%dma_wait3A_86 : memref<10112x64xf32, #tpu.memory_space<vmem_shared>>)
      tpu.yield
    }) : () -> ()
    %dma_wait3A_49 = arith.constant 0 : i32
    %dma_wait3A_50 = tpu.memref_slice %arg3[%dma_wait3A_49] : memref<323712xi32, #tpu.memory_space<hbm>> -> memref<128xi32, #tpu.memory_space<hbm>>
    %dma_wait3A_51 = arith.constant 0 : i32
    %dma_wait3A_52 = tpu.memref_slice %arg3[%dma_wait3A_51] : memref<323712xi32, #tpu.memory_space<hbm>> -> memref<128xi32, #tpu.memory_space<hbm>>
    tpu.wait_dma2 semaphore(%arg15 : memref<!tpu.dma_semaphore, #tpu.memory_space<semaphore_mem>>) src(%dma_wait3A_52 : memref<128xi32, #tpu.memory_space<hbm>>) dst(%arg9 : memref<128xi32, #tpu.memory_space<vmem>>)
    %dma_wait3A_53 = arith.constant 0 : i32
    %dma_wait3A_54 = tpu.memref_slice %arg4[%dma_wait3A_53] : memref<323712xi32, #tpu.memory_space<hbm>> -> memref<128xi32, #tpu.memory_space<hbm>>
    %dma_wait3A_55 = arith.constant 0 : i32
    %dma_wait3A_56 = tpu.memref_slice %arg4[%dma_wait3A_55] : memref<323712xi32, #tpu.memory_space<hbm>> -> memref<128xi32, #tpu.memory_space<hbm>>
    tpu.wait_dma2 semaphore(%arg15 : memref<!tpu.dma_semaphore, #tpu.memory_space<semaphore_mem>>) src(%dma_wait3A_56 : memref<128xi32, #tpu.memory_space<hbm>>) dst(%arg10 : memref<128xi32, #tpu.memory_space<vmem>>)
    %barrier3A_57 = arith.constant 0 : index
    tpu.barrier barrier_id(%barrier3A_57)
    %mul3A_58 = arith.constant 10112 : i32
    %mul3A_59 = arith.muli %arg0, %mul3A_58 : i32
    %add3A_60 = arith.addi %mul3A_59, %mul3A_0 : i32
    %add3A_61 = arith.constant 0 : i32
    %add3A_62 = arith.addi %mul3A_0, %add3A_61 : i32
    %add3A_63 = arith.constant 0 : i32
    %add3A_64 = arith.addi %add3A_60, %add3A_63 : i32
    "tpu.region"() ({
      %run_scoped3A = tpu.sem_alloc : memref<!tpu.dma_semaphore, #tpu.memory_space<semaphore_mem>>
      %dma_start3A_81 = arith.constant 0 : i32
      %dma_start3A_82 = tpu.memref_slice %arg6[%add3A_64, %dma_start3A_81] : memref<20224x64xf32, #tpu.memory_space<hbm>> -> memref<128x64xf32, #tpu.memory_space<hbm>>
      %dma_start3A_83 = arith.constant 0 : i32
      %dma_start3A_84 = tpu.memref_slice %arg13[%add3A_62, %dma_start3A_83] : memref<10112x64xf32, #tpu.memory_space<vmem_shared>> -> memref<128x64xf32, #tpu.memory_space<vmem_shared>>
      tpu.enqueue_dma source(%dma_start3A_84 : memref<128x64xf32, #tpu.memory_space<vmem_shared>>) target(%dma_start3A_82 : memref<128x64xf32, #tpu.memory_space<hbm>>) target_semaphore(%run_scoped3A : memref<!tpu.dma_semaphore, #tpu.memory_space<semaphore_mem>>)
      %dma_wait3A_85 = arith.constant 0 : i32
      %dma_wait3A_86 = tpu.memref_slice %arg6[%add3A_64, %dma_wait3A_85] : memref<20224x64xf32, #tpu.memory_space<hbm>> -> memref<128x64xf32, #tpu.memory_space<hbm>>
      %dma_wait3A_87 = arith.constant 0 : i32
      %dma_wait3A_88 = tpu.memref_slice %arg13[%add3A_62, %dma_wait3A_87] : memref<10112x64xf32, #tpu.memory_space<vmem_shared>> -> memref<128x64xf32, #tpu.memory_space<vmem_shared>>
      tpu.wait_dma2 semaphore(%run_scoped3A : memref<!tpu.dma_semaphore, #tpu.memory_space<semaphore_mem>>) src(%dma_wait3A_88 : memref<128x64xf32, #tpu.memory_space<vmem_shared>>) dst(%dma_wait3A_86 : memref<128x64xf32, #tpu.memory_space<hbm>>)
      tpu.yield
    }) : () -> ()
    %add3A_65 = arith.constant 128 : i32
    %add3A_66 = arith.addi %mul3A_0, %add3A_65 : i32
    %add3A_67 = arith.constant 128 : i32
    %add3A_68 = arith.addi %add3A_60, %add3A_67 : i32
    "tpu.region"() ({
      %run_scoped3A = tpu.sem_alloc : memref<!tpu.dma_semaphore, #tpu.memory_space<semaphore_mem>>
      %dma_start3A_81 = arith.constant 0 : i32
      %dma_start3A_82 = tpu.memref_slice %arg6[%add3A_68, %dma_start3A_81] : memref<20224x64xf32, #tpu.memory_space<hbm>> -> memref<128x64xf32, #tpu.memory_space<hbm>>
      %dma_start3A_83 = arith.constant 0 : i32
      %dma_start3A_84 = tpu.memref_slice %arg13[%add3A_66, %dma_start3A_83] : memref<10112x64xf32, #tpu.memory_space<vmem_shared>> -> memref<128x64xf32, #tpu.memory_space<vmem_shared>>
      tpu.enqueue_dma source(%dma_start3A_84 : memref<128x64xf32, #tpu.memory_space<vmem_shared>>) target(%dma_start3A_82 : memref<128x64xf32, #tpu.memory_space<hbm>>) target_semaphore(%run_scoped3A : memref<!tpu.dma_semaphore, #tpu.memory_space<semaphore_mem>>)
      %dma_wait3A_85 = arith.constant 0 : i32
      %dma_wait3A_86 = tpu.memref_slice %arg6[%add3A_68, %dma_wait3A_85] : memref<20224x64xf32, #tpu.memory_space<hbm>> -> memref<128x64xf32, #tpu.memory_space<hbm>>
      %dma_wait3A_87 = arith.constant 0 : i32
      %dma_wait3A_88 = tpu.memref_slice %arg13[%add3A_66, %dma_wait3A_87] : memref<10112x64xf32, #tpu.memory_space<vmem_shared>> -> memref<128x64xf32, #tpu.memory_space<vmem_shared>>
      tpu.wait_dma2 semaphore(%run_scoped3A : memref<!tpu.dma_semaphore, #tpu.memory_space<semaphore_mem>>) src(%dma_wait3A_88 : memref<128x64xf32, #tpu.memory_space<vmem_shared>>) dst(%dma_wait3A_86 : memref<128x64xf32, #tpu.memory_space<hbm>>)
      tpu.yield
    }) : () -> ()
    %add3A_69 = arith.constant 256 : i32
    %add3A_70 = arith.addi %mul3A_0, %add3A_69 : i32
    %add3A_71 = arith.constant 256 : i32
    %add3A_72 = arith.addi %add3A_60, %add3A_71 : i32
    "tpu.region"() ({
      %run_scoped3A = tpu.sem_alloc : memref<!tpu.dma_semaphore, #tpu.memory_space<semaphore_mem>>
      %dma_start3A_81 = arith.constant 0 : i32
      %dma_start3A_82 = tpu.memref_slice %arg6[%add3A_72, %dma_start3A_81] : memref<20224x64xf32, #tpu.memory_space<hbm>> -> memref<128x64xf32, #tpu.memory_space<hbm>>
      %dma_start3A_83 = arith.constant 0 : i32
      %dma_start3A_84 = tpu.memref_slice %arg13[%add3A_70, %dma_start3A_83] : memref<10112x64xf32, #tpu.memory_space<vmem_shared>> -> memref<128x64xf32, #tpu.memory_space<vmem_shared>>
      tpu.enqueue_dma source(%dma_start3A_84 : memref<128x64xf32, #tpu.memory_space<vmem_shared>>) target(%dma_start3A_82 : memref<128x64xf32, #tpu.memory_space<hbm>>) target_semaphore(%run_scoped3A : memref<!tpu.dma_semaphore, #tpu.memory_space<semaphore_mem>>)
      %dma_wait3A_85 = arith.constant 0 : i32
      %dma_wait3A_86 = tpu.memref_slice %arg6[%add3A_72, %dma_wait3A_85] : memref<20224x64xf32, #tpu.memory_space<hbm>> -> memref<128x64xf32, #tpu.memory_space<hbm>>
      %dma_wait3A_87 = arith.constant 0 : i32
      %dma_wait3A_88 = tpu.memref_slice %arg13[%add3A_70, %dma_wait3A_87] : memref<10112x64xf32, #tpu.memory_space<vmem_shared>> -> memref<128x64xf32, #tpu.memory_space<vmem_shared>>
      tpu.wait_dma2 semaphore(%run_scoped3A : memref<!tpu.dma_semaphore, #tpu.memory_space<semaphore_mem>>) src(%dma_wait3A_88 : memref<128x64xf32, #tpu.memory_space<vmem_shared>>) dst(%dma_wait3A_86 : memref<128x64xf32, #tpu.memory_space<hbm>>)
      tpu.yield
    }) : () -> ()
    %add3A_73 = arith.constant 384 : i32
    %add3A_74 = arith.addi %mul3A_0, %add3A_73 : i32
    %add3A_75 = arith.constant 384 : i32
    %add3A_76 = arith.addi %add3A_60, %add3A_75 : i32
    "tpu.region"() ({
      %run_scoped3A = tpu.sem_alloc : memref<!tpu.dma_semaphore, #tpu.memory_space<semaphore_mem>>
      %dma_start3A_81 = arith.constant 0 : i32
      %dma_start3A_82 = tpu.memref_slice %arg6[%add3A_76, %dma_start3A_81] : memref<20224x64xf32, #tpu.memory_space<hbm>> -> memref<128x64xf32, #tpu.memory_space<hbm>>
      %dma_start3A_83 = arith.constant 0 : i32
      %dma_start3A_84 = tpu.memref_slice %arg13[%add3A_74, %dma_start3A_83] : memref<10112x64xf32, #tpu.memory_space<vmem_shared>> -> memref<128x64xf32, #tpu.memory_space<vmem_shared>>
      tpu.enqueue_dma source(%dma_start3A_84 : memref<128x64xf32, #tpu.memory_space<vmem_shared>>) target(%dma_start3A_82 : memref<128x64xf32, #tpu.memory_space<hbm>>) target_semaphore(%run_scoped3A : memref<!tpu.dma_semaphore, #tpu.memory_space<semaphore_mem>>)
      %dma_wait3A_85 = arith.constant 0 : i32
      %dma_wait3A_86 = tpu.memref_slice %arg6[%add3A_76, %dma_wait3A_85] : memref<20224x64xf32, #tpu.memory_space<hbm>> -> memref<128x64xf32, #tpu.memory_space<hbm>>
      %dma_wait3A_87 = arith.constant 0 : i32
      %dma_wait3A_88 = tpu.memref_slice %arg13[%add3A_74, %dma_wait3A_87] : memref<10112x64xf32, #tpu.memory_space<vmem_shared>> -> memref<128x64xf32, #tpu.memory_space<vmem_shared>>
      tpu.wait_dma2 semaphore(%run_scoped3A : memref<!tpu.dma_semaphore, #tpu.memory_space<semaphore_mem>>) src(%dma_wait3A_88 : memref<128x64xf32, #tpu.memory_space<vmem_shared>>) dst(%dma_wait3A_86 : memref<128x64xf32, #tpu.memory_space<hbm>>)
      tpu.yield
    }) : () -> ()
    %add3A_77 = arith.constant 512 : i32
    %add3A_78 = arith.addi %mul3A_0, %add3A_77 : i32
    %add3A_79 = arith.constant 512 : i32
    %add3A_80 = arith.addi %add3A_60, %add3A_79 : i32
    "tpu.region"() ({
      %run_scoped3A = tpu.sem_alloc : memref<!tpu.dma_semaphore, #tpu.memory_space<semaphore_mem>>
      %dma_start3A_81 = arith.constant 0 : i32
      %dma_start3A_82 = tpu.memref_slice %arg6[%add3A_80, %dma_start3A_81] : memref<20224x64xf32, #tpu.memory_space<hbm>> -> memref<120x64xf32, #tpu.memory_space<hbm>>
      %dma_start3A_83 = arith.constant 0 : i32
      %dma_start3A_84 = tpu.memref_slice %arg13[%add3A_78, %dma_start3A_83] : memref<10112x64xf32, #tpu.memory_space<vmem_shared>> -> memref<120x64xf32, #tpu.memory_space<vmem_shared>>
      tpu.enqueue_dma source(%dma_start3A_84 : memref<120x64xf32, #tpu.memory_space<vmem_shared>>) target(%dma_start3A_82 : memref<120x64xf32, #tpu.memory_space<hbm>>) target_semaphore(%run_scoped3A : memref<!tpu.dma_semaphore, #tpu.memory_space<semaphore_mem>>)
      %dma_wait3A_85 = arith.constant 0 : i32
      %dma_wait3A_86 = tpu.memref_slice %arg6[%add3A_80, %dma_wait3A_85] : memref<20224x64xf32, #tpu.memory_space<hbm>> -> memref<120x64xf32, #tpu.memory_space<hbm>>
      %dma_wait3A_87 = arith.constant 0 : i32
      %dma_wait3A_88 = tpu.memref_slice %arg13[%add3A_78, %dma_wait3A_87] : memref<10112x64xf32, #tpu.memory_space<vmem_shared>> -> memref<120x64xf32, #tpu.memory_space<vmem_shared>>
      tpu.wait_dma2 semaphore(%run_scoped3A : memref<!tpu.dma_semaphore, #tpu.memory_space<semaphore_mem>>) src(%dma_wait3A_88 : memref<120x64xf32, #tpu.memory_space<vmem_shared>>) dst(%dma_wait3A_86 : memref<120x64xf32, #tpu.memory_space<hbm>>)
      tpu.yield
    }) : () -> ()
    return
  }
}

module attributes {stable_mosaic.version = 14 : i64} {
  func.func @body(%arg0: memref<10001x128xf32, #tpu.memory_space<vmem>>, %arg1: memref<20224x128xf32, #tpu.memory_space<vmem>>, %arg2: memref<128x128xf32, #tpu.memory_space<vmem>>, %arg3: memref<1x128xf32, #tpu.memory_space<vmem>>, %arg4: memref<128x128xf32, #tpu.memory_space<vmem>>, %arg5: memref<1x128xf32, #tpu.memory_space<vmem>>, %arg6: memref<1x128xf32, #tpu.memory_space<vmem>>, %arg7: memref<1x128xf32, #tpu.memory_space<vmem>>, %arg8: memref<10001x128xf32, #tpu.memory_space<vmem>>) attributes {dimension_semantics = [], scalar_prefetch = 0 : i64, scratch_operands = 0 : i64, tpu.core_type = #tpu.core_type<tc>} {
    %get3A = arith.constant 0 : index
    %get3A_0 = arith.constant 0 : index
    %get3A_1 = vector.load %arg0[%get3A, %get3A_0] : memref<10001x128xf32, #tpu.memory_space<vmem>>, vector<10000x128xf32>
    %get3A_2 = arith.constant 0 : index
    %get3A_3 = arith.constant 0 : index
    %get3A_4 = vector.load %arg1[%get3A_2, %get3A_3] : memref<20224x128xf32, #tpu.memory_space<vmem>>, vector<10000x128xf32>
    %add3A = arith.addf %get3A_1, %get3A_4 : vector<10000x128xf32>
    %get3A_5 = arith.constant 10112 : index
    %get3A_6 = arith.constant 0 : index
    %get3A_7 = vector.load %arg1[%get3A_5, %get3A_6] : memref<20224x128xf32, #tpu.memory_space<vmem>>, vector<10000x128xf32>
    %add3A_8 = arith.addf %add3A, %get3A_7 : vector<10000x128xf32>
    %get3A_9 = arith.constant 0 : index
    %get3A_10 = arith.constant 0 : index
    %get3A_11 = vector.load %arg2[%get3A_9, %get3A_10] : memref<128x128xf32, #tpu.memory_space<vmem>>, vector<128x128xf32>
    %dot_general3A = arith.constant dense<0.000000e+00> : vector<10000x128xf32>
    %dot_general3A_12 = tpu.matmul %add3A_8, %get3A_11, %dot_general3A {dimension_numbers = #tpu.dot_dimension_numbers<[1], [0], [0], [1], [0, 0, 1, 1], [], []>, transpose_lhs_hint = false} : vector<10000x128xf32>, vector<128x128xf32>, vector<10000x128xf32> -> vector<10000x128xf32>
    %get3A_13 = arith.constant 0 : index
    %get3A_14 = arith.constant 0 : index
    %get3A_15 = vector.load %arg3[%get3A_13, %get3A_14] : memref<1x128xf32, #tpu.memory_space<vmem>>, vector<1x128xf32>
    %add3A_16 = vector.broadcast %get3A_15 : vector<1x128xf32> to vector<10000x128xf32>
    %add3A_17 = arith.addf %dot_general3A_12, %add3A_16 : vector<10000x128xf32>
    %max3A = arith.constant 0.000000e+00 : f32
    %max3A_18 = vector.broadcast %max3A : f32 to vector<10000x128xf32>
    %max3A_19 = arith.maximumf %add3A_17, %max3A_18 : vector<10000x128xf32>
    %get3A_20 = arith.constant 0 : index
    %get3A_21 = arith.constant 0 : index
    %get3A_22 = vector.load %arg4[%get3A_20, %get3A_21] : memref<128x128xf32, #tpu.memory_space<vmem>>, vector<128x128xf32>
    %dot_general3A_23 = arith.constant dense<0.000000e+00> : vector<10000x128xf32>
    %dot_general3A_24 = tpu.matmul %max3A_19, %get3A_22, %dot_general3A_23 {dimension_numbers = #tpu.dot_dimension_numbers<[1], [0], [0], [1], [0, 0, 1, 1], [], []>, transpose_lhs_hint = false} : vector<10000x128xf32>, vector<128x128xf32>, vector<10000x128xf32> -> vector<10000x128xf32>
    %get3A_25 = arith.constant 0 : index
    %get3A_26 = arith.constant 0 : index
    %get3A_27 = vector.load %arg5[%get3A_25, %get3A_26] : memref<1x128xf32, #tpu.memory_space<vmem>>, vector<1x128xf32>
    %add3A_28 = vector.broadcast %get3A_27 : vector<1x128xf32> to vector<10000x128xf32>
    %add3A_29 = arith.addf %dot_general3A_24, %add3A_28 : vector<10000x128xf32>
    %reduce_sum3A = arith.constant dense<0.000000e+00> : vector<128xf32>
    %reduce_sum3A_30 = vector.multi_reduction <add>, %add3A_29, %reduce_sum3A [0] : vector<10000x128xf32> to vector<128xf32>
    %broadcast_in_dim3A = vector.shape_cast %reduce_sum3A_30 : vector<128xf32> to vector<1x128xf32>
    %div3A = arith.constant 1.000000e+04 : f32
    %div3A_31 = vector.broadcast %div3A : f32 to vector<1x128xf32>
    %div3A_32 = arith.divf %broadcast_in_dim3A, %div3A_31 : vector<1x128xf32>
    %sub3A = vector.broadcast %div3A_32 : vector<1x128xf32> to vector<10000x128xf32>
    %sub3A_33 = arith.subf %add3A_29, %sub3A : vector<10000x128xf32>
    %integer_pow3A = arith.mulf %sub3A_33, %sub3A_33 : vector<10000x128xf32>
    %reduce_sum3A_34 = arith.constant dense<0.000000e+00> : vector<128xf32>
    %reduce_sum3A_35 = vector.multi_reduction <add>, %integer_pow3A, %reduce_sum3A_34 [0] : vector<10000x128xf32> to vector<128xf32>
    %broadcast_in_dim3A_36 = vector.shape_cast %reduce_sum3A_35 : vector<128xf32> to vector<1x128xf32>
    %div3A_37 = arith.constant 1.000000e+04 : f32
    %div3A_38 = vector.broadcast %div3A_37 : f32 to vector<1x128xf32>
    %div3A_39 = arith.divf %broadcast_in_dim3A_36, %div3A_38 : vector<1x128xf32>
    %sub3A_40 = vector.broadcast %div3A_32 : vector<1x128xf32> to vector<10000x128xf32>
    %sub3A_41 = arith.subf %add3A_29, %sub3A_40 : vector<10000x128xf32>
    %add3A_42 = arith.constant 9.99999974E-6 : f32
    %add3A_43 = vector.broadcast %add3A_42 : f32 to vector<1x128xf32>
    %add3A_44 = arith.addf %div3A_39, %add3A_43 : vector<1x128xf32>
    %sqrt3A = math.sqrt %add3A_44 : vector<1x128xf32>
    %div3A_45 = vector.broadcast %sqrt3A : vector<1x128xf32> to vector<10000x128xf32>
    %div3A_46 = arith.divf %sub3A_41, %div3A_45 : vector<10000x128xf32>
    %get3A_47 = arith.constant 0 : index
    %get3A_48 = arith.constant 0 : index
    %get3A_49 = vector.load %arg6[%get3A_47, %get3A_48] : memref<1x128xf32, #tpu.memory_space<vmem>>, vector<1x128xf32>
    %mul3A = vector.broadcast %get3A_49 : vector<1x128xf32> to vector<10000x128xf32>
    %mul3A_50 = arith.mulf %div3A_46, %mul3A : vector<10000x128xf32>
    %get3A_51 = arith.constant 0 : index
    %get3A_52 = arith.constant 0 : index
    %get3A_53 = vector.load %arg7[%get3A_51, %get3A_52] : memref<1x128xf32, #tpu.memory_space<vmem>>, vector<1x128xf32>
    %add3A_54 = vector.broadcast %get3A_53 : vector<1x128xf32> to vector<10000x128xf32>
    %add3A_55 = arith.addf %mul3A_50, %add3A_54 : vector<10000x128xf32>
    %max3A_56 = arith.constant 0.000000e+00 : f32
    %max3A_57 = vector.broadcast %max3A_56 : f32 to vector<10000x128xf32>
    %max3A_58 = arith.maximumf %add3A_55, %max3A_57 : vector<10000x128xf32>
    %swap3A = arith.constant 0 : index
    %swap3A_59 = arith.constant 0 : index
    %swap3A_60 = vector.load %arg8[%swap3A, %swap3A_59] : memref<10001x128xf32, #tpu.memory_space<vmem>>, vector<10000x128xf32>
    tpu.vector_store %arg8[%swap3A, %swap3A_59], %max3A_58 {strides = array<i32>} : memref<10001x128xf32, #tpu.memory_space<vmem>>, vector<10000x128xf32>,
    %broadcast_in_dim3A_61 = arith.constant 0.000000e+00 : f32
    %broadcast_in_dim3A_62 = vector.broadcast %broadcast_in_dim3A_61 : f32 to vector<1x128xf32>
    %swap3A_63 = arith.constant 10000 : index
    %swap3A_64 = arith.constant 0 : index
    %swap3A_65 = vector.load %arg8[%swap3A_63, %swap3A_64] : memref<10001x128xf32, #tpu.memory_space<vmem>>, vector<1x128xf32>
    tpu.vector_store %arg8[%swap3A_63, %swap3A_64], %broadcast_in_dim3A_62 {strides = array<i32>} : memref<10001x128xf32, #tpu.memory_space<vmem>>, vector<1x128xf32>,
    return
  }
}

module attributes {stable_mosaic.version = 14 : i64} {
  func.func @body(%arg0: memref<10001x128xf32, #tpu.memory_space<vmem>>, %arg1: memref<20224x128xf32, #tpu.memory_space<vmem>>, %arg2: memref<128x64xf32, #tpu.memory_space<vmem>>, %arg3: memref<1x64xf32, #tpu.memory_space<vmem>>, %arg4: memref<64x64xf32, #tpu.memory_space<vmem>>, %arg5: memref<1x64xf32, #tpu.memory_space<vmem>>, %arg6: memref<1x64xf32, #tpu.memory_space<vmem>>, %arg7: memref<1x64xf32, #tpu.memory_space<vmem>>, %arg8: memref<10001x64xf32, #tpu.memory_space<vmem>>) attributes {dimension_semantics = [], scalar_prefetch = 0 : i64, scratch_operands = 0 : i64, tpu.core_type = #tpu.core_type<tc>} {
    %get3A = arith.constant 0 : index
    %get3A_0 = arith.constant 0 : index
    %get3A_1 = vector.load %arg0[%get3A, %get3A_0] : memref<10001x128xf32, #tpu.memory_space<vmem>>, vector<10000x128xf32>
    %get3A_2 = arith.constant 0 : index
    %get3A_3 = arith.constant 0 : index
    %get3A_4 = vector.load %arg1[%get3A_2, %get3A_3] : memref<20224x128xf32, #tpu.memory_space<vmem>>, vector<10000x128xf32>
    %add3A = arith.addf %get3A_1, %get3A_4 : vector<10000x128xf32>
    %get3A_5 = arith.constant 10112 : index
    %get3A_6 = arith.constant 0 : index
    %get3A_7 = vector.load %arg1[%get3A_5, %get3A_6] : memref<20224x128xf32, #tpu.memory_space<vmem>>, vector<10000x128xf32>
    %add3A_8 = arith.addf %add3A, %get3A_7 : vector<10000x128xf32>
    %get3A_9 = arith.constant 0 : index
    %get3A_10 = arith.constant 0 : index
    %get3A_11 = vector.load %arg2[%get3A_9, %get3A_10] : memref<128x64xf32, #tpu.memory_space<vmem>>, vector<128x64xf32>
    %dot_general3A = arith.constant dense<0.000000e+00> : vector<10000x64xf32>
    %dot_general3A_12 = tpu.matmul %add3A_8, %get3A_11, %dot_general3A {dimension_numbers = #tpu.dot_dimension_numbers<[1], [0], [0], [1], [0, 0, 1, 1], [], []>, transpose_lhs_hint = false} : vector<10000x128xf32>, vector<128x64xf32>, vector<10000x64xf32> -> vector<10000x64xf32>
    %get3A_13 = arith.constant 0 : index
    %get3A_14 = arith.constant 0 : index
    %get3A_15 = vector.load %arg3[%get3A_13, %get3A_14] : memref<1x64xf32, #tpu.memory_space<vmem>>, vector<1x64xf32>
    %add3A_16 = vector.broadcast %get3A_15 : vector<1x64xf32> to vector<10000x64xf32>
    %add3A_17 = arith.addf %dot_general3A_12, %add3A_16 : vector<10000x64xf32>
    %max3A = arith.constant 0.000000e+00 : f32
    %max3A_18 = vector.broadcast %max3A : f32 to vector<10000x64xf32>
    %max3A_19 = arith.maximumf %add3A_17, %max3A_18 : vector<10000x64xf32>
    %get3A_20 = arith.constant 0 : index
    %get3A_21 = arith.constant 0 : index
    %get3A_22 = vector.load %arg4[%get3A_20, %get3A_21] : memref<64x64xf32, #tpu.memory_space<vmem>>, vector<64x64xf32>
    %dot_general3A_23 = arith.constant dense<0.000000e+00> : vector<10000x64xf32>
    %dot_general3A_24 = tpu.matmul %max3A_19, %get3A_22, %dot_general3A_23 {dimension_numbers = #tpu.dot_dimension_numbers<[1], [0], [0], [1], [0, 0, 1, 1], [], []>, transpose_lhs_hint = false} : vector<10000x64xf32>, vector<64x64xf32>, vector<10000x64xf32> -> vector<10000x64xf32>
    %get3A_25 = arith.constant 0 : index
    %get3A_26 = arith.constant 0 : index
    %get3A_27 = vector.load %arg5[%get3A_25, %get3A_26] : memref<1x64xf32, #tpu.memory_space<vmem>>, vector<1x64xf32>
    %add3A_28 = vector.broadcast %get3A_27 : vector<1x64xf32> to vector<10000x64xf32>
    %add3A_29 = arith.addf %dot_general3A_24, %add3A_28 : vector<10000x64xf32>
    %reduce_sum3A = arith.constant dense<0.000000e+00> : vector<64xf32>
    %reduce_sum3A_30 = vector.multi_reduction <add>, %add3A_29, %reduce_sum3A [0] : vector<10000x64xf32> to vector<64xf32>
    %broadcast_in_dim3A = vector.shape_cast %reduce_sum3A_30 : vector<64xf32> to vector<1x64xf32>
    %div3A = arith.constant 1.000000e+04 : f32
    %div3A_31 = vector.broadcast %div3A : f32 to vector<1x64xf32>
    %div3A_32 = arith.divf %broadcast_in_dim3A, %div3A_31 : vector<1x64xf32>
    %sub3A = vector.broadcast %div3A_32 : vector<1x64xf32> to vector<10000x64xf32>
    %sub3A_33 = arith.subf %add3A_29, %sub3A : vector<10000x64xf32>
    %integer_pow3A = arith.mulf %sub3A_33, %sub3A_33 : vector<10000x64xf32>
    %reduce_sum3A_34 = arith.constant dense<0.000000e+00> : vector<64xf32>
    %reduce_sum3A_35 = vector.multi_reduction <add>, %integer_pow3A, %reduce_sum3A_34 [0] : vector<10000x64xf32> to vector<64xf32>
    %broadcast_in_dim3A_36 = vector.shape_cast %reduce_sum3A_35 : vector<64xf32> to vector<1x64xf32>
    %div3A_37 = arith.constant 1.000000e+04 : f32
    %div3A_38 = vector.broadcast %div3A_37 : f32 to vector<1x64xf32>
    %div3A_39 = arith.divf %broadcast_in_dim3A_36, %div3A_38 : vector<1x64xf32>
    %sub3A_40 = vector.broadcast %div3A_32 : vector<1x64xf32> to vector<10000x64xf32>
    %sub3A_41 = arith.subf %add3A_29, %sub3A_40 : vector<10000x64xf32>
    %add3A_42 = arith.constant 9.99999974E-6 : f32
    %add3A_43 = vector.broadcast %add3A_42 : f32 to vector<1x64xf32>
    %add3A_44 = arith.addf %div3A_39, %add3A_43 : vector<1x64xf32>
    %sqrt3A = math.sqrt %add3A_44 : vector<1x64xf32>
    %div3A_45 = vector.broadcast %sqrt3A : vector<1x64xf32> to vector<10000x64xf32>
    %div3A_46 = arith.divf %sub3A_41, %div3A_45 : vector<10000x64xf32>
    %get3A_47 = arith.constant 0 : index
    %get3A_48 = arith.constant 0 : index
    %get3A_49 = vector.load %arg6[%get3A_47, %get3A_48] : memref<1x64xf32, #tpu.memory_space<vmem>>, vector<1x64xf32>
    %mul3A = vector.broadcast %get3A_49 : vector<1x64xf32> to vector<10000x64xf32>
    %mul3A_50 = arith.mulf %div3A_46, %mul3A : vector<10000x64xf32>
    %get3A_51 = arith.constant 0 : index
    %get3A_52 = arith.constant 0 : index
    %get3A_53 = vector.load %arg7[%get3A_51, %get3A_52] : memref<1x64xf32, #tpu.memory_space<vmem>>, vector<1x64xf32>
    %add3A_54 = vector.broadcast %get3A_53 : vector<1x64xf32> to vector<10000x64xf32>
    %add3A_55 = arith.addf %mul3A_50, %add3A_54 : vector<10000x64xf32>
    %max3A_56 = arith.constant 0.000000e+00 : f32
    %max3A_57 = vector.broadcast %max3A_56 : f32 to vector<10000x64xf32>
    %max3A_58 = arith.maximumf %add3A_55, %max3A_57 : vector<10000x64xf32>
    %swap3A = arith.constant 0 : index
    %swap3A_59 = arith.constant 0 : index
    %swap3A_60 = vector.load %arg8[%swap3A, %swap3A_59] : memref<10001x64xf32, #tpu.memory_space<vmem>>, vector<10000x64xf32>
    tpu.vector_store %arg8[%swap3A, %swap3A_59], %max3A_58 {strides = array<i32>} : memref<10001x64xf32, #tpu.memory_space<vmem>>, vector<10000x64xf32>,
    %broadcast_in_dim3A_61 = arith.constant 0.000000e+00 : f32
    %broadcast_in_dim3A_62 = vector.broadcast %broadcast_in_dim3A_61 : f32 to vector<1x64xf32>
    %swap3A_63 = arith.constant 10000 : index
    %swap3A_64 = arith.constant 0 : index
    %swap3A_65 = vector.load %arg8[%swap3A_63, %swap3A_64] : memref<10001x64xf32, #tpu.memory_space<vmem>>, vector<1x64xf32>
    tpu.vector_store %arg8[%swap3A_63, %swap3A_64], %broadcast_in_dim3A_62 {strides = array<i32>} : memref<10001x64xf32, #tpu.memory_space<vmem>>, vector<1x64xf32>,
    return
  }
}

module attributes {stable_mosaic.version = 14 : i64} {
  func.func @body(%arg0: memref<10001x64xf32, #tpu.memory_space<vmem>>, %arg1: memref<20224x64xf32, #tpu.memory_space<vmem>>, %arg2: memref<64x32xf32, #tpu.memory_space<vmem>>, %arg3: memref<1x32xf32, #tpu.memory_space<vmem>>, %arg4: memref<32x32xf32, #tpu.memory_space<vmem>>, %arg5: memref<1x32xf32, #tpu.memory_space<vmem>>, %arg6: memref<1x32xf32, #tpu.memory_space<vmem>>, %arg7: memref<1x32xf32, #tpu.memory_space<vmem>>, %arg8: memref<10001x32xf32, #tpu.memory_space<vmem>>) attributes {dimension_semantics = [], scalar_prefetch = 0 : i64, scratch_operands = 0 : i64, tpu.core_type = #tpu.core_type<tc>} {
    %get3A = arith.constant 0 : index
    %get3A_0 = arith.constant 0 : index
    %get3A_1 = vector.load %arg0[%get3A, %get3A_0] : memref<10001x64xf32, #tpu.memory_space<vmem>>, vector<10000x64xf32>
    %get3A_2 = arith.constant 0 : index
    %get3A_3 = arith.constant 0 : index
    %get3A_4 = vector.load %arg1[%get3A_2, %get3A_3] : memref<20224x64xf32, #tpu.memory_space<vmem>>, vector<10000x64xf32>
    %add3A = arith.addf %get3A_1, %get3A_4 : vector<10000x64xf32>
    %get3A_5 = arith.constant 10112 : index
    %get3A_6 = arith.constant 0 : index
    %get3A_7 = vector.load %arg1[%get3A_5, %get3A_6] : memref<20224x64xf32, #tpu.memory_space<vmem>>, vector<10000x64xf32>
    %add3A_8 = arith.addf %add3A, %get3A_7 : vector<10000x64xf32>
    %get3A_9 = arith.constant 0 : index
    %get3A_10 = arith.constant 0 : index
    %get3A_11 = vector.load %arg2[%get3A_9, %get3A_10] : memref<64x32xf32, #tpu.memory_space<vmem>>, vector<64x32xf32>
    %dot_general3A = arith.constant dense<0.000000e+00> : vector<10000x32xf32>
    %dot_general3A_12 = tpu.matmul %add3A_8, %get3A_11, %dot_general3A {dimension_numbers = #tpu.dot_dimension_numbers<[1], [0], [0], [1], [0, 0, 1, 1], [], []>, transpose_lhs_hint = false} : vector<10000x64xf32>, vector<64x32xf32>, vector<10000x32xf32> -> vector<10000x32xf32>
    %get3A_13 = arith.constant 0 : index
    %get3A_14 = arith.constant 0 : index
    %get3A_15 = vector.load %arg3[%get3A_13, %get3A_14] : memref<1x32xf32, #tpu.memory_space<vmem>>, vector<1x32xf32>
    %add3A_16 = vector.broadcast %get3A_15 : vector<1x32xf32> to vector<10000x32xf32>
    %add3A_17 = arith.addf %dot_general3A_12, %add3A_16 : vector<10000x32xf32>
    %max3A = arith.constant 0.000000e+00 : f32
    %max3A_18 = vector.broadcast %max3A : f32 to vector<10000x32xf32>
    %max3A_19 = arith.maximumf %add3A_17, %max3A_18 : vector<10000x32xf32>
    %get3A_20 = arith.constant 0 : index
    %get3A_21 = arith.constant 0 : index
    %get3A_22 = vector.load %arg4[%get3A_20, %get3A_21] : memref<32x32xf32, #tpu.memory_space<vmem>>, vector<32x32xf32>
    %dot_general3A_23 = arith.constant dense<0.000000e+00> : vector<10000x32xf32>
    %dot_general3A_24 = tpu.matmul %max3A_19, %get3A_22, %dot_general3A_23 {dimension_numbers = #tpu.dot_dimension_numbers<[1], [0], [0], [1], [0, 0, 1, 1], [], []>, transpose_lhs_hint = false} : vector<10000x32xf32>, vector<32x32xf32>, vector<10000x32xf32> -> vector<10000x32xf32>
    %get3A_25 = arith.constant 0 : index
    %get3A_26 = arith.constant 0 : index
    %get3A_27 = vector.load %arg5[%get3A_25, %get3A_26] : memref<1x32xf32, #tpu.memory_space<vmem>>, vector<1x32xf32>
    %add3A_28 = vector.broadcast %get3A_27 : vector<1x32xf32> to vector<10000x32xf32>
    %add3A_29 = arith.addf %dot_general3A_24, %add3A_28 : vector<10000x32xf32>
    %reduce_sum3A = arith.constant dense<0.000000e+00> : vector<32xf32>
    %reduce_sum3A_30 = vector.multi_reduction <add>, %add3A_29, %reduce_sum3A [0] : vector<10000x32xf32> to vector<32xf32>
    %broadcast_in_dim3A = vector.shape_cast %reduce_sum3A_30 : vector<32xf32> to vector<1x32xf32>
    %div3A = arith.constant 1.000000e+04 : f32
    %div3A_31 = vector.broadcast %div3A : f32 to vector<1x32xf32>
    %div3A_32 = arith.divf %broadcast_in_dim3A, %div3A_31 : vector<1x32xf32>
    %sub3A = vector.broadcast %div3A_32 : vector<1x32xf32> to vector<10000x32xf32>
    %sub3A_33 = arith.subf %add3A_29, %sub3A : vector<10000x32xf32>
    %integer_pow3A = arith.mulf %sub3A_33, %sub3A_33 : vector<10000x32xf32>
    %reduce_sum3A_34 = arith.constant dense<0.000000e+00> : vector<32xf32>
    %reduce_sum3A_35 = vector.multi_reduction <add>, %integer_pow3A, %reduce_sum3A_34 [0] : vector<10000x32xf32> to vector<32xf32>
    %broadcast_in_dim3A_36 = vector.shape_cast %reduce_sum3A_35 : vector<32xf32> to vector<1x32xf32>
    %div3A_37 = arith.constant 1.000000e+04 : f32
    %div3A_38 = vector.broadcast %div3A_37 : f32 to vector<1x32xf32>
    %div3A_39 = arith.divf %broadcast_in_dim3A_36, %div3A_38 : vector<1x32xf32>
    %sub3A_40 = vector.broadcast %div3A_32 : vector<1x32xf32> to vector<10000x32xf32>
    %sub3A_41 = arith.subf %add3A_29, %sub3A_40 : vector<10000x32xf32>
    %add3A_42 = arith.constant 9.99999974E-6 : f32
    %add3A_43 = vector.broadcast %add3A_42 : f32 to vector<1x32xf32>
    %add3A_44 = arith.addf %div3A_39, %add3A_43 : vector<1x32xf32>
    %sqrt3A = math.sqrt %add3A_44 : vector<1x32xf32>
    %div3A_45 = vector.broadcast %sqrt3A : vector<1x32xf32> to vector<10000x32xf32>
    %div3A_46 = arith.divf %sub3A_41, %div3A_45 : vector<10000x32xf32>
    %get3A_47 = arith.constant 0 : index
    %get3A_48 = arith.constant 0 : index
    %get3A_49 = vector.load %arg6[%get3A_47, %get3A_48] : memref<1x32xf32, #tpu.memory_space<vmem>>, vector<1x32xf32>
    %mul3A = vector.broadcast %get3A_49 : vector<1x32xf32> to vector<10000x32xf32>
    %mul3A_50 = arith.mulf %div3A_46, %mul3A : vector<10000x32xf32>
    %get3A_51 = arith.constant 0 : index
    %get3A_52 = arith.constant 0 : index
    %get3A_53 = vector.load %arg7[%get3A_51, %get3A_52] : memref<1x32xf32, #tpu.memory_space<vmem>>, vector<1x32xf32>
    %add3A_54 = vector.broadcast %get3A_53 : vector<1x32xf32> to vector<10000x32xf32>
    %add3A_55 = arith.addf %mul3A_50, %add3A_54 : vector<10000x32xf32>
    %swap3A = arith.constant 0 : index
    %swap3A_56 = arith.constant 0 : index
    %swap3A_57 = vector.load %arg8[%swap3A, %swap3A_56] : memref<10001x32xf32, #tpu.memory_space<vmem>>, vector<10000x32xf32>
    tpu.vector_store %arg8[%swap3A, %swap3A_56], %add3A_55 {strides = array<i32>} : memref<10001x32xf32, #tpu.memory_space<vmem>>, vector<10000x32xf32>,
    %broadcast_in_dim3A_58 = arith.constant 0.000000e+00 : f32
    %broadcast_in_dim3A_59 = vector.broadcast %broadcast_in_dim3A_58 : f32 to vector<1x32xf32>
    %swap3A_60 = arith.constant 10000 : index
    %swap3A_61 = arith.constant 0 : index
    %swap3A_62 = vector.load %arg8[%swap3A_60, %swap3A_61] : memref<10001x32xf32, #tpu.memory_space<vmem>>, vector<1x32xf32>
    tpu.vector_store %arg8[%swap3A_60, %swap3A_61], %broadcast_in_dim3A_59 {strides = array<i32>} : memref<10001x32xf32, #tpu.memory_space<vmem>>, vector<1x32xf32>,
    return
  }
}

module attributes {stable_mosaic.version = 14 : i64} {
  func.func @body(%arg0: memref<10001x32xf32, #tpu.memory_space<vmem>>, %arg1: memref<10000x1xi32, #tpu.memory_space<vmem>>, %arg2: memref<1x32xf32, #tpu.memory_space<vmem>>, %arg3: memref<1x1xf32, #tpu.memory_space<vmem>>, %arg4: memref<10000x1xf32, #tpu.memory_space<vmem>>) attributes {dimension_semantics = [], scalar_prefetch = 0 : i64, scratch_operands = 0 : i64, tpu.core_type = #tpu.core_type<tc>} {
    %get3A = arith.constant 0 : index
    %get3A_0 = arith.constant 0 : index
    %get3A_1 = vector.load %arg0[%get3A, %get3A_0] : memref<10001x32xf32, #tpu.memory_space<vmem>>, vector<10000x32xf32>
    %get3A_2 = arith.constant 0 : index
    %get3A_3 = arith.constant 0 : index
    %get3A_4 = vector.load %arg2[%get3A_2, %get3A_3] : memref<1x32xf32, #tpu.memory_space<vmem>>, vector<1x32xf32>
    %mul3A = vector.broadcast %get3A_4 : vector<1x32xf32> to vector<10000x32xf32>
    %mul3A_5 = arith.mulf %get3A_1, %mul3A : vector<10000x32xf32>
    %reduce_sum3A = arith.constant dense<0.000000e+00> : vector<10000xf32>
    %reduce_sum3A_6 = vector.multi_reduction <add>, %mul3A_5, %reduce_sum3A [1] : vector<10000x32xf32> to vector<10000xf32>
    %broadcast_in_dim3A = vector.shape_cast %reduce_sum3A_6 : vector<10000xf32> to vector<10000x1xf32>
    %get3A_7 = arith.constant 0 : index
    %get3A_8 = arith.constant 0 : index
    %get3A_9 = vector.load %arg3[%get3A_7, %get3A_8] : memref<1x1xf32, #tpu.memory_space<vmem>>, vector<1x1xf32>
    %add3A = vector.broadcast %get3A_9 : vector<1x1xf32> to vector<10000x1xf32>
    %add3A_10 = arith.addf %broadcast_in_dim3A, %add3A : vector<10000x1xf32>
    %div3A = arith.constant 5.000000e+00 : f32
    %div3A_11 = vector.broadcast %div3A : f32 to vector<10000x1xf32>
    %div3A_12 = arith.divf %add3A_10, %div3A_11 : vector<10000x1xf32>
    %iota3A = tpu.iota {dimensions = array<i32: 1>} : vector<10000x64xi32>
    %get3A_13 = arith.constant 0 : index
    %get3A_14 = arith.constant 0 : index
    %get3A_15 = vector.load %arg1[%get3A_13, %get3A_14] : memref<10000x1xi32, #tpu.memory_space<vmem>>, vector<10000x1xi32>
    %eq3A = vector.broadcast %get3A_15 : vector<10000x1xi32> to vector<10000x64xi32>
    %eq3A_16 = arith.cmpi eq, %eq3A, %iota3A : vector<10000x64xi32>
    %jit3A = arith.constant 0xFF800000 : f32
    %broadcast_in_dim3A_17 = vector.shape_cast %div3A_12 : vector<10000x1xf32> to vector<10000x1xf32>
    %broadcast_in_dim3A_18 = vector.broadcast %broadcast_in_dim3A_17 : vector<10000x1xf32> to vector<10000x64xf32>
    %broadcast_in_dim3A_19 = vector.broadcast %jit3A : f32 to vector<10000x64xf32>
    %select_n3A = arith.select %eq3A_16, %broadcast_in_dim3A_18, %broadcast_in_dim3A_19 : vector<10000x64xi1>, vector<10000x64xf32>
    %reduce_max3A = arith.constant dense<0xFF800000> : vector<64xf32>
    %reduce_max3A_20 = vector.multi_reduction <maximumf>, %select_n3A, %reduce_max3A [0] : vector<10000x64xf32> to vector<64xf32>
    %broadcast_in_dim3A_21 = vector.shape_cast %reduce_max3A_20 : vector<64xf32> to vector<1x64xf32>
    %is_finite3A = tpu.weird %broadcast_in_dim3A_21 : vector<1x64xf32> -> vector<1x64xi1>
    %is_finite3A_22 = arith.constant dense<true> : vector<1x64xi1>
    %is_finite3A_23 = arith.xori %is_finite3A, %is_finite3A_22 : vector<1x64xi1>
    %jit3A_24 = arith.constant 0.000000e+00 : f32
    %broadcast_in_dim3A_25 = vector.broadcast %jit3A_24 : f32 to vector<1x64xf32>
    %select_n3A_26 = arith.select %is_finite3A_23, %broadcast_in_dim3A_21, %broadcast_in_dim3A_25 : vector<1x64xi1>, vector<1x64xf32>
    %jit3A_27 = arith.constant 0.000000e+00 : f32
    %broadcast_in_dim3A_28 = vector.shape_cast %select_n3A_26 : vector<1x64xf32> to vector<1x64xf32>
    %broadcast_in_dim3A_29 = vector.broadcast %broadcast_in_dim3A_28 : vector<1x64xf32> to vector<10000x64xf32>
    %broadcast_in_dim3A_30 = vector.broadcast %jit3A_27 : f32 to vector<10000x64xf32>
    %select_n3A_31 = arith.select %eq3A_16, %broadcast_in_dim3A_29, %broadcast_in_dim3A_30 : vector<10000x64xi1>, vector<10000x64xf32>
    %reduce_sum3A_32 = arith.constant dense<0.000000e+00> : vector<10000xf32>
    %reduce_sum3A_33 = vector.multi_reduction <add>, %select_n3A_31, %reduce_sum3A_32 [1] : vector<10000x64xf32> to vector<10000xf32>
    %broadcast_in_dim3A_34 = vector.shape_cast %reduce_sum3A_33 : vector<10000xf32> to vector<10000x1xf32>
    %sub3A = arith.subf %div3A_12, %broadcast_in_dim3A_34 : vector<10000x1xf32>
    %exp3A = math.exp %sub3A : vector<10000x1xf32>
    %jit3A_35 = arith.constant 0.000000e+00 : f32
    %broadcast_in_dim3A_36 = vector.shape_cast %exp3A : vector<10000x1xf32> to vector<10000x1xf32>
    %broadcast_in_dim3A_37 = vector.broadcast %broadcast_in_dim3A_36 : vector<10000x1xf32> to vector<10000x64xf32>
    %broadcast_in_dim3A_38 = vector.broadcast %jit3A_35 : f32 to vector<10000x64xf32>
    %select_n3A_39 = arith.select %eq3A_16, %broadcast_in_dim3A_37, %broadcast_in_dim3A_38 : vector<10000x64xi1>, vector<10000x64xf32>
    %reduce_sum3A_40 = arith.constant dense<0.000000e+00> : vector<64xf32>
    %reduce_sum3A_41 = vector.multi_reduction <add>, %select_n3A_39, %reduce_sum3A_40 [0] : vector<10000x64xf32> to vector<64xf32>
    %broadcast_in_dim3A_42 = vector.shape_cast %reduce_sum3A_41 : vector<64xf32> to vector<1x64xf32>
    %jit3A_43 = arith.constant 0.000000e+00 : f32
    %broadcast_in_dim3A_44 = vector.shape_cast %broadcast_in_dim3A_42 : vector<1x64xf32> to vector<1x64xf32>
    %broadcast_in_dim3A_45 = vector.broadcast %broadcast_in_dim3A_44 : vector<1x64xf32> to vector<10000x64xf32>
    %broadcast_in_dim3A_46 = vector.broadcast %jit3A_43 : f32 to vector<10000x64xf32>
    %select_n3A_47 = arith.select %eq3A_16, %broadcast_in_dim3A_45, %broadcast_in_dim3A_46 : vector<10000x64xi1>, vector<10000x64xf32>
    %reduce_sum3A_48 = arith.constant dense<0.000000e+00> : vector<10000xf32>
    %reduce_sum3A_49 = vector.multi_reduction <add>, %select_n3A_47, %reduce_sum3A_48 [1] : vector<10000x64xf32> to vector<10000xf32>
    %broadcast_in_dim3A_50 = vector.shape_cast %reduce_sum3A_49 : vector<10000xf32> to vector<10000x1xf32>
    %add3A_51 = arith.constant 1.000000e-16 : f32
    %add3A_52 = vector.broadcast %add3A_51 : f32 to vector<10000x1xf32>
    %add3A_53 = arith.addf %broadcast_in_dim3A_50, %add3A_52 : vector<10000x1xf32>
    %div3A_54 = arith.divf %exp3A, %add3A_53 : vector<10000x1xf32>
    %swap3A = arith.constant 0 : index
    %swap3A_55 = arith.constant 0 : index
    %swap3A_56 = vector.load %arg4[%swap3A, %swap3A_55] : memref<10000x1xf32, #tpu.memory_space<vmem>>, vector<10000x1xf32>
    tpu.vector_store %arg4[%swap3A, %swap3A_55], %div3A_54 {strides = array<i32>} : memref<10000x1xf32, #tpu.memory_space<vmem>>, vector<10000x1xf32>,
    return
  }
}

</mosaic_0001>

<sc_bundles>
// kernel: kernel.12.cloned.1.call-start
scs
__scs_entry_jumppad:
0x0: {  	(pc) =	sbr.rel $0x88, $3  }
0x1: {  	(tag) =	ssettag $0x0;
	lr =	simm.s32 $0x1  }
0x2: {  	[smem:$0x3F8A] =	sst lr;
	_ =	strace $0xD0000000  }
0x3: {  	_ = 	snop  }
0x4: {  	_ = 	snop  }
0x5: {  	_ = 	snop  }
0x6: {  	_ = 	snop  }
0x7: {  	_ = 	snop  }
__scs_overlays_trampoline_lowered:
0x8: {  	[smem:$0x3F99] =	sst s0  }
0x9: {  	[smem:$0x3F9A] =	sst s1  }
0xa: {  	[smem:$0x3F9B] =	sst s2  }
0xb: {  	[smem:$0x3F9C] =	sst s3  }
0xc: {  	[smem:$0x3F9D] =	sst s4  }
0xd: {  	[smem:$0x3F9E] =	sst s5  }
0xe: {  	[smem:$0x3F9F] =	sst s6  }
0xf: {  	[smem:$0x3FA0] =	sst s7  }
0x10: {  	[smem:$0x3FA1] =	sst s8  }
0x11: {  	[smem:$0x3FA2] =	sst s9;
	s0 =	simm.s32 @!p0 $0x0  }
0x12: {  	s1 =	sld [smem:$0x3F88];
	s0 =	simm.s32 @p0 $0x1  }
0x13: {  	[smem:$0x3FA3] =	sst s0;
	s0 =	simm.s32 @!p1 $0x0  }
0x14: {  	s2 =	sld [smem:$0x3F87];
	s0 =	simm.s32 @p1 $0x1  }
0x15: {  	[smem:$0x3FA4] =	sst s0;
	s0 =	simm.s32 @!p2 $0x0  }
0x16: {  	s3 =	sld [smem:$0x3FDB];
	s0 =	simm.s32 @p2 $0x1  }
0x17: {  	s4 =	simm.s32 $0x1BF5;
	[smem:$0x3FA6] =	sst s0  }
0x18: {  	s0 =	sld [smem:$0x3F89];
	_ =	swait.ge [sflag:s4], $0x0  }
0x19: {  	s7 =	sld [smem:$0x3F8A]  }
0x1a: {  	s8 =	sadd.s32 $0xFFFFE003, lr  }
0x1b: {  	s9 =	sadd.s32 $0xFFFFFEF7, lr;
	s5 =	simm.s32 $0xFFFFFFFF;
	p2 =	slt.u32 s8, $0xFFFFF086  }
0x1c: {  	p1 =	slt.u32 s9, $0xF7A;
	s5 =	simm.s32 @!p2 $0x0  }
0x1d: {  	s5 =	simm.s32 @p1 $0x1;
	p0 =	seq.s32 s7, s2  }
0x1e: {  	s7 =	smul.u32 @!p0 $0xF7A, s2;
	p2 =	seq.s32 @!p0 s5, $0x0  }
0x1f: {  	s9 =	smul.u32 $0xF7A, s1;
	s8 =	simm.s32 @!p0 $0x1BF5;
	p2 =	por !p2, p0  }
0x20: {  	[sflag:s8] =	ssyncset.s32 @!p0 $0xFFFFF086;
	s6 =	sadd.s32 @!p0 s3, s7;
	s7 =	simm.s32 @!p0 $0x108  }
0x21: {  	s3 =	sadd.s32 s3, s9;
	s6 =	sadd.s32 @!p0 $0x88, s6;
	s7 =	simm.s32 @p2 $0x1082  }
0x22: {  	[simem:s7], [sflag:s8] =	dma.local @!p0 [hbm:s6], $0xF7A  }
0x23: {  	s9 =	sor.u32 $0xD0000000, s2;
	s6 =	simm.s32 $0x108;
	_ =	swait.ge @!p0 [sflag:s8], $0x0  }
0x24: {  	s3 =	sadd.s32 $0x88, s3;
	s6 =	simm.s32 @!p1 $0x1082;
	[sflag:s4] =	ssyncset.s32 $0xFFFFF086  }
0x25: {  	[simem:s6], [sflag:s4] =	dma.local [hbm:s3], $0xF7A  }
0x26: {  	[smem:$0x3F8A] =	sst s1;
	(tag) =	ssettag s2;
	_ =	strace s9  }
0x27: {  	s1 =	sld [smem:$0x3F9A]  }
0x28: {  	s2 =	sld [smem:$0x3F9B]  }
0x29: {  	s4 =	sld [smem:$0x3F9D]  }
0x2a: {  	p0 =	seq.s32 s5, $0x0;
	s5 =	sld [smem:$0x3F9E]  }
0x2b: {  	s6 =	sld [smem:$0x3F9F]  }
0x2c: {  	s7 =	sld [smem:$0x3FA0]  }
0x2d: {  	s3 =	simm.s32 $0x108;
	s8 =	sld [smem:$0x3FA1]  }
0x2e: {  	s3 =	simm.s32 @!p0 $0x1082;
	s9 =	sld [smem:$0x3FA2]  }
0x2f: {  	lr =	sadd.s32 s0, s3;
	s0 =	sld [smem:$0x3F99]  }
0x30: {  	s3 =	sld [smem:$0x3F9C]  }
0x31: {  	[smem:$0x3FA5] =	sst s10  }
0x32: {  	s10 =	sld [smem:$0x3FA3];
	_ =	sdelay $0x3  }
0x33: {  	p0 =	seq.s32 s10, $0x1;
	s10 =	sld [smem:$0x3FA5];
	_ =	sdelay $0x3  }
0x34: {  	[smem:$0x3FA5] =	sst s10  }
0x35: {  	s10 =	sld [smem:$0x3FA4];
	_ =	sdelay $0x3  }
0x36: {  	p1 =	seq.s32 s10, $0x1;
	s10 =	sld [smem:$0x3FA5];
	_ =	sdelay $0x3  }
0x37: {  	[smem:$0x3FA5] =	sst s10  }
0x38: {  	s10 =	sld [smem:$0x3FA6]  }
0x39: {  	_ = 	snop;
	(pc) =	sbr.ind lr, $3  }
0x3a: {  	_ = 	snop  }
0x3b: {  	_ = 	snop  }
0x3c: {  	p2 =	seq.s32 s10, $0x1;
	s10 =	sld [smem:$0x3FA5]  }
0x3d: {  	_ =	shalt  }
0x3e: {  	_ =	shalt  }
0x3f: {  	_ =	shalt  }
0x40: {  	_ =	shalt  }
0x41: {  	_ =	shalt  }
0x42: {  	_ =	shalt  }
0x43: {  	_ =	shalt  }
0x44: {  	_ =	shalt  }
0x45: {  	_ =	shalt  }
0x46: {  	_ =	shalt  }
0x47: {  	_ =	shalt  }
0x48: {  	_ =	shalt  }
0x49: {  	_ =	shalt  }
0x4a: {  	_ =	shalt  }
0x4b: {  	_ =	shalt  }
0x4c: {  	_ =	shalt  }
0x4d: {  	_ =	shalt  }
0x4e: {  	_ =	shalt  }
0x4f: {  	_ =	shalt  }
0x50: {  	_ =	shalt  }
0x51: {  	_ =	shalt  }
0x52: {  	_ =	shalt  }
0x53: {  	_ =	shalt  }
0x54: {  	_ =	shalt  }
0x55: {  	_ =	shalt  }
0x56: {  	_ =	shalt  }
0x57: {  	_ =	shalt  }
0x58: {  	_ =	shalt  }
0x59: {  	_ =	shalt  }
0x5a: {  	_ =	shalt  }
0x5b: {  	_ =	shalt  }
0x5c: {  	_ =	shalt  }
0x5d: {  	_ =	shalt  }
0x5e: {  	_ =	shalt  }
0x5f: {  	_ =	shalt  }
0x60: {  	_ =	shalt  }
0x61: {  	_ =	shalt  }
0x62: {  	_ =	shalt  }
0x63: {  	_ =	shalt  }
0x64: {  	_ =	shalt  }
0x65: {  	_ =	shalt  }
0x66: {  	_ =	shalt  }
0x67: {  	_ =	shalt  }
0x68: {  	_ =	shalt  }
0x69: {  	_ =	shalt  }
0x6a: {  	_ =	shalt  }
0x6b: {  	_ =	shalt  }
0x6c: {  	_ =	shalt  }
0x6d: {  	_ =	shalt  }
0x6e: {  	_ =	shalt  }
0x6f: {  	_ =	shalt  }
0x70: {  	_ =	shalt  }
0x71: {  	_ =	shalt  }
0x72: {  	_ =	shalt  }
0x73: {  	_ =	shalt  }
0x74: {  	_ =	shalt  }
0x75: {  	_ =	shalt  }
0x76: {  	_ =	shalt  }
0x77: {  	_ =	shalt  }
0x78: {  	_ =	shalt  }
0x79: {  	_ =	shalt  }
0x7a: {  	_ =	shalt  }
0x7b: {  	_ =	shalt  }
0x7c: {  	_ =	shalt  }
0x7d: {  	_ =	shalt  }
0x7e: {  	_ =	shalt  }
0x7f: {  	_ =	shalt  }
0x80: {  	_ =	shalt  }
0x81: {  	_ =	shalt  }
0x82: {  	_ =	shalt  }
0x83: {  	_ =	shalt  }
0x84: {  	_ =	shalt  }
0x85: {  	_ =	shalt  }
0x86: {  	_ =	shalt  }
0x87: {  	_ =	shalt  }
.Lfunc_end0:
.L_simem_size_0:
called_computation.1_lowered:
.L_overlay_start_0:
0x88: {  	s2 =	sld [smem:$0x3FD9]  }
0x89: {  	s3 =	sld [smem:$0x3FFE];
	_ =	sdelay $0x1  }
0x8a: {  	s1 =	srdreg.scid  }
0x8b: {  	s0 =	sand.u32 $0x1, s1  }
0x8c: {  	s16 =	sshll.u32 s0, $0xA;
	s2 =	sadd.s32 s3, s2  }
0x8d: {  	s2 =	sadd.s32 s2, s16  }
0x8e: {  	[smem:$0x3FB1] =	sst s2  }
0x8f: {  	_ = 	snop  }
0x90: {  	(tm) =	ssettm $0x1  }
0x91: {  	s17 =	sld [smem:$0x3FFB];
	_ =	sdelay $0x3  }
0x92: {  	_ =	strace s17  }
0x93: {  	s2 =	sld [smem:$0x3FFC];
	_ =	sdelay $0x3  }
0x94: {  	_ =	strace s2  }
0x95: {  	s2 =	sld [smem:$0x3FFD];
	_ =	sdelay $0x3  }
0x96: {  	_ =	strace s2  }
0x97: {  	_ =	strace $0x8FFFFFFF  }
0x98: {  	s18 =	sld [smem:$0x3FDB];
	_ =	sdelay $0x1  }
0x99: {  	s19 =	simm.s32 $_scs_section_size  }
0x9a: {  	s4 =	simm.s32 $_size__tile_overlayer_lowered;
	s5 =	simm.s32 $_tile_overlayer_lowered  }
0x9b: {  	s22 =	simm.s32 $0x1BFF;
	s21 =	sshll.u32 s5, $0x1;
	s2 =	sadd.s32 s19, s18  }
0x9c: {  	s6 =	simm.s32 $0x0;
	s20 =	sshll.u32 s4, $0x1;
	s4 =	sadd.s32 s21, s2  }
0x9d: {  	[timem:s6], [sflag:s22] =	dma.local [hbm:s4], s20  }
0x9e: {  	_ =	swait.ge [sflag:s22], s20  }
0x9f: {  	s3 =	ssub.s32 $0x0, s20;
	[sflag:s22] =	ssyncset.done $0x0  }
0xa0: {  	[sflag:s22] =	ssyncadd.s32 s3;
	_ =	sdelay $0x1  }
0xa1: {  	s23 =	simm.s32 $0x1B8B  }
0xa2: {  	_ =	swait.ge [sflag:s23], $0x1  }
0xa3: {  	[sflag:s23] =	ssyncset.done $0x0  }
0xa4: {  	s25 =	simm.s32 $0x1B8E;
	s24 =	sld [smem:$0x3FFE];
	[sflag:s23] =	ssyncadd.s32 $0xFFFFFFFF  }
0xa5: {  	s26 =	simm.s32 $execute0_lowered;
	[smem:$0x3FD2] =	sst s25  }
0xa6: {  	s4 =	sshll.u32 s26, $0x1;
	_ =	strace $0x80000049;
	[dreg:$0x1] =	wrdreg $0xFFFFFFFF  }
0xa7: {  	s28 =	simm.s32 $_size_execute0_lowered;
	s2 =	sadd.s32 s2, s4;
	[dreg:$0x0] =	wrdreg $0x0  }
0xa8: {  	s4 =	sshll.u32 s28, $0x1;
	[dreg:$0x2] =	wrdreg s2  }
0xa9: {  	[dreg:$0x3] =	wrdreg s4  }
0xaa: {  	[dreg:$0x4] =	wrdreg $0xC0  }
0xab: {  	_ =	task [dreg:s6], $0x5FFFF  }
0xac: {  	[dreg:$0x1] =	wrdreg $0xFFFFFFFF  }
0xad: {  	[dreg:$0x0] =	wrdreg $0x60  }
0xae: {  	[dreg:$0x2] =	wrdreg s24  }
0xaf: {  	[dreg:$0x3] =	wrdreg $0x82000  }
0xb0: {  	[dreg:$0x4] =	wrdreg $0x9  }
0xb1: {  	_ =	task.clear_ibuf [dreg:s6], $0x5FFFF;
	_ =	strace $0x90000049  }
0xb2: {  	s29 =	simm.s32 $0x9;
	_ =	strace $0x8000004B  }
0xb3: {  	_ =	swait.ge [sflag:s29], $0x1  }
0xb4: {  	[sflag:s29] =	ssyncadd.s32 $0xFFFFFFFF  }
0xb5: {  	_ =	strace $0x9000004B  }
0xb6: {  	_ =	sfence  }
0xb7: {  	s30 =	sld [smem:$0x0];
	_ =	sdelay $0x2  }
0xb8: {  	s31 =	sshll.u32 s1, $0xD;
	s1 =	sshrl.u32 s1, $0x2  }
0xb9: {  	s3 =	sand.u32 $0x4000, s31;
	s1 =	sadd.s32 s1, s30  }
0xba: {  	s0 =	sor.u32 s3, s0;
	s1 =	sshll.u32 s1, $0x11  }
0xbb: {  	s0 =	sor.u32 s1, s0  }
0xbc: {  	s0 =	sadd.s32 $0x8F2B, s0  }
0xbd: {  	[sflag:s0] =	ssyncadd.remote.s32 $0x1  }
0xbe: {  	_ =	sfence.sel $0xFFFF  }
0xbf: {  	[dreg:$0x0] =	wrdreg $0xFFFFFFFF;
	(pc) =	sbr.abs _section_cstart, $3  }
0xc0: {  	[dreg:$0x1] =	wrdreg $0xFFFFFFFF  }
0xc1: {  	_ =	task.clear_ibuf [dreg:s6], $0x2FFFF;
	_ =	strace $0x9FFFFFFF  }
0xc2: {  	(tm) =	ssettm $0x7FFFFFFF  }
0xc3: {  	_ =	shalt  }
tec
execute0_lowered:
.L_overlay_start_1:
0x0: {  	(tag) =	ssettag $0x1  }
0x1: {  	s0 =	rddreg [dreg:$0x0]  }
0x2: {  	s2 =	rddreg [dreg:$0x1]  }
0x3: {  	s1 =	srdreg.scid;
	s10 =	stileid.u32  }
0x4: {  	s3 =	simm.s32 $0x0;
	s28 =	simm.s32 $0x5;
	s29 =	simm.s32 $0x80  }
0x5: {  	s30 =	simm.s32 $0x100;
	s31 =	simm.s32 $0x180;
	s6 =	smul.u32 $0x278, s10  }
0x6: {  	s16 =	simm.s32 $0x0;
	s1 =	sand.u32 $0x1, s1;
	s8 =	smul.u32 $0x4F000, s10  }
0x7: {  	[smem:$0x7FF] =	sst s3;
	s4 =	sadd.s32 $0x18400, s0;
	s11 =	smul.u32 $0xD80, s10  }
0x8: {  	s5 =	sadd.s32 $0xE400, s0;
	s9 =	sadd.s32 $0x3F600, s0;
	s12 =	smul.u32 $0x4180, s10  }
0x9: {  	s7 =	smul.u32 $0x2780, s1;
	_ =	strace $0x8000004A;
	[dreg:$0x3] =	wrdreg s9  }
0xa: {  	s20 =	ssub.s32 $0x2, s1;
	p0 =	seq.s32 s1, $0x0;
	s8 =	sshrl.u32 s8, $0x2  }
0xb: {  	s21 =	sshrl.u32 s20, $0x1;
	s1 =	sadd.s32 $0x41800, s11;
	s7 =	sadd.s32 s6, s7  }
0xc: {  	s6 =	sadd.s32 $0x4400, s0;
	s8 =	sadd.s32 s8, s2;
	s1 =	smov.u32 @p0 s12  }
0xd: {  	s12 =	simm.s32 $0x41;
	s7 =	sshll.u32 s7, $0x4;
	s9 =	sadd.s32 $0x4000, s8  }
0xe: {  	s10 =	sadd.s32 $0x8000, s8;
	s11 =	sadd.s32 $0xC000, s8;
	s1 =	sshrl.u32 s1, $0x3  }
0xf: {  	s13 =	sadd.s32 $0x10000, s8;
	s12 =	simm.s32 @!p0 $0xD;
	s14 =	sadd.s32 s5, s1  }
0x10: {  	s22 =	sadd.s32 s6, s1;
	s23 =	sadd.s32 $0x10, s1;
	[dreg:$0x4] =	wrdreg s14  }
0x11: {  	s0 =	sadd.s32 s7, s0;
	[dreg:$0x5] =	wrdreg s22;
	s15 =	sadd.s32 s5, s23  }
0x12: {  	s7 =	ssub.s32 s20, s21;
	s14 =	sadd.s32 s6, s23;
	[dreg:$0x6] =	wrdreg s15  }
0x13: {  	s24 =	sadd.s32 $0x3FE00, s0;
	s25 =	sadd.s32 $0x40600, s0;
	[dreg:$0x7] =	wrdreg s14  }
0x14: {  	s26 =	sadd.s32 $0x40E00, s0;
	s21 =	sadd.s32 $0x41600, s0;
	[dreg:$0x8] =	wrdreg s24  }
0x15: {  	s22 =	sadd.s32 $0x41E00, s0;
	s23 =	smax.u32 s7, $0x1;
	[dreg:$0x9] =	wrdreg s25  }
0x16: {  	s0 =	simm.s32 $0x2;
	s7 =	simm.s32 $0x3;
	[dreg:$0xa] =	wrdreg s26  }
0x17: {  	s24 =	sadd.s32 $0x30, s1;
	s25 =	sadd.s32 $0x20, s1;
	s26 =	simm.s32 $0x200  }
0x18: {  	s1 =	simm.s32 $0x4200;
	s14 =	simm.s32 $0x1;
	s15 =	simm.s32 $0x4  }
.LBB2_1:
0x19: {  	s17 =	rddreg [dreg:$0x3]  }
0x1a: {  	[tilespmem:s26], [sflag:$0x5] =	stream.linear.gather [hbm4b:s17+s3], $0x4000, $0x38;
	[tilespmem:$0x1BE00] =	vst v63  }
0x1b: {  	_ =	swait.ge [sflag:s28], $0x4000  }
0x1c: {  	[sflag:s28] =	ssyncset.done $0x0  }
0x1d: {  	[sflag:s28] =	ssyncadd.s32 $0xFFFFC000  }
0x1e: {  	[spmem:s8] =	stream.linear.scatter [tilespmem:s26], [sflag:$0x5], $0x4000, $0x38;
	[tilespmem:$0x1BE00] =	vst v63  }
0x1f: {  	_ =	swait.ge [sflag:s28], $0x4000  }
0x20: {  	[sflag:s28] =	ssyncset.done $0x0  }
0x21: {  	[sflag:s28] =	ssyncadd.s32 $0xFFFFC000  }
0x22: {  	[spmem:s9] =	stream.linear.scatter [tilespmem:s26], [sflag:$0x5], $0x4000, $0x38;
	[tilespmem:$0x1BE00] =	vst v63  }
0x23: {  	_ =	swait.ge [sflag:s28], $0x4000  }
0x24: {  	[sflag:s28] =	ssyncset.done $0x0  }
0x25: {  	[sflag:s28] =	ssyncadd.s32 $0xFFFFC000  }
0x26: {  	[spmem:s10] =	stream.linear.scatter [tilespmem:s26], [sflag:$0x5], $0x4000, $0x38;
	[tilespmem:$0x1BE00] =	vst v63  }
0x27: {  	_ =	swait.ge [sflag:s28], $0x4000  }
0x28: {  	[sflag:s28] =	ssyncset.done $0x0  }
0x29: {  	[sflag:s28] =	ssyncadd.s32 $0xFFFFC000  }
0x2a: {  	[spmem:s11] =	stream.linear.scatter [tilespmem:s26], [sflag:$0x5], $0x4000, $0x38;
	[tilespmem:$0x1BE00] =	vst v63  }
0x2b: {  	_ =	swait.ge [sflag:s28], $0x4000  }
0x2c: {  	[sflag:s28] =	ssyncset.done $0x0  }
0x2d: {  	[sflag:s28] =	ssyncadd.s32 $0xFFFFC000  }
0x2e: {  	[spmem:s13] =	stream.linear.scatter [tilespmem:s26], [sflag:$0x5], $0x3C00, $0x38;
	[tilespmem:$0x1BE00] =	vst v63  }
0x2f: {  	_ =	swait.ge [sflag:s28], $0x3C00  }
0x30: {  	[sflag:s28] =	ssyncset.done $0x0  }
0x31: {  	[sflag:s28] =	ssyncadd.s32 $0xFFFFC400  }
0x32: {  	[bflag:$0x0] =	sbarrier.arrive $0xFFFF  }
0x33: {  	s20 =	rddreg [dreg:$0x4]  }
0x34: {  	[tilespmem:s3], [sflag:$0x5] =	stream.linear.gather [hbm4b:s20+s3], $0x80, $0x38;
	[tilespmem:$0x1BE00] =	vst v63  }
0x35: {  	_ =	swait.ge [sflag:s28], $0x80  }
0x36: {  	[sflag:s28] =	ssyncset.done $0x0  }
0x37: {  	s18 =	rddreg [dreg:$0x5];
	[sflag:s28] =	ssyncadd.s32 $0xFFFFFF80  }
0x38: {  	[tilespmem:s29], [sflag:$0x5] =	stream.linear.gather [hbm4b:s18+s3], $0x80, $0x38;
	[tilespmem:$0x1BE00] =	vst v63  }
0x39: {  	_ =	swait.ge [sflag:s28], $0x80  }
0x3a: {  	[sflag:s28] =	ssyncset.done $0x0  }
0x3b: {  	[sflag:s28] =	ssyncadd.s32 $0xFFFFFF80  }
0x3c: {  	[tilespmem:s26], [sflag:$0x3] =	stream.indirect.gather [hbm4b:s4+s29], $0x80, s3, s29, $0xb8;
	[tilespmem:$0x1BE00] =	vst v63  }
0x3d: {  	s19 =	rddreg [dreg:$0x6]  }
0x3e: {  	[tilespmem:s30], [sflag:$0x2] =	stream.linear.gather [hbm4b:s19+s3], $0x80, $0x38;
	[tilespmem:$0x1BE00] =	vst v63  }
0x3f: {  	s20 =	rddreg [dreg:$0x7]  }
0x40: {  	[tilespmem:s31], [sflag:$0x2] =	stream.linear.gather [hbm4b:s20+s3], $0x80, $0x38;
	[tilespmem:$0x1BE00] =	vst v63  }
0x41: {  	_ =	swait.ge [sflag:s0], $0x80  }
0x42: {  	[sflag:s0] =	ssyncset.done $0x0  }
0x43: {  	[sflag:s0] =	ssyncadd.s32 $0xFFFFFF80  }
0x44: {  	_ =	swait.ge [sflag:s0], $0x80  }
0x45: {  	[sflag:s0] =	ssyncset.done $0x0  }
0x46: {  	[sflag:s0] =	ssyncadd.s32 $0xFFFFFF80  }
0x47: {  	[tilespmem:s1], [sflag:$0x4] =	stream.indirect.gather [hbm4b:s4+s29], $0x80, s30, s29, $0xb8;
	[tilespmem:$0x1BE00] =	vst v63  }
0x48: {  	_ =	swait.ge [sflag:s7], $0x4000  }
0x49: {  	[sflag:s7] =	ssyncset.done $0x0  }
0x4a: {  	[sflag:s7] =	ssyncadd.s32 $0xFFFFC000  }
0x4b: {  	[spmem:s2] =	stream.indirect.scatter.add.f32 [tilespmem:s26], [sflag:$0x5], $0x80, s29, s29, $0xb8;
	[tilespmem:$0x1BE00] =	vst v63  }
0x4c: {  	_ =	swait.ge [sflag:s28], $0x4000  }
0x4d: {  	[sflag:s28] =	ssyncset.done $0x0  }
0x4e: {  	s18 =	sadd.s32 s5, s25;
	[sflag:s28] =	ssyncadd.s32 $0xFFFFC000  }
0x4f: {  	[tilespmem:s3], [sflag:$0x1] =	stream.linear.gather [hbm4b:s18+s3], $0x80, $0x38;
	[tilespmem:$0x1BE00] =	vst v63  }
0x50: {  	s19 =	sadd.s32 s6, s25  }
0x51: {  	[tilespmem:s29], [sflag:$0x1] =	stream.linear.gather [hbm4b:s19+s3], $0x80, $0x38;
	[tilespmem:$0x1BE00] =	vst v63  }
0x52: {  	_ =	swait.ge [sflag:s14], $0x80  }
0x53: {  	[sflag:s14] =	ssyncset.done $0x0  }
0x54: {  	[sflag:s14] =	ssyncadd.s32 $0xFFFFFF80  }
0x55: {  	_ =	swait.ge [sflag:s14], $0x80  }
0x56: {  	[sflag:s14] =	ssyncset.done $0x0  }
0x57: {  	[sflag:s14] =	ssyncadd.s32 $0xFFFFFF80  }
0x58: {  	[tilespmem:s26], [sflag:$0x3] =	stream.indirect.gather [hbm4b:s4+s29], $0x80, s3, s29, $0xb8;
	[tilespmem:$0x1BE00] =	vst v63  }
0x59: {  	_ =	swait.ge [sflag:s15], $0x4000  }
0x5a: {  	[sflag:s15] =	ssyncset.done $0x0  }
0x5b: {  	p0 =	sne.s32 s12, $0x1;
	[sflag:s15] =	ssyncadd.s32 $0xFFFFC000  }
0x5c: {  	[spmem:s2] =	stream.indirect.scatter.add.f32 [tilespmem:s1], [sflag:$0x5], $0x80, s31, s29, $0xb8;
	[tilespmem:$0x1BE00] =	vst v63  }
.Ltmp0:
0x5d: {  	_ =	swait.ge [sflag:s28], $0x4000;
	(pc) =	sbr.rel @!p0 .LBB2_3-.Ltmp0, $4  }
0x5e: {  	[sflag:s28] =	ssyncset.done $0x0  }
0x5f: {  	s17 =	sadd.s32 $0xFFFFFFFF, s12;
	s20 =	sadd.s32 s5, s24;
	[sflag:s28] =	ssyncadd.s32 $0xFFFFC000  }
0x60: {  	[tilespmem:s30], [sflag:$0x2] =	stream.linear.gather [hbm4b:s20+s3], $0x80, $0x38;
	[tilespmem:$0x1BE00] =	vst v63  }
0x61: {  	s18 =	sadd.s32 $0x20, s6;
	s19 =	sadd.s32 $0x20, s5;
	s20 =	sadd.s32 s6, s24  }
.LBB2_2:
0x62: {  	[tilespmem:s31], [sflag:$0x2] =	stream.linear.gather [hbm4b:s20+s3], $0x80, $0x38;
	[tilespmem:$0x1BE00] =	vst v63  }
0x63: {  	p0 =	sne.s32 s17, $0x1;
	s17 =	sadd.s32 $0xFFFFFFFF, s17;
	_ =	swait.ge [sflag:s0], $0x80  }
0x64: {  	[sflag:s0] =	ssyncset.done $0x0  }
0x65: {  	[sflag:s0] =	ssyncadd.s32 $0xFFFFFF80  }
0x66: {  	_ =	swait.ge [sflag:s0], $0x80  }
0x67: {  	[sflag:s0] =	ssyncset.done $0x0  }
0x68: {  	[sflag:s0] =	ssyncadd.s32 $0xFFFFFF80  }
0x69: {  	[tilespmem:s1], [sflag:$0x4] =	stream.indirect.gather [hbm4b:s4+s29], $0x80, s30, s29, $0xb8;
	[tilespmem:$0x1BE00] =	vst v63  }
0x6a: {  	_ =	swait.ge [sflag:s7], $0x4000  }
0x6b: {  	[sflag:s7] =	ssyncset.done $0x0  }
0x6c: {  	[sflag:s7] =	ssyncadd.s32 $0xFFFFC000  }
0x6d: {  	[spmem:s2] =	stream.indirect.scatter.add.f32 [tilespmem:s26], [sflag:$0x5], $0x80, s29, s29, $0xb8;
	[tilespmem:$0x1BE00] =	vst v63  }
0x6e: {  	_ =	swait.ge [sflag:s28], $0x4000  }
0x6f: {  	[sflag:s28] =	ssyncset.done $0x0  }
0x70: {  	s20 =	sadd.s32 s19, s25;
	[sflag:s28] =	ssyncadd.s32 $0xFFFFC000  }
0x71: {  	[tilespmem:s3], [sflag:$0x1] =	stream.linear.gather [hbm4b:s20+s3], $0x80, $0x38;
	[tilespmem:$0x1BE00] =	vst v63  }
0x72: {  	s20 =	sadd.s32 s18, s25  }
0x73: {  	[tilespmem:s29], [sflag:$0x1] =	stream.linear.gather [hbm4b:s20+s3], $0x80, $0x38;
	[tilespmem:$0x1BE00] =	vst v63  }
0x74: {  	_ =	swait.ge [sflag:s14], $0x80  }
0x75: {  	[sflag:s14] =	ssyncset.done $0x0  }
0x76: {  	[sflag:s14] =	ssyncadd.s32 $0xFFFFFF80  }
0x77: {  	_ =	swait.ge [sflag:s14], $0x80  }
0x78: {  	[sflag:s14] =	ssyncset.done $0x0  }
0x79: {  	[sflag:s14] =	ssyncadd.s32 $0xFFFFFF80  }
0x7a: {  	[tilespmem:s26], [sflag:$0x3] =	stream.indirect.gather [hbm4b:s4+s29], $0x80, s3, s29, $0xb8;
	[tilespmem:$0x1BE00] =	vst v63  }
0x7b: {  	_ =	swait.ge [sflag:s15], $0x4000  }
0x7c: {  	[sflag:s15] =	ssyncset.done $0x0  }
0x7d: {  	[sflag:s15] =	ssyncadd.s32 $0xFFFFC000  }
0x7e: {  	[spmem:s2] =	stream.indirect.scatter.add.f32 [tilespmem:s1], [sflag:$0x5], $0x80, s31, s29, $0xb8;
	[tilespmem:$0x1BE00] =	vst v63  }
.Ltmp1:
0x7f: {  	_ =	swait.ge [sflag:s28], $0x4000;
	(pc) =	sbr.rel @p0 .LBB2_2-.Ltmp1, $4  }
0x80: {  	[sflag:s28] =	ssyncset.done $0x0  }
0x81: {  	s20 =	sadd.s32 s19, s24;
	[sflag:s28] =	ssyncadd.s32 $0xFFFFC000  }
0x82: {  	[tilespmem:s30], [sflag:$0x2] =	stream.linear.gather [hbm4b:s20+s3], $0x80, $0x38;
	[tilespmem:$0x1BE00] =	vst v63  }
0x83: {  	s19 =	sadd.s32 $0x20, s19;
	s20 =	sadd.s32 s18, s24;
	s18 =	sadd.s32 $0x20, s18  }
.LBB2_3:
0x84: {  	[tilespmem:s31], [sflag:$0x2] =	stream.linear.gather [hbm4b:s20+s3], $0x80, $0x38;
	[tilespmem:$0x1BE00] =	vst v63  }
0x85: {  	_ =	swait.ge [sflag:s7], $0x4000  }
0x86: {  	[sflag:s7] =	ssyncset.done $0x0  }
0x87: {  	[sflag:s7] =	ssyncadd.s32 $0xFFFFC000  }
0x88: {  	[spmem:s2] =	stream.indirect.scatter.add.f32 [tilespmem:s26], [sflag:$0x5], $0x80, s29, s29, $0xb8;
	[tilespmem:$0x1BE00] =	vst v63  }
0x89: {  	_ =	swait.ge [sflag:s28], $0x4000  }
0x8a: {  	[sflag:s28] =	ssyncset.done $0x0  }
0x8b: {  	[sflag:s28] =	ssyncadd.s32 $0xFFFFC000  }
0x8c: {  	_ =	swait.ge [sflag:s0], $0x80  }
0x8d: {  	[sflag:s0] =	ssyncset.done $0x0  }
0x8e: {  	[sflag:s0] =	ssyncadd.s32 $0xFFFFFF80  }
0x8f: {  	_ =	swait.ge [sflag:s0], $0x80  }
0x90: {  	[sflag:s0] =	ssyncset.done $0x0  }
0x91: {  	s17 =	stileid.u32;
	[sflag:s0] =	ssyncadd.s32 $0xFFFFFF80  }
0x92: {  	s17 =	sshll.u32 s17, $0x6;
	[bflag:$0x0] =	sbarrier.arrive $0xFFFF  }
0x93: {  	s18 =	sshrl.u32 s8, $0x3;
	s17 =	sor.u32 $0x1C05, s17;
	s19 =	rddreg [dreg:$0x8]  }
0x94: {  	[hbm:s19], [sflag:s17] =	dma.local [spmem:s18], $0x800  }
0x95: {  	_ =	swait.ge [sflag:s28], $0x800  }
0x96: {  	[sflag:s28] =	ssyncset.done $0x0  }
0x97: {  	s19 =	sshrl.u32 s9, $0x3;
	s20 =	rddreg [dreg:$0x9];
	[sflag:s28] =	ssyncadd.s32 $0xFFFFF800  }
0x98: {  	[hbm:s20], [sflag:s17] =	dma.local [spmem:s19], $0x800  }
0x99: {  	_ =	swait.ge [sflag:s28], $0x800  }
0x9a: {  	[sflag:s28] =	ssyncset.done $0x0  }
0x9b: {  	s19 =	sshrl.u32 s10, $0x3;
	s20 =	rddreg [dreg:$0xa];
	[sflag:s28] =	ssyncadd.s32 $0xFFFFF800  }
0x9c: {  	[hbm:s20], [sflag:s17] =	dma.local [spmem:s19], $0x800  }
0x9d: {  	_ =	swait.ge [sflag:s28], $0x800  }
0x9e: {  	[sflag:s28] =	ssyncset.done $0x0  }
0x9f: {  	s19 =	sshrl.u32 s11, $0x3;
	[sflag:s28] =	ssyncadd.s32 $0xFFFFF800  }
0xa0: {  	[hbm:s21], [sflag:s17] =	dma.local [spmem:s19], $0x800  }
0xa1: {  	s16 =	sadd.s32 $0x1, s16;
	_ =	swait.ge [sflag:s28], $0x800  }
0xa2: {  	p0 =	sne.s32 s16, s23;
	[sflag:s28] =	ssyncset.done $0x0  }
.Ltmp2:
0xa3: {  	s20 =	sshrl.u32 s13, $0x3;
	[sflag:s28] =	ssyncadd.s32 $0xFFFFF800;
	(pc) =	sbr.rel @p0 .LBB2_1-.Ltmp2, $4  }
0xa4: {  	[hbm:s22], [sflag:s17] =	dma.local [spmem:s20], $0x780  }
0xa5: {  	_ =	swait.ge [sflag:s28], $0x780  }
0xa6: {  	[sflag:s28] =	ssyncset.done $0x0  }
0xa7: {  	[sflag:s28] =	ssyncadd.s32 $0xFFFFF880  }
0xa8: {  	_ =	sfence.sel $0x180000  }
0xa9: {  	[bflag:$0x0] =	sbarrier.arrive $0xFFFF  }
0xaa: {  	_ =	strace $0x9000004A  }
0xab: {  	s0 =	stileid.u32;
	[bflag:$0x2] =	sbarrier.arrive $0xFFFF  }
0xac: {  	p0 =	sne.s32 s0, $0x0;
	s0 =	rddreg [dreg:$0x2]  }
0xad: {  	s0 =	sadd.s32 @!p0 $0x100000, s0  }
0xae: {  	[sflag:s0] =	ssyncadd.tile.s32 @!p0 $0x1;
	_ =	shalt  }
.Lfunc_end2:
_tile_overlayer_lowered:
.L_overlay_start_2:
0xaf: {  	(tag) =	ssettag $0x2  }
0xb0: {  	s0 =	rddreg [dreg:$0x0];
	s2 =	stileid.u32  }
0xb1: {  	s1 =	rddreg [dreg:$0x1];
	p0 =	sne.s32 s2, $0x0  }
0xb2: {  	s3 =	rddreg [dreg:$0x2];
	[bflag:$0x3] =	sbarrier.arrive $0xFFFF;
	s2 =	simm.s32 @!p0 $0x1C05  }
0xb3: {  	[timem:s3], [sflag:s2] =	dma.local @!p0 [hbm:s0], s1  }
0xb4: {  	s0 =	simm.s32 @!p0 $0x5  }
0xb5: {  	_ =	swait.ge @!p0 [sflag:s0], s1  }
0xb6: {  	s1 =	ssub.s32 @!p0 $0x0, s1;
	[sflag:s0] =	ssyncset.done @!p0 $0x0  }
0xb7: {  	[sflag:s0] =	ssyncadd.s32 @!p0 s1  }
0xb8: {  	[bflag:$0x3] =	sbarrier.arrive $0xFFFF  }
0xb9: {  	_ =	shalt  }

// kernel: kernel.15.cloned.1.call-start
scs
__scs_entry_jumppad:
0x0: {  	(pc) =	sbr.rel $0x88, $3  }
0x1: {  	(tag) =	ssettag $0x0;
	lr =	simm.s32 $0x1  }
0x2: {  	[smem:$0x3F8A] =	sst lr;
	_ =	strace $0xD0000000  }
0x3: {  	_ = 	snop  }
0x4: {  	_ = 	snop  }
0x5: {  	_ = 	snop  }
0x6: {  	_ = 	snop  }
0x7: {  	_ = 	snop  }
__scs_overlays_trampoline_lowered:
0x8: {  	[smem:$0x3F99] =	sst s0  }
0x9: {  	[smem:$0x3F9A] =	sst s1  }
0xa: {  	[smem:$0x3F9B] =	sst s2  }
0xb: {  	[smem:$0x3F9C] =	sst s3  }
0xc: {  	[smem:$0x3F9D] =	sst s4  }
0xd: {  	[smem:$0x3F9E] =	sst s5  }
0xe: {  	[smem:$0x3F9F] =	sst s6  }
0xf: {  	[smem:$0x3FA0] =	sst s7  }
0x10: {  	[smem:$0x3FA1] =	sst s8  }
0x11: {  	[smem:$0x3FA2] =	sst s9;
	s0 =	simm.s32 @!p0 $0x0  }
0x12: {  	s1 =	sld [smem:$0x3F88];
	s0 =	simm.s32 @p0 $0x1  }
0x13: {  	[smem:$0x3FA3] =	sst s0;
	s0 =	simm.s32 @!p1 $0x0  }
0x14: {  	s2 =	sld [smem:$0x3F87];
	s0 =	simm.s32 @p1 $0x1  }
0x15: {  	[smem:$0x3FA4] =	sst s0;
	s0 =	simm.s32 @!p2 $0x0  }
0x16: {  	s3 =	sld [smem:$0x3FDB];
	s0 =	simm.s32 @p2 $0x1  }
0x17: {  	s4 =	simm.s32 $0x1BF5;
	[smem:$0x3FA6] =	sst s0  }
0x18: {  	s0 =	sld [smem:$0x3F89];
	_ =	swait.ge [sflag:s4], $0x0  }
0x19: {  	s7 =	sld [smem:$0x3F8A]  }
0x1a: {  	s8 =	sadd.s32 $0xFFFFE003, lr  }
0x1b: {  	s9 =	sadd.s32 $0xFFFFFEF7, lr;
	s5 =	simm.s32 $0xFFFFFFFF;
	p2 =	slt.u32 s8, $0xFFFFF086  }
0x1c: {  	p1 =	slt.u32 s9, $0xF7A;
	s5 =	simm.s32 @!p2 $0x0  }
0x1d: {  	s5 =	simm.s32 @p1 $0x1;
	p0 =	seq.s32 s7, s2  }
0x1e: {  	s7 =	smul.u32 @!p0 $0xF7A, s2;
	p2 =	seq.s32 @!p0 s5, $0x0  }
0x1f: {  	s9 =	smul.u32 $0xF7A, s1;
	s8 =	simm.s32 @!p0 $0x1BF5;
	p2 =	por !p2, p0  }
0x20: {  	[sflag:s8] =	ssyncset.s32 @!p0 $0xFFFFF086;
	s6 =	sadd.s32 @!p0 s3, s7;
	s7 =	simm.s32 @!p0 $0x108  }
0x21: {  	s3 =	sadd.s32 s3, s9;
	s6 =	sadd.s32 @!p0 $0x88, s6;
	s7 =	simm.s32 @p2 $0x1082  }
0x22: {  	[simem:s7], [sflag:s8] =	dma.local @!p0 [hbm:s6], $0xF7A  }
0x23: {  	s9 =	sor.u32 $0xD0000000, s2;
	s6 =	simm.s32 $0x108;
	_ =	swait.ge @!p0 [sflag:s8], $0x0  }
0x24: {  	s3 =	sadd.s32 $0x88, s3;
	s6 =	simm.s32 @!p1 $0x1082;
	[sflag:s4] =	ssyncset.s32 $0xFFFFF086  }
0x25: {  	[simem:s6], [sflag:s4] =	dma.local [hbm:s3], $0xF7A  }
0x26: {  	[smem:$0x3F8A] =	sst s1;
	(tag) =	ssettag s2;
	_ =	strace s9  }
0x27: {  	s1 =	sld [smem:$0x3F9A]  }
0x28: {  	s2 =	sld [smem:$0x3F9B]  }
0x29: {  	s4 =	sld [smem:$0x3F9D]  }
0x2a: {  	p0 =	seq.s32 s5, $0x0;
	s5 =	sld [smem:$0x3F9E]  }
0x2b: {  	s6 =	sld [smem:$0x3F9F]  }
0x2c: {  	s7 =	sld [smem:$0x3FA0]  }
0x2d: {  	s3 =	simm.s32 $0x108;
	s8 =	sld [smem:$0x3FA1]  }
0x2e: {  	s3 =	simm.s32 @!p0 $0x1082;
	s9 =	sld [smem:$0x3FA2]  }
0x2f: {  	lr =	sadd.s32 s0, s3;
	s0 =	sld [smem:$0x3F99]  }
0x30: {  	s3 =	sld [smem:$0x3F9C]  }
0x31: {  	[smem:$0x3FA5] =	sst s10  }
0x32: {  	s10 =	sld [smem:$0x3FA3];
	_ =	sdelay $0x3  }
0x33: {  	p0 =	seq.s32 s10, $0x1;
	s10 =	sld [smem:$0x3FA5];
	_ =	sdelay $0x3  }
0x34: {  	[smem:$0x3FA5] =	sst s10  }
0x35: {  	s10 =	sld [smem:$0x3FA4];
	_ =	sdelay $0x3  }
0x36: {  	p1 =	seq.s32 s10, $0x1;
	s10 =	sld [smem:$0x3FA5];
	_ =	sdelay $0x3  }
0x37: {  	[smem:$0x3FA5] =	sst s10  }
0x38: {  	s10 =	sld [smem:$0x3FA6]  }
0x39: {  	_ = 	snop;
	(pc) =	sbr.ind lr, $3  }
0x3a: {  	_ = 	snop  }
0x3b: {  	_ = 	snop  }
0x3c: {  	p2 =	seq.s32 s10, $0x1;
	s10 =	sld [smem:$0x3FA5]  }
0x3d: {  	_ =	shalt  }
0x3e: {  	_ =	shalt  }
0x3f: {  	_ =	shalt  }
0x40: {  	_ =	shalt  }
0x41: {  	_ =	shalt  }
0x42: {  	_ =	shalt  }
0x43: {  	_ =	shalt  }
0x44: {  	_ =	shalt  }
0x45: {  	_ =	shalt  }
0x46: {  	_ =	shalt  }
0x47: {  	_ =	shalt  }
0x48: {  	_ =	shalt  }
0x49: {  	_ =	shalt  }
0x4a: {  	_ =	shalt  }
0x4b: {  	_ =	shalt  }
0x4c: {  	_ =	shalt  }
0x4d: {  	_ =	shalt  }
0x4e: {  	_ =	shalt  }
0x4f: {  	_ =	shalt  }
0x50: {  	_ =	shalt  }
0x51: {  	_ =	shalt  }
0x52: {  	_ =	shalt  }
0x53: {  	_ =	shalt  }
0x54: {  	_ =	shalt  }
0x55: {  	_ =	shalt  }
0x56: {  	_ =	shalt  }
0x57: {  	_ =	shalt  }
0x58: {  	_ =	shalt  }
0x59: {  	_ =	shalt  }
0x5a: {  	_ =	shalt  }
0x5b: {  	_ =	shalt  }
0x5c: {  	_ =	shalt  }
0x5d: {  	_ =	shalt  }
0x5e: {  	_ =	shalt  }
0x5f: {  	_ =	shalt  }
0x60: {  	_ =	shalt  }
0x61: {  	_ =	shalt  }
0x62: {  	_ =	shalt  }
0x63: {  	_ =	shalt  }
0x64: {  	_ =	shalt  }
0x65: {  	_ =	shalt  }
0x66: {  	_ =	shalt  }
0x67: {  	_ =	shalt  }
0x68: {  	_ =	shalt  }
0x69: {  	_ =	shalt  }
0x6a: {  	_ =	shalt  }
0x6b: {  	_ =	shalt  }
0x6c: {  	_ =	shalt  }
0x6d: {  	_ =	shalt  }
0x6e: {  	_ =	shalt  }
0x6f: {  	_ =	shalt  }
0x70: {  	_ =	shalt  }
0x71: {  	_ =	shalt  }
0x72: {  	_ =	shalt  }
0x73: {  	_ =	shalt  }
0x74: {  	_ =	shalt  }
0x75: {  	_ =	shalt  }
0x76: {  	_ =	shalt  }
0x77: {  	_ =	shalt  }
0x78: {  	_ =	shalt  }
0x79: {  	_ =	shalt  }
0x7a: {  	_ =	shalt  }
0x7b: {  	_ =	shalt  }
0x7c: {  	_ =	shalt  }
0x7d: {  	_ =	shalt  }
0x7e: {  	_ =	shalt  }
0x7f: {  	_ =	shalt  }
0x80: {  	_ =	shalt  }
0x81: {  	_ =	shalt  }
0x82: {  	_ =	shalt  }
0x83: {  	_ =	shalt  }
0x84: {  	_ =	shalt  }
0x85: {  	_ =	shalt  }
0x86: {  	_ =	shalt  }
0x87: {  	_ =	shalt  }
.Lfunc_end0:
.L_simem_size_0:
called_computation.2_lowered:
.L_overlay_start_0:
0x88: {  	s2 =	sld [smem:$0x3FD9]  }
0x89: {  	s3 =	sld [smem:$0x3FFE];
	_ =	sdelay $0x1  }
0x8a: {  	s1 =	srdreg.scid  }
0x8b: {  	s0 =	sand.u32 $0x1, s1  }
0x8c: {  	s17 =	sshll.u32 s0, $0xA;
	s2 =	sadd.s32 s3, s2  }
0x8d: {  	s2 =	sadd.s32 s2, s17  }
0x8e: {  	[smem:$0x3FB1] =	sst s2  }
0x8f: {  	_ = 	snop  }
0x90: {  	s2 =	sld [smem:$0x3FD0];
	(tm) =	ssettm $0x1  }
0x91: {  	s18 =	sld [smem:$0x3FFB];
	_ =	sdelay $0x3  }
0x92: {  	_ =	strace s18  }
0x93: {  	s3 =	sld [smem:$0x3FFC];
	_ =	sdelay $0x3  }
0x94: {  	_ =	strace s3  }
0x95: {  	s3 =	sld [smem:$0x3FFD];
	_ =	sdelay $0x3  }
0x96: {  	_ =	strace s3  }
0x97: {  	_ =	strace $0x8FFFFFFF  }
0x98: {  	s19 =	sld [smem:$0x3FDB];
	_ =	sdelay $0x1  }
0x99: {  	s4 =	simm.s32 $_scs_section_size  }
0x9a: {  	s5 =	simm.s32 $_size__tile_overlayer_lowered;
	s6 =	simm.s32 $_tile_overlayer_lowered  }
0x9b: {  	s22 =	simm.s32 $0x1BFF;
	s21 =	sshll.u32 s6, $0x1;
	s3 =	sadd.s32 s4, s19  }
0x9c: {  	s7 =	simm.s32 $0x0;
	s20 =	sshll.u32 s5, $0x1;
	s5 =	sadd.s32 s21, s3  }
0x9d: {  	[timem:s7], [sflag:s22] =	dma.local [hbm:s5], s20  }
0x9e: {  	_ =	swait.ge [sflag:s22], s20  }
0x9f: {  	s4 =	ssub.s32 $0x0, s20;
	[sflag:s22] =	ssyncset.done $0x0  }
0xa0: {  	[sflag:s22] =	ssyncadd.s32 s4;
	_ =	sdelay $0x1  }
0xa1: {  	s23 =	simm.s32 $0x1B8B  }
0xa2: {  	_ =	swait.ge [sflag:s23], $0x1  }
0xa3: {  	[sflag:s23] =	ssyncset.done $0x0  }
0xa4: {  	s25 =	simm.s32 $0x1B8E;
	s24 =	sld [smem:$0x3FFE];
	[sflag:s23] =	ssyncadd.s32 $0xFFFFFFFF  }
0xa5: {  	s26 =	simm.s32 $execute0_lowered;
	[smem:$0x3FD2] =	sst s25  }
0xa6: {  	s5 =	sshll.u32 s26, $0x1;
	_ =	strace $0x8000004C;
	[dreg:$0x1] =	wrdreg $0xFFFFFFFF  }
0xa7: {  	s28 =	simm.s32 $_size_execute0_lowered;
	s3 =	sadd.s32 s3, s5;
	[dreg:$0x0] =	wrdreg $0x0  }
0xa8: {  	s5 =	sshll.u32 s28, $0x1;
	[dreg:$0x2] =	wrdreg s3  }
0xa9: {  	[dreg:$0x3] =	wrdreg s5  }
0xaa: {  	[dreg:$0x4] =	wrdreg $0xC0  }
0xab: {  	_ =	task [dreg:s7], $0x5FFFF  }
0xac: {  	[dreg:$0x1] =	wrdreg $0xFFFFFFFF  }
0xad: {  	[dreg:$0x0] =	wrdreg $0x60  }
0xae: {  	[dreg:$0x2] =	wrdreg s24  }
0xaf: {  	[dreg:$0x3] =	wrdreg s2  }
0xb0: {  	[dreg:$0x4] =	wrdreg $0x42000  }
0xb1: {  	[dreg:$0x5] =	wrdreg $0x9  }
0xb2: {  	_ =	task.clear_ibuf [dreg:s7], $0x6FFFF;
	_ =	strace $0x9000004C  }
0xb3: {  	s29 =	simm.s32 $0x9;
	_ =	strace $0x8000004E  }
0xb4: {  	_ =	swait.ge [sflag:s29], $0x1  }
0xb5: {  	[sflag:s29] =	ssyncadd.s32 $0xFFFFFFFF  }
0xb6: {  	_ =	strace $0x9000004E  }
0xb7: {  	_ =	sfence  }
0xb8: {  	s30 =	sld [smem:$0x0];
	_ =	sdelay $0x2  }
0xb9: {  	s31 =	sshll.u32 s1, $0xD;
	s1 =	sshrl.u32 s1, $0x2  }
0xba: {  	s3 =	sand.u32 $0x4000, s31;
	s1 =	sadd.s32 s1, s30  }
0xbb: {  	s0 =	sor.u32 s3, s0;
	s1 =	sshll.u32 s1, $0x11  }
0xbc: {  	s0 =	sor.u32 s1, s0  }
0xbd: {  	s0 =	sadd.s32 $0x8F2B, s0  }
0xbe: {  	[sflag:s0] =	ssyncadd.remote.s32 $0x1  }
0xbf: {  	_ =	sfence.sel $0xFFFF  }
0xc0: {  	[dreg:$0x0] =	wrdreg $0xFFFFFFFF;
	(pc) =	sbr.abs _section_cstart, $3  }
0xc1: {  	[dreg:$0x1] =	wrdreg $0xFFFFFFFF  }
0xc2: {  	_ =	task.clear_ibuf [dreg:s7], $0x2FFFF;
	_ =	strace $0x9FFFFFFF  }
0xc3: {  	(tm) =	ssettm $0x7FFFFFFF  }
tec
execute0_lowered:
.L_overlay_start_1:
0x0: {  	(tag) =	ssettag $0x1  }
0x1: {  	s0 =	rddreg [dreg:$0x0]  }
0x2: {  	s3 =	rddreg [dreg:$0x2]  }
0x3: {  	s1 =	srdreg.scid;
	s10 =	stileid.u32;
	s4 =	simm.s32 $0x0  }
0x4: {  	s28 =	simm.s32 $0x5;
	s29 =	simm.s32 $0x80;
	s2 =	smul.u32 $0x278, s10  }
0x5: {  	s30 =	simm.s32 $0x100;
	s31 =	simm.s32 $0x180;
	s8 =	smul.u32 $0x27800, s10  }
0x6: {  	s16 =	simm.s32 $0x0;
	s1 =	sand.u32 $0x1, s1;
	s11 =	smul.u32 $0x1E80, s10  }
0x7: {  	[smem:$0x7FF] =	sst s4;
	s5 =	sadd.s32 $0x18400, s0;
	s12 =	smul.u32 $0x3080, s10  }
0x8: {  	s7 =	sadd.s32 $0x4400, s0;
	s6 =	smul.u32 $0x2780, s1;
	_ =	strace $0x8000004D  }
0x9: {  	s21 =	ssub.s32 $0x2, s1;
	p0 =	seq.s32 s1, $0x0;
	s8 =	sshrl.u32 s8, $0x2  }
0xa: {  	s9 =	sshrl.u32 s21, $0x1;
	s1 =	sadd.s32 $0x30800, s11;
	s2 =	sadd.s32 s2, s6  }
0xb: {  	s6 =	sadd.s32 $0xE400, s0;
	s8 =	sadd.s32 s8, s3;
	s1 =	smov.u32 @p0 s12  }
0xc: {  	s12 =	simm.s32 $0x30;
	s2 =	sshll.u32 s2, $0x3;
	s10 =	sadd.s32 $0x4000, s8  }
0xd: {  	s11 =	sadd.s32 $0x6000, s8;
	s13 =	sadd.s32 $0x8000, s8;
	s1 =	sshrl.u32 s1, $0x3  }
0xe: {  	s12 =	simm.s32 @!p0 $0x1E;
	s0 =	sadd.s32 s2, s0;
	s14 =	sadd.s32 s6, s1  }
0xf: {  	s22 =	sadd.s32 s7, s1;
	s23 =	sadd.s32 $0x10, s1;
	[dreg:$0x4] =	wrdreg s14  }
0x10: {  	s2 =	ssub.s32 s21, s9;
	[dreg:$0x5] =	wrdreg s22;
	s15 =	sadd.s32 s6, s23  }
0x11: {  	s9 =	sadd.s32 $0x2000, s8;
	s14 =	sadd.s32 s7, s23;
	[dreg:$0x6] =	wrdreg s15  }
0x12: {  	s24 =	sadd.s32 $0x2BE00, s0;
	s25 =	sadd.s32 $0x2C200, s0;
	[dreg:$0x7] =	wrdreg s14  }
0x13: {  	s26 =	sadd.s32 $0x2C600, s0;
	s21 =	sadd.s32 $0x2CA00, s0;
	[dreg:$0x8] =	wrdreg s24  }
0x14: {  	s22 =	sadd.s32 $0x2CE00, s0;
	s23 =	smax.u32 s2, $0x1;
	[dreg:$0x9] =	wrdreg s25  }
0x15: {  	s0 =	simm.s32 $0x2;
	s2 =	simm.s32 $0x2200;
	[dreg:$0xa] =	wrdreg s26  }
0x16: {  	s24 =	sadd.s32 $0x30, s1;
	s25 =	sadd.s32 $0x20, s1;
	s26 =	simm.s32 $0x200  }
0x17: {  	s1 =	simm.s32 $0x3;
	s14 =	simm.s32 $0x1;
	s15 =	simm.s32 $0x4  }
.LBB2_1:
0x18: {  	s17 =	rddreg [dreg:$0x1]  }
0x19: {  	[tilespmem:s26], [sflag:$0x5] =	stream.linear.gather [hbm4b:s17+s4], $0x2000, $0x38;
	[tilespmem:$0xE000] =	vst v63  }
0x1a: {  	_ =	swait.ge [sflag:s28], $0x2000  }
0x1b: {  	[sflag:s28] =	ssyncset.done $0x0  }
0x1c: {  	[sflag:s28] =	ssyncadd.s32 $0xFFFFE000  }
0x1d: {  	[spmem:s8] =	stream.linear.scatter [tilespmem:s26], [sflag:$0x5], $0x2000, $0x38;
	[tilespmem:$0xE000] =	vst v63  }
0x1e: {  	_ =	swait.ge [sflag:s28], $0x2000  }
0x1f: {  	[sflag:s28] =	ssyncset.done $0x0  }
0x20: {  	[sflag:s28] =	ssyncadd.s32 $0xFFFFE000  }
0x21: {  	[spmem:s9] =	stream.linear.scatter [tilespmem:s26], [sflag:$0x5], $0x2000, $0x38;
	[tilespmem:$0xE000] =	vst v63  }
0x22: {  	_ =	swait.ge [sflag:s28], $0x2000  }
0x23: {  	[sflag:s28] =	ssyncset.done $0x0  }
0x24: {  	[sflag:s28] =	ssyncadd.s32 $0xFFFFE000  }
0x25: {  	[spmem:s10] =	stream.linear.scatter [tilespmem:s26], [sflag:$0x5], $0x2000, $0x38;
	[tilespmem:$0xE000] =	vst v63  }
0x26: {  	_ =	swait.ge [sflag:s28], $0x2000  }
0x27: {  	[sflag:s28] =	ssyncset.done $0x0  }
0x28: {  	[sflag:s28] =	ssyncadd.s32 $0xFFFFE000  }
0x29: {  	[spmem:s11] =	stream.linear.scatter [tilespmem:s26], [sflag:$0x5], $0x2000, $0x38;
	[tilespmem:$0xE000] =	vst v63  }
0x2a: {  	_ =	swait.ge [sflag:s28], $0x2000  }
0x2b: {  	[sflag:s28] =	ssyncset.done $0x0  }
0x2c: {  	[sflag:s28] =	ssyncadd.s32 $0xFFFFE000  }
0x2d: {  	[spmem:s13] =	stream.linear.scatter [tilespmem:s26], [sflag:$0x5], $0x1E00, $0x38;
	[tilespmem:$0xE000] =	vst v63  }
0x2e: {  	_ =	swait.ge [sflag:s28], $0x1E00  }
0x2f: {  	[sflag:s28] =	ssyncset.done $0x0  }
0x30: {  	[sflag:s28] =	ssyncadd.s32 $0xFFFFE200  }
0x31: {  	[bflag:$0x0] =	sbarrier.arrive $0xFFFF  }
0x32: {  	s20 =	rddreg [dreg:$0x4]  }
0x33: {  	[tilespmem:s4], [sflag:$0x5] =	stream.linear.gather [hbm4b:s20+s4], $0x80, $0x38;
	[tilespmem:$0xE000] =	vst v63  }
0x34: {  	_ =	swait.ge [sflag:s28], $0x80  }
0x35: {  	[sflag:s28] =	ssyncset.done $0x0  }
0x36: {  	s18 =	rddreg [dreg:$0x5];
	[sflag:s28] =	ssyncadd.s32 $0xFFFFFF80  }
0x37: {  	[tilespmem:s29], [sflag:$0x5] =	stream.linear.gather [hbm4b:s18+s4], $0x80, $0x38;
	[tilespmem:$0xE000] =	vst v63  }
0x38: {  	_ =	swait.ge [sflag:s28], $0x80  }
0x39: {  	[sflag:s28] =	ssyncset.done $0x0  }
0x3a: {  	[sflag:s28] =	ssyncadd.s32 $0xFFFFFF80  }
0x3b: {  	[tilespmem:s26], [sflag:$0x3] =	stream.indirect.gather [hbm4b:s5+s29], $0x40, s4, s29, $0xb8;
	[tilespmem:$0xE000] =	vst v63  }
0x3c: {  	s19 =	rddreg [dreg:$0x6]  }
0x3d: {  	[tilespmem:s30], [sflag:$0x2] =	stream.linear.gather [hbm4b:s19+s4], $0x80, $0x38;
	[tilespmem:$0xE000] =	vst v63  }
0x3e: {  	s20 =	rddreg [dreg:$0x7]  }
0x3f: {  	[tilespmem:s31], [sflag:$0x2] =	stream.linear.gather [hbm4b:s20+s4], $0x80, $0x38;
	[tilespmem:$0xE000] =	vst v63  }
0x40: {  	_ =	swait.ge [sflag:s0], $0x80  }
0x41: {  	[sflag:s0] =	ssyncset.done $0x0  }
0x42: {  	[sflag:s0] =	ssyncadd.s32 $0xFFFFFF80  }
0x43: {  	_ =	swait.ge [sflag:s0], $0x80  }
0x44: {  	[sflag:s0] =	ssyncset.done $0x0  }
0x45: {  	[sflag:s0] =	ssyncadd.s32 $0xFFFFFF80  }
0x46: {  	[tilespmem:s2], [sflag:$0x4] =	stream.indirect.gather [hbm4b:s5+s29], $0x40, s30, s29, $0xb8;
	[tilespmem:$0xE000] =	vst v63  }
0x47: {  	_ =	swait.ge [sflag:s1], $0x2000  }
0x48: {  	[sflag:s1] =	ssyncset.done $0x0  }
0x49: {  	[sflag:s1] =	ssyncadd.s32 $0xFFFFE000  }
0x4a: {  	[spmem:s3] =	stream.indirect.scatter.add.f32 [tilespmem:s26], [sflag:$0x5], $0x40, s29, s29, $0xb8;
	[tilespmem:$0xE000] =	vst v63  }
0x4b: {  	_ =	swait.ge [sflag:s28], $0x2000  }
0x4c: {  	[sflag:s28] =	ssyncset.done $0x0  }
0x4d: {  	s18 =	sadd.s32 s6, s25;
	[sflag:s28] =	ssyncadd.s32 $0xFFFFE000  }
0x4e: {  	[tilespmem:s4], [sflag:$0x1] =	stream.linear.gather [hbm4b:s18+s4], $0x80, $0x38;
	[tilespmem:$0xE000] =	vst v63  }
0x4f: {  	s19 =	sadd.s32 s7, s25  }
0x50: {  	[tilespmem:s29], [sflag:$0x1] =	stream.linear.gather [hbm4b:s19+s4], $0x80, $0x38;
	[tilespmem:$0xE000] =	vst v63  }
0x51: {  	_ =	swait.ge [sflag:s14], $0x80  }
0x52: {  	[sflag:s14] =	ssyncset.done $0x0  }
0x53: {  	[sflag:s14] =	ssyncadd.s32 $0xFFFFFF80  }
0x54: {  	_ =	swait.ge [sflag:s14], $0x80  }
0x55: {  	[sflag:s14] =	ssyncset.done $0x0  }
0x56: {  	[sflag:s14] =	ssyncadd.s32 $0xFFFFFF80  }
0x57: {  	[tilespmem:s26], [sflag:$0x3] =	stream.indirect.gather [hbm4b:s5+s29], $0x40, s4, s29, $0xb8;
	[tilespmem:$0xE000] =	vst v63  }
0x58: {  	_ =	swait.ge [sflag:s15], $0x2000  }
0x59: {  	[sflag:s15] =	ssyncset.done $0x0  }
0x5a: {  	p0 =	sne.s32 s12, $0x1;
	[sflag:s15] =	ssyncadd.s32 $0xFFFFE000  }
0x5b: {  	[spmem:s3] =	stream.indirect.scatter.add.f32 [tilespmem:s2], [sflag:$0x5], $0x40, s31, s29, $0xb8;
	[tilespmem:$0xE000] =	vst v63  }
.Ltmp0:
0x5c: {  	_ =	swait.ge [sflag:s28], $0x2000;
	(pc) =	sbr.rel @!p0 .LBB2_3-.Ltmp0, $4  }
0x5d: {  	[sflag:s28] =	ssyncset.done $0x0  }
0x5e: {  	s17 =	sadd.s32 $0xFFFFFFFF, s12;
	s20 =	sadd.s32 s6, s24;
	[sflag:s28] =	ssyncadd.s32 $0xFFFFE000  }
0x5f: {  	[tilespmem:s30], [sflag:$0x2] =	stream.linear.gather [hbm4b:s20+s4], $0x80, $0x38;
	[tilespmem:$0xE000] =	vst v63  }
0x60: {  	s18 =	sadd.s32 $0x20, s7;
	s19 =	sadd.s32 $0x20, s6;
	s20 =	sadd.s32 s7, s24  }
.LBB2_2:
0x61: {  	[tilespmem:s31], [sflag:$0x2] =	stream.linear.gather [hbm4b:s20+s4], $0x80, $0x38;
	[tilespmem:$0xE000] =	vst v63  }
0x62: {  	p0 =	sne.s32 s17, $0x1;
	s17 =	sadd.s32 $0xFFFFFFFF, s17;
	_ =	swait.ge [sflag:s0], $0x80  }
0x63: {  	[sflag:s0] =	ssyncset.done $0x0  }
0x64: {  	[sflag:s0] =	ssyncadd.s32 $0xFFFFFF80  }
0x65: {  	_ =	swait.ge [sflag:s0], $0x80  }
0x66: {  	[sflag:s0] =	ssyncset.done $0x0  }
0x67: {  	[sflag:s0] =	ssyncadd.s32 $0xFFFFFF80  }
0x68: {  	[tilespmem:s2], [sflag:$0x4] =	stream.indirect.gather [hbm4b:s5+s29], $0x40, s30, s29, $0xb8;
	[tilespmem:$0xE000] =	vst v63  }
0x69: {  	_ =	swait.ge [sflag:s1], $0x2000  }
0x6a: {  	[sflag:s1] =	ssyncset.done $0x0  }
0x6b: {  	[sflag:s1] =	ssyncadd.s32 $0xFFFFE000  }
0x6c: {  	[spmem:s3] =	stream.indirect.scatter.add.f32 [tilespmem:s26], [sflag:$0x5], $0x40, s29, s29, $0xb8;
	[tilespmem:$0xE000] =	vst v63  }
0x6d: {  	_ =	swait.ge [sflag:s28], $0x2000  }
0x6e: {  	[sflag:s28] =	ssyncset.done $0x0  }
0x6f: {  	s20 =	sadd.s32 s19, s25;
	[sflag:s28] =	ssyncadd.s32 $0xFFFFE000  }
0x70: {  	[tilespmem:s4], [sflag:$0x1] =	stream.linear.gather [hbm4b:s20+s4], $0x80, $0x38;
	[tilespmem:$0xE000] =	vst v63  }
0x71: {  	s20 =	sadd.s32 s18, s25  }
0x72: {  	[tilespmem:s29], [sflag:$0x1] =	stream.linear.gather [hbm4b:s20+s4], $0x80, $0x38;
	[tilespmem:$0xE000] =	vst v63  }
0x73: {  	_ =	swait.ge [sflag:s14], $0x80  }
0x74: {  	[sflag:s14] =	ssyncset.done $0x0  }
0x75: {  	[sflag:s14] =	ssyncadd.s32 $0xFFFFFF80  }
0x76: {  	_ =	swait.ge [sflag:s14], $0x80  }
0x77: {  	[sflag:s14] =	ssyncset.done $0x0  }
0x78: {  	[sflag:s14] =	ssyncadd.s32 $0xFFFFFF80  }
0x79: {  	[tilespmem:s26], [sflag:$0x3] =	stream.indirect.gather [hbm4b:s5+s29], $0x40, s4, s29, $0xb8;
	[tilespmem:$0xE000] =	vst v63  }
0x7a: {  	_ =	swait.ge [sflag:s15], $0x2000  }
0x7b: {  	[sflag:s15] =	ssyncset.done $0x0  }
0x7c: {  	[sflag:s15] =	ssyncadd.s32 $0xFFFFE000  }
0x7d: {  	[spmem:s3] =	stream.indirect.scatter.add.f32 [tilespmem:s2], [sflag:$0x5], $0x40, s31, s29, $0xb8;
	[tilespmem:$0xE000] =	vst v63  }
.Ltmp1:
0x7e: {  	_ =	swait.ge [sflag:s28], $0x2000;
	(pc) =	sbr.rel @p0 .LBB2_2-.Ltmp1, $4  }
0x7f: {  	[sflag:s28] =	ssyncset.done $0x0  }
0x80: {  	s20 =	sadd.s32 s19, s24;
	[sflag:s28] =	ssyncadd.s32 $0xFFFFE000  }
0x81: {  	[tilespmem:s30], [sflag:$0x2] =	stream.linear.gather [hbm4b:s20+s4], $0x80, $0x38;
	[tilespmem:$0xE000] =	vst v63  }
0x82: {  	s19 =	sadd.s32 $0x20, s19;
	s20 =	sadd.s32 s18, s24;
	s18 =	sadd.s32 $0x20, s18  }
.LBB2_3:
0x83: {  	[tilespmem:s31], [sflag:$0x2] =	stream.linear.gather [hbm4b:s20+s4], $0x80, $0x38;
	[tilespmem:$0xE000] =	vst v63  }
0x84: {  	_ =	swait.ge [sflag:s1], $0x2000  }
0x85: {  	[sflag:s1] =	ssyncset.done $0x0  }
0x86: {  	[sflag:s1] =	ssyncadd.s32 $0xFFFFE000  }
0x87: {  	[spmem:s3] =	stream.indirect.scatter.add.f32 [tilespmem:s26], [sflag:$0x5], $0x40, s29, s29, $0xb8;
	[tilespmem:$0xE000] =	vst v63  }
0x88: {  	_ =	swait.ge [sflag:s28], $0x2000  }
0x89: {  	[sflag:s28] =	ssyncset.done $0x0  }
0x8a: {  	[sflag:s28] =	ssyncadd.s32 $0xFFFFE000  }
0x8b: {  	_ =	swait.ge [sflag:s0], $0x80  }
0x8c: {  	[sflag:s0] =	ssyncset.done $0x0  }
0x8d: {  	[sflag:s0] =	ssyncadd.s32 $0xFFFFFF80  }
0x8e: {  	_ =	swait.ge [sflag:s0], $0x80  }
0x8f: {  	[sflag:s0] =	ssyncset.done $0x0  }
0x90: {  	s17 =	stileid.u32;
	[sflag:s0] =	ssyncadd.s32 $0xFFFFFF80  }
0x91: {  	s17 =	sshll.u32 s17, $0x6;
	[bflag:$0x0] =	sbarrier.arrive $0xFFFF  }
0x92: {  	s18 =	sshrl.u32 s8, $0x3;
	s17 =	sor.u32 $0x1C05, s17;
	s19 =	rddreg [dreg:$0x8]  }
0x93: {  	[hbm:s19], [sflag:s17] =	dma.local [spmem:s18], $0x400  }
0x94: {  	_ =	swait.ge [sflag:s28], $0x400  }
0x95: {  	[sflag:s28] =	ssyncset.done $0x0  }
0x96: {  	s19 =	sshrl.u32 s9, $0x3;
	s20 =	rddreg [dreg:$0x9];
	[sflag:s28] =	ssyncadd.s32 $0xFFFFFC00  }
0x97: {  	[hbm:s20], [sflag:s17] =	dma.local [spmem:s19], $0x400  }
0x98: {  	_ =	swait.ge [sflag:s28], $0x400  }
0x99: {  	[sflag:s28] =	ssyncset.done $0x0  }
0x9a: {  	s19 =	sshrl.u32 s10, $0x3;
	s20 =	rddreg [dreg:$0xa];
	[sflag:s28] =	ssyncadd.s32 $0xFFFFFC00  }
0x9b: {  	[hbm:s20], [sflag:s17] =	dma.local [spmem:s19], $0x400  }
0x9c: {  	_ =	swait.ge [sflag:s28], $0x400  }
0x9d: {  	[sflag:s28] =	ssyncset.done $0x0  }
0x9e: {  	s19 =	sshrl.u32 s11, $0x3;
	[sflag:s28] =	ssyncadd.s32 $0xFFFFFC00  }
0x9f: {  	[hbm:s21], [sflag:s17] =	dma.local [spmem:s19], $0x400  }
0xa0: {  	s16 =	sadd.s32 $0x1, s16;
	_ =	swait.ge [sflag:s28], $0x400  }
0xa1: {  	p0 =	sne.s32 s16, s23;
	[sflag:s28] =	ssyncset.done $0x0  }
.Ltmp2:
0xa2: {  	s20 =	sshrl.u32 s13, $0x3;
	[sflag:s28] =	ssyncadd.s32 $0xFFFFFC00;
	(pc) =	sbr.rel @p0 .LBB2_1-.Ltmp2, $4  }
0xa3: {  	[hbm:s22], [sflag:s17] =	dma.local [spmem:s20], $0x3C0  }
0xa4: {  	_ =	swait.ge [sflag:s28], $0x3C0  }
0xa5: {  	[sflag:s28] =	ssyncset.done $0x0  }
0xa6: {  	[sflag:s28] =	ssyncadd.s32 $0xFFFFFC40  }
0xa7: {  	_ =	sfence.sel $0x180000  }
0xa8: {  	[bflag:$0x0] =	sbarrier.arrive $0xFFFF  }
0xa9: {  	_ =	strace $0x9000004D  }
0xaa: {  	s0 =	stileid.u32;
	[bflag:$0x2] =	sbarrier.arrive $0xFFFF  }
0xab: {  	p0 =	sne.s32 s0, $0x0;
	s0 =	rddreg [dreg:$0x3]  }
0xac: {  	s0 =	sadd.s32 @!p0 $0x100000, s0  }
0xad: {  	[sflag:s0] =	ssyncadd.tile.s32 @!p0 $0x1;
	_ =	shalt  }
.Lfunc_end2:
_tile_overlayer_lowered:
.L_overlay_start_2:
0xae: {  	(tag) =	ssettag $0x2  }
0xaf: {  	s0 =	rddreg [dreg:$0x0];
	s2 =	stileid.u32  }
0xb0: {  	s1 =	rddreg [dreg:$0x1];
	p0 =	sne.s32 s2, $0x0  }
0xb1: {  	s3 =	rddreg [dreg:$0x2];
	[bflag:$0x3] =	sbarrier.arrive $0xFFFF;
	s2 =	simm.s32 @!p0 $0x1C05  }
0xb2: {  	[timem:s3], [sflag:s2] =	dma.local @!p0 [hbm:s0], s1  }
0xb3: {  	s0 =	simm.s32 @!p0 $0x5  }
0xb4: {  	_ =	swait.ge @!p0 [sflag:s0], s1  }
0xb5: {  	s1 =	ssub.s32 @!p0 $0x0, s1;
	[sflag:s0] =	ssyncset.done @!p0 $0x0  }
0xb6: {  	[sflag:s0] =	ssyncadd.s32 @!p0 s1  }
0xb7: {  	[bflag:$0x3] =	sbarrier.arrive $0xFFFF  }
0xb8: {  	_ =	shalt  }

// kernel: kernel.9.cloned.1.call-start
scs
__scs_entry_jumppad:
0x0: {  	(pc) =	sbr.rel $0x88, $3  }
0x1: {  	(tag) =	ssettag $0x0;
	lr =	simm.s32 $0x1  }
0x2: {  	[smem:$0x3F8A] =	sst lr;
	_ =	strace $0xD0000000  }
0x3: {  	_ = 	snop  }
0x4: {  	_ = 	snop  }
0x5: {  	_ = 	snop  }
0x6: {  	_ = 	snop  }
0x7: {  	_ = 	snop  }
__scs_overlays_trampoline_lowered:
0x8: {  	[smem:$0x3F99] =	sst s0  }
0x9: {  	[smem:$0x3F9A] =	sst s1  }
0xa: {  	[smem:$0x3F9B] =	sst s2  }
0xb: {  	[smem:$0x3F9C] =	sst s3  }
0xc: {  	[smem:$0x3F9D] =	sst s4  }
0xd: {  	[smem:$0x3F9E] =	sst s5  }
0xe: {  	[smem:$0x3F9F] =	sst s6  }
0xf: {  	[smem:$0x3FA0] =	sst s7  }
0x10: {  	[smem:$0x3FA1] =	sst s8  }
0x11: {  	[smem:$0x3FA2] =	sst s9;
	s0 =	simm.s32 @!p0 $0x0  }
0x12: {  	s1 =	sld [smem:$0x3F88];
	s0 =	simm.s32 @p0 $0x1  }
0x13: {  	[smem:$0x3FA3] =	sst s0;
	s0 =	simm.s32 @!p1 $0x0  }
0x14: {  	s2 =	sld [smem:$0x3F87];
	s0 =	simm.s32 @p1 $0x1  }
0x15: {  	[smem:$0x3FA4] =	sst s0;
	s0 =	simm.s32 @!p2 $0x0  }
0x16: {  	s3 =	sld [smem:$0x3FDB];
	s0 =	simm.s32 @p2 $0x1  }
0x17: {  	s4 =	simm.s32 $0x1BF5;
	[smem:$0x3FA6] =	sst s0  }
0x18: {  	s0 =	sld [smem:$0x3F89];
	_ =	swait.ge [sflag:s4], $0x0  }
0x19: {  	s7 =	sld [smem:$0x3F8A]  }
0x1a: {  	s8 =	sadd.s32 $0xFFFFE003, lr  }
0x1b: {  	s9 =	sadd.s32 $0xFFFFFEF7, lr;
	s5 =	simm.s32 $0xFFFFFFFF;
	p2 =	slt.u32 s8, $0xFFFFF086  }
0x1c: {  	p1 =	slt.u32 s9, $0xF7A;
	s5 =	simm.s32 @!p2 $0x0  }
0x1d: {  	s5 =	simm.s32 @p1 $0x1;
	p0 =	seq.s32 s7, s2  }
0x1e: {  	s7 =	smul.u32 @!p0 $0xF7A, s2;
	p2 =	seq.s32 @!p0 s5, $0x0  }
0x1f: {  	s9 =	smul.u32 $0xF7A, s1;
	s8 =	simm.s32 @!p0 $0x1BF5;
	p2 =	por !p2, p0  }
0x20: {  	[sflag:s8] =	ssyncset.s32 @!p0 $0xFFFFF086;
	s6 =	sadd.s32 @!p0 s3, s7;
	s7 =	simm.s32 @!p0 $0x108  }
0x21: {  	s3 =	sadd.s32 s3, s9;
	s6 =	sadd.s32 @!p0 $0x88, s6;
	s7 =	simm.s32 @p2 $0x1082  }
0x22: {  	[simem:s7], [sflag:s8] =	dma.local @!p0 [hbm:s6], $0xF7A  }
0x23: {  	s9 =	sor.u32 $0xD0000000, s2;
	s6 =	simm.s32 $0x108;
	_ =	swait.ge @!p0 [sflag:s8], $0x0  }
0x24: {  	s3 =	sadd.s32 $0x88, s3;
	s6 =	simm.s32 @!p1 $0x1082;
	[sflag:s4] =	ssyncset.s32 $0xFFFFF086  }
0x25: {  	[simem:s6], [sflag:s4] =	dma.local [hbm:s3], $0xF7A  }
0x26: {  	[smem:$0x3F8A] =	sst s1;
	(tag) =	ssettag s2;
	_ =	strace s9  }
0x27: {  	s1 =	sld [smem:$0x3F9A]  }
0x28: {  	s2 =	sld [smem:$0x3F9B]  }
0x29: {  	s4 =	sld [smem:$0x3F9D]  }
0x2a: {  	p0 =	seq.s32 s5, $0x0;
	s5 =	sld [smem:$0x3F9E]  }
0x2b: {  	s6 =	sld [smem:$0x3F9F]  }
0x2c: {  	s7 =	sld [smem:$0x3FA0]  }
0x2d: {  	s3 =	simm.s32 $0x108;
	s8 =	sld [smem:$0x3FA1]  }
0x2e: {  	s3 =	simm.s32 @!p0 $0x1082;
	s9 =	sld [smem:$0x3FA2]  }
0x2f: {  	lr =	sadd.s32 s0, s3;
	s0 =	sld [smem:$0x3F99]  }
0x30: {  	s3 =	sld [smem:$0x3F9C]  }
0x31: {  	[smem:$0x3FA5] =	sst s10  }
0x32: {  	s10 =	sld [smem:$0x3FA3];
	_ =	sdelay $0x3  }
0x33: {  	p0 =	seq.s32 s10, $0x1;
	s10 =	sld [smem:$0x3FA5];
	_ =	sdelay $0x3  }
0x34: {  	[smem:$0x3FA5] =	sst s10  }
0x35: {  	s10 =	sld [smem:$0x3FA4];
	_ =	sdelay $0x3  }
0x36: {  	p1 =	seq.s32 s10, $0x1;
	s10 =	sld [smem:$0x3FA5];
	_ =	sdelay $0x3  }
0x37: {  	[smem:$0x3FA5] =	sst s10  }
0x38: {  	s10 =	sld [smem:$0x3FA6]  }
0x39: {  	_ = 	snop;
	(pc) =	sbr.ind lr, $3  }
0x3a: {  	_ = 	snop  }
0x3b: {  	_ = 	snop  }
0x3c: {  	p2 =	seq.s32 s10, $0x1;
	s10 =	sld [smem:$0x3FA5]  }
0x3d: {  	_ =	shalt  }
0x3e: {  	_ =	shalt  }
0x3f: {  	_ =	shalt  }
0x40: {  	_ =	shalt  }
0x41: {  	_ =	shalt  }
0x42: {  	_ =	shalt  }
0x43: {  	_ =	shalt  }
0x44: {  	_ =	shalt  }
0x45: {  	_ =	shalt  }
0x46: {  	_ =	shalt  }
0x47: {  	_ =	shalt  }
0x48: {  	_ =	shalt  }
0x49: {  	_ =	shalt  }
0x4a: {  	_ =	shalt  }
0x4b: {  	_ =	shalt  }
0x4c: {  	_ =	shalt  }
0x4d: {  	_ =	shalt  }
0x4e: {  	_ =	shalt  }
0x4f: {  	_ =	shalt  }
0x50: {  	_ =	shalt  }
0x51: {  	_ =	shalt  }
0x52: {  	_ =	shalt  }
0x53: {  	_ =	shalt  }
0x54: {  	_ =	shalt  }
0x55: {  	_ =	shalt  }
0x56: {  	_ =	shalt  }
0x57: {  	_ =	shalt  }
0x58: {  	_ =	shalt  }
0x59: {  	_ =	shalt  }
0x5a: {  	_ =	shalt  }
0x5b: {  	_ =	shalt  }
0x5c: {  	_ =	shalt  }
0x5d: {  	_ =	shalt  }
0x5e: {  	_ =	shalt  }
0x5f: {  	_ =	shalt  }
0x60: {  	_ =	shalt  }
0x61: {  	_ =	shalt  }
0x62: {  	_ =	shalt  }
0x63: {  	_ =	shalt  }
0x64: {  	_ =	shalt  }
0x65: {  	_ =	shalt  }
0x66: {  	_ =	shalt  }
0x67: {  	_ =	shalt  }
0x68: {  	_ =	shalt  }
0x69: {  	_ =	shalt  }
0x6a: {  	_ =	shalt  }
0x6b: {  	_ =	shalt  }
0x6c: {  	_ =	shalt  }
0x6d: {  	_ =	shalt  }
0x6e: {  	_ =	shalt  }
0x6f: {  	_ =	shalt  }
0x70: {  	_ =	shalt  }
0x71: {  	_ =	shalt  }
0x72: {  	_ =	shalt  }
0x73: {  	_ =	shalt  }
0x74: {  	_ =	shalt  }
0x75: {  	_ =	shalt  }
0x76: {  	_ =	shalt  }
0x77: {  	_ =	shalt  }
0x78: {  	_ =	shalt  }
0x79: {  	_ =	shalt  }
0x7a: {  	_ =	shalt  }
0x7b: {  	_ =	shalt  }
0x7c: {  	_ =	shalt  }
0x7d: {  	_ =	shalt  }
0x7e: {  	_ =	shalt  }
0x7f: {  	_ =	shalt  }
0x80: {  	_ =	shalt  }
0x81: {  	_ =	shalt  }
0x82: {  	_ =	shalt  }
0x83: {  	_ =	shalt  }
0x84: {  	_ =	shalt  }
0x85: {  	_ =	shalt  }
0x86: {  	_ =	shalt  }
0x87: {  	_ =	shalt  }
.Lfunc_end0:
.L_simem_size_0:
called_computation_lowered:
.L_overlay_start_0:
0x88: {  	s2 =	sld [smem:$0x3FD9]  }
0x89: {  	s3 =	sld [smem:$0x3FFE];
	_ =	sdelay $0x1  }
0x8a: {  	s1 =	srdreg.scid  }
0x8b: {  	s0 =	sand.u32 $0x1, s1  }
0x8c: {  	s16 =	sshll.u32 s0, $0xA;
	s2 =	sadd.s32 s3, s2  }
0x8d: {  	s2 =	sadd.s32 s2, s16  }
0x8e: {  	[smem:$0x3FB1] =	sst s2  }
0x8f: {  	_ = 	snop  }
0x90: {  	(tm) =	ssettm $0x1  }
0x91: {  	s17 =	sld [smem:$0x3FFB];
	_ =	sdelay $0x3  }
0x92: {  	_ =	strace s17  }
0x93: {  	s2 =	sld [smem:$0x3FFC];
	_ =	sdelay $0x3  }
0x94: {  	_ =	strace s2  }
0x95: {  	s2 =	sld [smem:$0x3FFD];
	_ =	sdelay $0x3  }
0x96: {  	_ =	strace s2  }
0x97: {  	_ =	strace $0x8FFFFFFF  }
0x98: {  	s18 =	sld [smem:$0x3FDB];
	_ =	sdelay $0x1  }
0x99: {  	s19 =	simm.s32 $_scs_section_size  }
0x9a: {  	s4 =	simm.s32 $_size__tile_overlayer_lowered;
	s5 =	simm.s32 $_tile_overlayer_lowered  }
0x9b: {  	s22 =	simm.s32 $0x1BFF;
	s21 =	sshll.u32 s5, $0x1;
	s2 =	sadd.s32 s19, s18  }
0x9c: {  	s6 =	simm.s32 $0x0;
	s20 =	sshll.u32 s4, $0x1;
	s4 =	sadd.s32 s21, s2  }
0x9d: {  	[timem:s6], [sflag:s22] =	dma.local [hbm:s4], s20  }
0x9e: {  	_ =	swait.ge [sflag:s22], s20  }
0x9f: {  	s3 =	ssub.s32 $0x0, s20;
	[sflag:s22] =	ssyncset.done $0x0  }
0xa0: {  	[sflag:s22] =	ssyncadd.s32 s3;
	_ =	sdelay $0x1  }
0xa1: {  	s23 =	simm.s32 $0x1B8B  }
0xa2: {  	_ =	swait.ge [sflag:s23], $0x1  }
0xa3: {  	[sflag:s23] =	ssyncset.done $0x0  }
0xa4: {  	s25 =	simm.s32 $0x1B8E;
	s24 =	sld [smem:$0x3FFE];
	[sflag:s23] =	ssyncadd.s32 $0xFFFFFFFF  }
0xa5: {  	s26 =	simm.s32 $execute0_lowered;
	[smem:$0x3FD2] =	sst s25  }
0xa6: {  	s4 =	sshll.u32 s26, $0x1;
	_ =	strace $0x80000046;
	[dreg:$0x1] =	wrdreg $0xFFFFFFFF  }
0xa7: {  	s28 =	simm.s32 $_size_execute0_lowered;
	s2 =	sadd.s32 s2, s4;
	[dreg:$0x0] =	wrdreg $0x0  }
0xa8: {  	s4 =	sshll.u32 s28, $0x1;
	[dreg:$0x2] =	wrdreg s2  }
0xa9: {  	[dreg:$0x3] =	wrdreg s4  }
0xaa: {  	[dreg:$0x4] =	wrdreg $0xC0  }
0xab: {  	_ =	task [dreg:s6], $0x5FFFF  }
0xac: {  	[dreg:$0x1] =	wrdreg $0xFFFFFFFF  }
0xad: {  	[dreg:$0x0] =	wrdreg $0x60  }
0xae: {  	[dreg:$0x2] =	wrdreg s24  }
0xaf: {  	[dreg:$0x3] =	wrdreg $0x82000  }
0xb0: {  	[dreg:$0x4] =	wrdreg $0x9  }
0xb1: {  	_ =	task.clear_ibuf [dreg:s6], $0x5FFFF;
	_ =	strace $0x90000046  }
0xb2: {  	s29 =	simm.s32 $0x9;
	_ =	strace $0x80000048  }
0xb3: {  	_ =	swait.ge [sflag:s29], $0x1  }
0xb4: {  	[sflag:s29] =	ssyncadd.s32 $0xFFFFFFFF  }
0xb5: {  	_ =	strace $0x90000048  }
0xb6: {  	_ =	sfence  }
0xb7: {  	s30 =	sld [smem:$0x0];
	_ =	sdelay $0x2  }
0xb8: {  	s31 =	sshll.u32 s1, $0xD;
	s1 =	sshrl.u32 s1, $0x2  }
0xb9: {  	s3 =	sand.u32 $0x4000, s31;
	s1 =	sadd.s32 s1, s30  }
0xba: {  	s0 =	sor.u32 s3, s0;
	s1 =	sshll.u32 s1, $0x11  }
0xbb: {  	s0 =	sor.u32 s1, s0  }
0xbc: {  	s0 =	sadd.s32 $0x8F2B, s0  }
0xbd: {  	[sflag:s0] =	ssyncadd.remote.s32 $0x1  }
0xbe: {  	_ =	sfence.sel $0xFFFF  }
0xbf: {  	[dreg:$0x0] =	wrdreg $0xFFFFFFFF;
	(pc) =	sbr.abs _section_cstart, $3  }
0xc0: {  	[dreg:$0x1] =	wrdreg $0xFFFFFFFF  }
0xc1: {  	_ =	task.clear_ibuf [dreg:s6], $0x2FFFF;
	_ =	strace $0x9FFFFFFF  }
0xc2: {  	(tm) =	ssettm $0x7FFFFFFF  }
0xc3: {  	_ =	shalt  }
tec
execute0_lowered:
.L_overlay_start_1:
0x0: {  	(tag) =	ssettag $0x1  }
0x1: {  	s0 =	rddreg [dreg:$0x0]  }
0x2: {  	s2 =	rddreg [dreg:$0x1]  }
0x3: {  	s1 =	srdreg.scid;
	s10 =	stileid.u32  }
0x4: {  	s3 =	simm.s32 $0x0;
	s28 =	simm.s32 $0x5;
	s29 =	simm.s32 $0x80  }
0x5: {  	s30 =	simm.s32 $0x100;
	s31 =	simm.s32 $0x180;
	s6 =	smul.u32 $0x278, s10  }
0x6: {  	s16 =	simm.s32 $0x0;
	s1 =	sand.u32 $0x1, s1;
	s8 =	smul.u32 $0x4F000, s10  }
0x7: {  	[smem:$0x7FF] =	sst s3;
	s4 =	sadd.s32 $0x18400, s0;
	s11 =	smul.u32 $0xD80, s10  }
0x8: {  	s5 =	sadd.s32 $0xE400, s0;
	s9 =	sadd.s32 $0x3F600, s0;
	s12 =	smul.u32 $0x4180, s10  }
0x9: {  	s7 =	smul.u32 $0x2780, s1;
	_ =	strace $0x80000047;
	[dreg:$0x3] =	wrdreg s9  }
0xa: {  	s20 =	ssub.s32 $0x2, s1;
	p0 =	seq.s32 s1, $0x0;
	s8 =	sshrl.u32 s8, $0x2  }
0xb: {  	s21 =	sshrl.u32 s20, $0x1;
	s1 =	sadd.s32 $0x41800, s11;
	s7 =	sadd.s32 s6, s7  }
0xc: {  	s6 =	sadd.s32 $0x4400, s0;
	s8 =	sadd.s32 s8, s2;
	s1 =	smov.u32 @p0 s12  }
0xd: {  	s12 =	simm.s32 $0x41;
	s7 =	sshll.u32 s7, $0x4;
	s9 =	sadd.s32 $0x4000, s8  }
0xe: {  	s10 =	sadd.s32 $0x8000, s8;
	s11 =	sadd.s32 $0xC000, s8;
	s1 =	sshrl.u32 s1, $0x3  }
0xf: {  	s13 =	sadd.s32 $0x10000, s8;
	s12 =	simm.s32 @!p0 $0xD;
	s14 =	sadd.s32 s5, s1  }
0x10: {  	s22 =	sadd.s32 s6, s1;
	s23 =	sadd.s32 $0x10, s1;
	[dreg:$0x4] =	wrdreg s14  }
0x11: {  	s0 =	sadd.s32 s7, s0;
	[dreg:$0x5] =	wrdreg s22;
	s15 =	sadd.s32 s5, s23  }
0x12: {  	s7 =	ssub.s32 s20, s21;
	s14 =	sadd.s32 s6, s23;
	[dreg:$0x6] =	wrdreg s15  }
0x13: {  	s24 =	sadd.s32 $0x3FE00, s0;
	s25 =	sadd.s32 $0x40600, s0;
	[dreg:$0x7] =	wrdreg s14  }
0x14: {  	s26 =	sadd.s32 $0x40E00, s0;
	s21 =	sadd.s32 $0x41600, s0;
	[dreg:$0x8] =	wrdreg s24  }
0x15: {  	s22 =	sadd.s32 $0x41E00, s0;
	s23 =	smax.u32 s7, $0x1;
	[dreg:$0x9] =	wrdreg s25  }
0x16: {  	s0 =	simm.s32 $0x2;
	s7 =	simm.s32 $0x3;
	[dreg:$0xa] =	wrdreg s26  }
0x17: {  	s24 =	sadd.s32 $0x30, s1;
	s25 =	sadd.s32 $0x20, s1;
	s26 =	simm.s32 $0x200  }
0x18: {  	s1 =	simm.s32 $0x4200;
	s14 =	simm.s32 $0x1;
	s15 =	simm.s32 $0x4  }
.LBB2_1:
0x19: {  	s17 =	rddreg [dreg:$0x3]  }
0x1a: {  	[tilespmem:s26], [sflag:$0x5] =	stream.linear.gather [hbm4b:s17+s3], $0x4000, $0x38;
	[tilespmem:$0x1BE00] =	vst v63  }
0x1b: {  	_ =	swait.ge [sflag:s28], $0x4000  }
0x1c: {  	[sflag:s28] =	ssyncset.done $0x0  }
0x1d: {  	[sflag:s28] =	ssyncadd.s32 $0xFFFFC000  }
0x1e: {  	[spmem:s8] =	stream.linear.scatter [tilespmem:s26], [sflag:$0x5], $0x4000, $0x38;
	[tilespmem:$0x1BE00] =	vst v63  }
0x1f: {  	_ =	swait.ge [sflag:s28], $0x4000  }
0x20: {  	[sflag:s28] =	ssyncset.done $0x0  }
0x21: {  	[sflag:s28] =	ssyncadd.s32 $0xFFFFC000  }
0x22: {  	[spmem:s9] =	stream.linear.scatter [tilespmem:s26], [sflag:$0x5], $0x4000, $0x38;
	[tilespmem:$0x1BE00] =	vst v63  }
0x23: {  	_ =	swait.ge [sflag:s28], $0x4000  }
0x24: {  	[sflag:s28] =	ssyncset.done $0x0  }
0x25: {  	[sflag:s28] =	ssyncadd.s32 $0xFFFFC000  }
0x26: {  	[spmem:s10] =	stream.linear.scatter [tilespmem:s26], [sflag:$0x5], $0x4000, $0x38;
	[tilespmem:$0x1BE00] =	vst v63  }
0x27: {  	_ =	swait.ge [sflag:s28], $0x4000  }
0x28: {  	[sflag:s28] =	ssyncset.done $0x0  }
0x29: {  	[sflag:s28] =	ssyncadd.s32 $0xFFFFC000  }
0x2a: {  	[spmem:s11] =	stream.linear.scatter [tilespmem:s26], [sflag:$0x5], $0x4000, $0x38;
	[tilespmem:$0x1BE00] =	vst v63  }
0x2b: {  	_ =	swait.ge [sflag:s28], $0x4000  }
0x2c: {  	[sflag:s28] =	ssyncset.done $0x0  }
0x2d: {  	[sflag:s28] =	ssyncadd.s32 $0xFFFFC000  }
0x2e: {  	[spmem:s13] =	stream.linear.scatter [tilespmem:s26], [sflag:$0x5], $0x3C00, $0x38;
	[tilespmem:$0x1BE00] =	vst v63  }
0x2f: {  	_ =	swait.ge [sflag:s28], $0x3C00  }
0x30: {  	[sflag:s28] =	ssyncset.done $0x0  }
0x31: {  	[sflag:s28] =	ssyncadd.s32 $0xFFFFC400  }
0x32: {  	[bflag:$0x0] =	sbarrier.arrive $0xFFFF  }
0x33: {  	s20 =	rddreg [dreg:$0x4]  }
0x34: {  	[tilespmem:s3], [sflag:$0x5] =	stream.linear.gather [hbm4b:s20+s3], $0x80, $0x38;
	[tilespmem:$0x1BE00] =	vst v63  }
0x35: {  	_ =	swait.ge [sflag:s28], $0x80  }
0x36: {  	[sflag:s28] =	ssyncset.done $0x0  }
0x37: {  	s18 =	rddreg [dreg:$0x5];
	[sflag:s28] =	ssyncadd.s32 $0xFFFFFF80  }
0x38: {  	[tilespmem:s29], [sflag:$0x5] =	stream.linear.gather [hbm4b:s18+s3], $0x80, $0x38;
	[tilespmem:$0x1BE00] =	vst v63  }
0x39: {  	_ =	swait.ge [sflag:s28], $0x80  }
0x3a: {  	[sflag:s28] =	ssyncset.done $0x0  }
0x3b: {  	[sflag:s28] =	ssyncadd.s32 $0xFFFFFF80  }
0x3c: {  	[tilespmem:s26], [sflag:$0x3] =	stream.indirect.gather [hbm4b:s4+s29], $0x80, s3, s29, $0xb8;
	[tilespmem:$0x1BE00] =	vst v63  }
0x3d: {  	s19 =	rddreg [dreg:$0x6]  }
0x3e: {  	[tilespmem:s30], [sflag:$0x2] =	stream.linear.gather [hbm4b:s19+s3], $0x80, $0x38;
	[tilespmem:$0x1BE00] =	vst v63  }
0x3f: {  	s20 =	rddreg [dreg:$0x7]  }
0x40: {  	[tilespmem:s31], [sflag:$0x2] =	stream.linear.gather [hbm4b:s20+s3], $0x80, $0x38;
	[tilespmem:$0x1BE00] =	vst v63  }
0x41: {  	_ =	swait.ge [sflag:s0], $0x80  }
0x42: {  	[sflag:s0] =	ssyncset.done $0x0  }
0x43: {  	[sflag:s0] =	ssyncadd.s32 $0xFFFFFF80  }
0x44: {  	_ =	swait.ge [sflag:s0], $0x80  }
0x45: {  	[sflag:s0] =	ssyncset.done $0x0  }
0x46: {  	[sflag:s0] =	ssyncadd.s32 $0xFFFFFF80  }
0x47: {  	[tilespmem:s1], [sflag:$0x4] =	stream.indirect.gather [hbm4b:s4+s29], $0x80, s30, s29, $0xb8;
	[tilespmem:$0x1BE00] =	vst v63  }
0x48: {  	_ =	swait.ge [sflag:s7], $0x4000  }
0x49: {  	[sflag:s7] =	ssyncset.done $0x0  }
0x4a: {  	[sflag:s7] =	ssyncadd.s32 $0xFFFFC000  }
0x4b: {  	[spmem:s2] =	stream.indirect.scatter.add.f32 [tilespmem:s26], [sflag:$0x5], $0x80, s29, s29, $0xb8;
	[tilespmem:$0x1BE00] =	vst v63  }
0x4c: {  	_ =	swait.ge [sflag:s28], $0x4000  }
0x4d: {  	[sflag:s28] =	ssyncset.done $0x0  }
0x4e: {  	s18 =	sadd.s32 s5, s25;
	[sflag:s28] =	ssyncadd.s32 $0xFFFFC000  }
0x4f: {  	[tilespmem:s3], [sflag:$0x1] =	stream.linear.gather [hbm4b:s18+s3], $0x80, $0x38;
	[tilespmem:$0x1BE00] =	vst v63  }
0x50: {  	s19 =	sadd.s32 s6, s25  }
0x51: {  	[tilespmem:s29], [sflag:$0x1] =	stream.linear.gather [hbm4b:s19+s3], $0x80, $0x38;
	[tilespmem:$0x1BE00] =	vst v63  }
0x52: {  	_ =	swait.ge [sflag:s14], $0x80  }
0x53: {  	[sflag:s14] =	ssyncset.done $0x0  }
0x54: {  	[sflag:s14] =	ssyncadd.s32 $0xFFFFFF80  }
0x55: {  	_ =	swait.ge [sflag:s14], $0x80  }
0x56: {  	[sflag:s14] =	ssyncset.done $0x0  }
0x57: {  	[sflag:s14] =	ssyncadd.s32 $0xFFFFFF80  }
0x58: {  	[tilespmem:s26], [sflag:$0x3] =	stream.indirect.gather [hbm4b:s4+s29], $0x80, s3, s29, $0xb8;
	[tilespmem:$0x1BE00] =	vst v63  }
0x59: {  	_ =	swait.ge [sflag:s15], $0x4000  }
0x5a: {  	[sflag:s15] =	ssyncset.done $0x0  }
0x5b: {  	p0 =	sne.s32 s12, $0x1;
	[sflag:s15] =	ssyncadd.s32 $0xFFFFC000  }
0x5c: {  	[spmem:s2] =	stream.indirect.scatter.add.f32 [tilespmem:s1], [sflag:$0x5], $0x80, s31, s29, $0xb8;
	[tilespmem:$0x1BE00] =	vst v63  }
.Ltmp0:
0x5d: {  	_ =	swait.ge [sflag:s28], $0x4000;
	(pc) =	sbr.rel @!p0 .LBB2_3-.Ltmp0, $4  }
0x5e: {  	[sflag:s28] =	ssyncset.done $0x0  }
0x5f: {  	s17 =	sadd.s32 $0xFFFFFFFF, s12;
	s20 =	sadd.s32 s5, s24;
	[sflag:s28] =	ssyncadd.s32 $0xFFFFC000  }
0x60: {  	[tilespmem:s30], [sflag:$0x2] =	stream.linear.gather [hbm4b:s20+s3], $0x80, $0x38;
	[tilespmem:$0x1BE00] =	vst v63  }
0x61: {  	s18 =	sadd.s32 $0x20, s6;
	s19 =	sadd.s32 $0x20, s5;
	s20 =	sadd.s32 s6, s24  }
.LBB2_2:
0x62: {  	[tilespmem:s31], [sflag:$0x2] =	stream.linear.gather [hbm4b:s20+s3], $0x80, $0x38;
	[tilespmem:$0x1BE00] =	vst v63  }
0x63: {  	p0 =	sne.s32 s17, $0x1;
	s17 =	sadd.s32 $0xFFFFFFFF, s17;
	_ =	swait.ge [sflag:s0], $0x80  }
0x64: {  	[sflag:s0] =	ssyncset.done $0x0  }
0x65: {  	[sflag:s0] =	ssyncadd.s32 $0xFFFFFF80  }
0x66: {  	_ =	swait.ge [sflag:s0], $0x80  }
0x67: {  	[sflag:s0] =	ssyncset.done $0x0  }
0x68: {  	[sflag:s0] =	ssyncadd.s32 $0xFFFFFF80  }
0x69: {  	[tilespmem:s1], [sflag:$0x4] =	stream.indirect.gather [hbm4b:s4+s29], $0x80, s30, s29, $0xb8;
	[tilespmem:$0x1BE00] =	vst v63  }
0x6a: {  	_ =	swait.ge [sflag:s7], $0x4000  }
0x6b: {  	[sflag:s7] =	ssyncset.done $0x0  }
0x6c: {  	[sflag:s7] =	ssyncadd.s32 $0xFFFFC000  }
0x6d: {  	[spmem:s2] =	stream.indirect.scatter.add.f32 [tilespmem:s26], [sflag:$0x5], $0x80, s29, s29, $0xb8;
	[tilespmem:$0x1BE00] =	vst v63  }
0x6e: {  	_ =	swait.ge [sflag:s28], $0x4000  }
0x6f: {  	[sflag:s28] =	ssyncset.done $0x0  }
0x70: {  	s20 =	sadd.s32 s19, s25;
	[sflag:s28] =	ssyncadd.s32 $0xFFFFC000  }
0x71: {  	[tilespmem:s3], [sflag:$0x1] =	stream.linear.gather [hbm4b:s20+s3], $0x80, $0x38;
	[tilespmem:$0x1BE00] =	vst v63  }
0x72: {  	s20 =	sadd.s32 s18, s25  }
0x73: {  	[tilespmem:s29], [sflag:$0x1] =	stream.linear.gather [hbm4b:s20+s3], $0x80, $0x38;
	[tilespmem:$0x1BE00] =	vst v63  }
0x74: {  	_ =	swait.ge [sflag:s14], $0x80  }
0x75: {  	[sflag:s14] =	ssyncset.done $0x0  }
0x76: {  	[sflag:s14] =	ssyncadd.s32 $0xFFFFFF80  }
0x77: {  	_ =	swait.ge [sflag:s14], $0x80  }
0x78: {  	[sflag:s14] =	ssyncset.done $0x0  }
0x79: {  	[sflag:s14] =	ssyncadd.s32 $0xFFFFFF80  }
0x7a: {  	[tilespmem:s26], [sflag:$0x3] =	stream.indirect.gather [hbm4b:s4+s29], $0x80, s3, s29, $0xb8;
	[tilespmem:$0x1BE00] =	vst v63  }
0x7b: {  	_ =	swait.ge [sflag:s15], $0x4000  }
0x7c: {  	[sflag:s15] =	ssyncset.done $0x0  }
0x7d: {  	[sflag:s15] =	ssyncadd.s32 $0xFFFFC000  }
0x7e: {  	[spmem:s2] =	stream.indirect.scatter.add.f32 [tilespmem:s1], [sflag:$0x5], $0x80, s31, s29, $0xb8;
	[tilespmem:$0x1BE00] =	vst v63  }
.Ltmp1:
0x7f: {  	_ =	swait.ge [sflag:s28], $0x4000;
	(pc) =	sbr.rel @p0 .LBB2_2-.Ltmp1, $4  }
0x80: {  	[sflag:s28] =	ssyncset.done $0x0  }
0x81: {  	s20 =	sadd.s32 s19, s24;
	[sflag:s28] =	ssyncadd.s32 $0xFFFFC000  }
0x82: {  	[tilespmem:s30], [sflag:$0x2] =	stream.linear.gather [hbm4b:s20+s3], $0x80, $0x38;
	[tilespmem:$0x1BE00] =	vst v63  }
0x83: {  	s19 =	sadd.s32 $0x20, s19;
	s20 =	sadd.s32 s18, s24;
	s18 =	sadd.s32 $0x20, s18  }
.LBB2_3:
0x84: {  	[tilespmem:s31], [sflag:$0x2] =	stream.linear.gather [hbm4b:s20+s3], $0x80, $0x38;
	[tilespmem:$0x1BE00] =	vst v63  }
0x85: {  	_ =	swait.ge [sflag:s7], $0x4000  }
0x86: {  	[sflag:s7] =	ssyncset.done $0x0  }
0x87: {  	[sflag:s7] =	ssyncadd.s32 $0xFFFFC000  }
0x88: {  	[spmem:s2] =	stream.indirect.scatter.add.f32 [tilespmem:s26], [sflag:$0x5], $0x80, s29, s29, $0xb8;
	[tilespmem:$0x1BE00] =	vst v63  }
0x89: {  	_ =	swait.ge [sflag:s28], $0x4000  }
0x8a: {  	[sflag:s28] =	ssyncset.done $0x0  }
0x8b: {  	[sflag:s28] =	ssyncadd.s32 $0xFFFFC000  }
0x8c: {  	_ =	swait.ge [sflag:s0], $0x80  }
0x8d: {  	[sflag:s0] =	ssyncset.done $0x0  }
0x8e: {  	[sflag:s0] =	ssyncadd.s32 $0xFFFFFF80  }
0x8f: {  	_ =	swait.ge [sflag:s0], $0x80  }
0x90: {  	[sflag:s0] =	ssyncset.done $0x0  }
0x91: {  	s17 =	stileid.u32;
	[sflag:s0] =	ssyncadd.s32 $0xFFFFFF80  }
0x92: {  	s17 =	sshll.u32 s17, $0x6;
	[bflag:$0x0] =	sbarrier.arrive $0xFFFF  }
0x93: {  	s18 =	sshrl.u32 s8, $0x3;
	s17 =	sor.u32 $0x1C05, s17;
	s19 =	rddreg [dreg:$0x8]  }
0x94: {  	[hbm:s19], [sflag:s17] =	dma.local [spmem:s18], $0x800  }
0x95: {  	_ =	swait.ge [sflag:s28], $0x800  }
0x96: {  	[sflag:s28] =	ssyncset.done $0x0  }
0x97: {  	s19 =	sshrl.u32 s9, $0x3;
	s20 =	rddreg [dreg:$0x9];
	[sflag:s28] =	ssyncadd.s32 $0xFFFFF800  }
0x98: {  	[hbm:s20], [sflag:s17] =	dma.local [spmem:s19], $0x800  }
0x99: {  	_ =	swait.ge [sflag:s28], $0x800  }
0x9a: {  	[sflag:s28] =	ssyncset.done $0x0  }
0x9b: {  	s19 =	sshrl.u32 s10, $0x3;
	s20 =	rddreg [dreg:$0xa];
	[sflag:s28] =	ssyncadd.s32 $0xFFFFF800  }
0x9c: {  	[hbm:s20], [sflag:s17] =	dma.local [spmem:s19], $0x800  }
0x9d: {  	_ =	swait.ge [sflag:s28], $0x800  }
0x9e: {  	[sflag:s28] =	ssyncset.done $0x0  }
0x9f: {  	s19 =	sshrl.u32 s11, $0x3;
	[sflag:s28] =	ssyncadd.s32 $0xFFFFF800  }
0xa0: {  	[hbm:s21], [sflag:s17] =	dma.local [spmem:s19], $0x800  }
0xa1: {  	s16 =	sadd.s32 $0x1, s16;
	_ =	swait.ge [sflag:s28], $0x800  }
0xa2: {  	p0 =	sne.s32 s16, s23;
	[sflag:s28] =	ssyncset.done $0x0  }
.Ltmp2:
0xa3: {  	s20 =	sshrl.u32 s13, $0x3;
	[sflag:s28] =	ssyncadd.s32 $0xFFFFF800;
	(pc) =	sbr.rel @p0 .LBB2_1-.Ltmp2, $4  }
0xa4: {  	[hbm:s22], [sflag:s17] =	dma.local [spmem:s20], $0x780  }
0xa5: {  	_ =	swait.ge [sflag:s28], $0x780  }
0xa6: {  	[sflag:s28] =	ssyncset.done $0x0  }
0xa7: {  	[sflag:s28] =	ssyncadd.s32 $0xFFFFF880  }
0xa8: {  	_ =	sfence.sel $0x180000  }
0xa9: {  	[bflag:$0x0] =	sbarrier.arrive $0xFFFF  }
0xaa: {  	_ =	strace $0x90000047  }
0xab: {  	s0 =	stileid.u32;
	[bflag:$0x2] =	sbarrier.arrive $0xFFFF  }
0xac: {  	p0 =	sne.s32 s0, $0x0;
	s0 =	rddreg [dreg:$0x2]  }
0xad: {  	s0 =	sadd.s32 @!p0 $0x100000, s0  }
0xae: {  	[sflag:s0] =	ssyncadd.tile.s32 @!p0 $0x1;
	_ =	shalt  }
.Lfunc_end2:
_tile_overlayer_lowered:
.L_overlay_start_2:
0xaf: {  	(tag) =	ssettag $0x2  }
0xb0: {  	s0 =	rddreg [dreg:$0x0];
	s2 =	stileid.u32  }
0xb1: {  	s1 =	rddreg [dreg:$0x1];
	p0 =	sne.s32 s2, $0x0  }
0xb2: {  	s3 =	rddreg [dreg:$0x2];
	[bflag:$0x3] =	sbarrier.arrive $0xFFFF;
	s2 =	simm.s32 @!p0 $0x1C05  }
0xb3: {  	[timem:s3], [sflag:s2] =	dma.local @!p0 [hbm:s0], s1  }
0xb4: {  	s0 =	simm.s32 @!p0 $0x5  }
0xb5: {  	_ =	swait.ge @!p0 [sflag:s0], s1  }
0xb6: {  	s1 =	ssub.s32 @!p0 $0x0, s1;
	[sflag:s0] =	ssyncset.done @!p0 $0x0  }
0xb7: {  	[sflag:s0] =	ssyncadd.s32 @!p0 s1  }
0xb8: {  	[bflag:$0x3] =	sbarrier.arrive $0xFFFF  }
0xb9: {  	_ =	shalt  }

</sc_bundles>
